<compile_context>
chip_gen: v7x
topology: tpu7x:2x2x1
jax: 0.10.2.dev20260603
libtpu: 0.0.44.dev20260713+nightly
codegen_flags: <defaults>
</compile_context>

<pallas_src>
import functools

import jax
import jax.numpy as jnp
from jax import lax
from jax.experimental import pallas as pl
from jax.experimental.pallas import tpu as pltpu
from jax.experimental.pallas import tpu_sc as plsc

MINUTE = 289
WEEK = 8
D = 64
L = 50
B = 16384
N = B * L
NW = 32
C = 128
FUSED = MINUTE * WEEK


def _fuse_tables(day, week):
    def body(day_ref, week_ref, out_ref):
        out_ref[...] = week_ref[...][:, None, :] + day_ref[...][None, :, :]

    return pl.pallas_call(
        body,
        out_shape=jax.ShapeDtypeStruct((WEEK, MINUTE, D), jnp.float32),
    )(day, week)


G = 4
BG = B // G
NG = BG * L


def _fuse_idx(xd, xw, g):
    RIN = 2048
    base = g * (BG // RIN)

    def body(xd_ref, xw_ref, out_ref):
        out_ref[...] = xw_ref[...] * MINUTE + xd_ref[...]

    return pl.pallas_call(
        body,
        grid=(BG // RIN,),
        in_specs=[
            pl.BlockSpec((RIN, L), lambda i: (i + base, 0)),
            pl.BlockSpec((RIN, L), lambda i: (i + base, 0)),
        ],
        out_specs=pl.BlockSpec((RIN, L), lambda i: (i, 0)),
        out_shape=jax.ShapeDtypeStruct((BG, L), jnp.int32),
    )(xd, xw)


PW = NG // NW
NCH = PW // C
NB = 5
SK = 2
NBLK = NCH // NB


def _sc_body(fused_hbm, idx_hbm, out_hbm, idxf, rows, *sems):
    gsems = sems[:NB]
    ssems = sems[NB:]
    wid = lax.axis_index("s") * 2 + lax.axis_index("c")
    rbase = wid * NCH
    obase = wid * PW

    pltpu.sync_copy(idx_hbm.at[pl.ds(rbase, NCH)], idxf)

    def gather_start(b, c):
        pltpu.async_copy(fused_hbm.at[idxf.at[c]], rows.at[b], gsems[b])

    def gather_wait(b, c):
        pltpu.make_async_copy(fused_hbm.at[idxf.at[c]], rows.at[b],
                              gsems[b]).wait()

    def scatter_start(b, c):
        pltpu.async_copy(rows.at[b],
                         out_hbm.at[pl.ds(obase + c * C, C), pl.ds(0, D)],
                         ssems[b])

    def scatter_wait(b):
        pltpu.make_async_copy(rows.at[b],
                              out_hbm.at[pl.ds(obase, C), pl.ds(0, D)],
                              ssems[b]).wait()

    def blk(k, carry):
        for t in range(NB):
            j = k * NB + t

            @pl.when(k >= 1)
            def _():
                scatter_wait(t)

            @pl.when(k < NBLK)
            def _():
                gather_start(t, j)

            bb = (t - SK) % NB
            c = j - SK
            guard = (k < NBLK) if t >= SK else (k >= 1)

            @pl.when(guard)
            def _():
                gather_wait(bb, c)
                scatter_start(bb, c)
        return carry

    lax.fori_loop(0, NBLK + 1, blk, 0)


def _sc_gather(fused, idx2):
    mesh = plsc.VectorSubcoreMesh(core_axis_name="c", subcore_axis_name="s")
    run = functools.partial(
        pl.kernel,
        mesh=mesh,
        compiler_params=pltpu.CompilerParams(use_tc_tiling_on_sc=False),
        out_type=jax.ShapeDtypeStruct((NG, 128), jnp.float32),
        scratch_types=[
            pltpu.VMEM((NCH, C), jnp.int32),
            pltpu.VMEM((NB, C, D), jnp.float32),
        ] + [pltpu.SemaphoreType.DMA] * (2 * NB),
    )(_sc_body)
    return run(fused, idx2)


def _to_blayout(x2, g, prev=None):
    BBB = 256
    base = g * (BG // BBB)

    def body(in_ref, *rest):
        out_ref = rest[-1]
        x = in_ref[...]
        x = x.reshape(BBB, L, 128)[:, :, :D]
        x = jnp.transpose(x, (1, 0, 2))
        out_ref[...] = jnp.swapaxes(x, 1, 2)

    in_specs = [pl.BlockSpec((BBB * L, 128), lambda i: (i, 0))]
    args = [x2]
    aliases = {}
    if prev is not None:
        in_specs.append(pl.BlockSpec(memory_space=pl.ANY))
        args.append(prev)
        aliases = {1: 0}

    return pl.pallas_call(
        body,
        grid=(BG // BBB,),
        in_specs=in_specs,
        out_specs=pl.BlockSpec((L, D, BBB), lambda i: (0, 0, i + base)),
        out_shape=jax.ShapeDtypeStruct((L, D, B), jnp.float32),
        input_output_aliases=aliases,
    )(*args)


@jax.jit
def kernel(x_day, x_week, daytime_table, weekday_table):
    fused = _fuse_tables(daytime_table, weekday_table).reshape(FUSED, D)
    out_t = None
    for g in range(G):
        idx2 = _fuse_idx(x_day, x_week, g).reshape(NG // C, C)
        out2 = _sc_gather(fused, idx2)
        out_t = _to_blayout(out2, g, out_t)
    return jnp.transpose(out_t, (2, 0, 1))

# --- scband reference (transcript-rebuilt; emitter-appended) ---
"""Pipeline reference for scband-time-period-emb-75986561401361 (READ-ONLY COPY).

The authoritative reference and input builder live on the scoring server;
editing this copy changes nothing except your own understanding.
"""

import jax, jax.numpy as jnp
import numpy as np

MINUTE_SIZE = 289
WEEKDAY_SIZE = 8
EMB_DIM = 64
B = 16384
L = 50

def setup_inputs(seed: int = 0) -> dict:
    key = jax.random.key(seed)
    k1, k2, k3, k4 = jax.random.split(key, 4)
    x_day = jax.random.randint(k1, (B, L), 0, MINUTE_SIZE, dtype=jnp.int64 if jax.config.jax_enable_x64 else jnp.int32).astype(jnp.int32)
    x_week = jax.random.randint(k2, (B, L), 0, WEEKDAY_SIZE, dtype=jnp.int32)
    daytime_table = jax.random.normal(k3, (MINUTE_SIZE, EMB_DIM), dtype=jnp.float32)
    weekday_table = jax.random.normal(k4, (WEEKDAY_SIZE, EMB_DIM), dtype=jnp.float32)
    return {"x_day": x_day, "x_week": x_week, "daytime_table": daytime_table, "weekday_table": weekday_table}

def reference(x_day, x_week, daytime_table, weekday_table):
    out_day = jnp.take(daytime_table, x_day, axis=0)
    out_week = jnp.take(weekday_table, x_week, axis=0)
    return out_day + out_week

if __name__ == "__main__":
    import jax
    _d = setup_inputs()
    print(jax.jit(kernel)(*tuple(_d.values())))

</pallas_src>

<mosaic_0001>
#map = affine_map<(d0, d1) -> (0, 0)>
module attributes {stable_mosaic.version = 14 : i64} {
  func.func @_sc_body(%arg0: i32, %arg1: i32, %arg2: memref<2312x64xf32, #tpu.memory_space<hbm>>, %arg3: memref<1600x128xi32, #tpu.memory_space<hbm>>, %arg4: memref<204800x128xf32, #tpu.memory_space<hbm>>, %arg5: memref<50x128xi32, #tpu.memory_space<vmem>>, %arg6: memref<5x128x64xf32, #tpu.memory_space<vmem>>, %arg7: memref<!tpu.dma_semaphore, #tpu.memory_space<semaphore_mem>>, %arg8: memref<!tpu.dma_semaphore, #tpu.memory_space<semaphore_mem>>, %arg9: memref<!tpu.dma_semaphore, #tpu.memory_space<semaphore_mem>>, %arg10: memref<!tpu.dma_semaphore, #tpu.memory_space<semaphore_mem>>, %arg11: memref<!tpu.dma_semaphore, #tpu.memory_space<semaphore_mem>>, %arg12: memref<!tpu.dma_semaphore, #tpu.memory_space<semaphore_mem>>, %arg13: memref<!tpu.dma_semaphore, #tpu.memory_space<semaphore_mem>>, %arg14: memref<!tpu.dma_semaphore, #tpu.memory_space<semaphore_mem>>, %arg15: memref<!tpu.dma_semaphore, #tpu.memory_space<semaphore_mem>>, %arg16: memref<!tpu.dma_semaphore, #tpu.memory_space<semaphore_mem>>) attributes {dimension_semantics = [#tpu.dimension_semantics<core_parallel>, #tpu.dimension_semantics<subcore_parallel>], iteration_bounds = array<i64: 2, 16>, scalar_prefetch = 0 : i64, scratch_operands = 12 : i64, tpu.core_type = #tpu.core_type<sc_vector_subcore>, window_params = [{transform_indices = #map}, {transform_indices = #map}, {transform_indices = #map}]} {
    %mul3A = arith.constant 2 : i32
    %mul3A_0 = arith.muli %arg1, %mul3A : i32
    %add3A = arith.addi %mul3A_0, %arg0 : i32
    %mul3A_1 = arith.constant 50 : i32
    %mul3A_2 = arith.muli %add3A, %mul3A_1 : i32
    %mul3A_3 = arith.constant 6400 : i32
    %mul3A_4 = arith.muli %add3A, %mul3A_3 : i32
    "tpu.region"() ({
      %run_scoped3A = tpu.sem_alloc : memref<!tpu.dma_semaphore, #tpu.memory_space<semaphore_mem>>
      %dma_start3A = arith.constant 0 : i32
      %dma_start3A_10 = tpu.memref_slice %arg3[%mul3A_2, %dma_start3A] : memref<1600x128xi32, #tpu.memory_space<hbm>> -> memref<50x128xi32, #tpu.memory_space<hbm>>
      %dma_start3A_11 = arith.constant 0 : i32
      %dma_start3A_12 = tpu.memref_slice %arg3[%mul3A_2, %dma_start3A_11] : memref<1600x128xi32, #tpu.memory_space<hbm>> -> memref<50x128xi32, #tpu.memory_space<hbm>>
      tpu.enqueue_dma source(%dma_start3A_12 : memref<50x128xi32, #tpu.memory_space<hbm>>) target(%arg5 : memref<50x128xi32, #tpu.memory_space<vmem>>) target_semaphore(%run_scoped3A : memref<!tpu.dma_semaphore, #tpu.memory_space<semaphore_mem>>)
      %dma_wait3A = arith.constant 0 : i32
      %dma_wait3A_13 = tpu.memref_slice %arg3[%mul3A_2, %dma_wait3A] : memref<1600x128xi32, #tpu.memory_space<hbm>> -> memref<50x128xi32, #tpu.memory_space<hbm>>
      %dma_wait3A_14 = arith.constant 0 : i32
      %dma_wait3A_15 = tpu.memref_slice %arg3[%mul3A_2, %dma_wait3A_14] : memref<1600x128xi32, #tpu.memory_space<hbm>> -> memref<50x128xi32, #tpu.memory_space<hbm>>
      tpu.wait_dma2 semaphore(%run_scoped3A : memref<!tpu.dma_semaphore, #tpu.memory_space<semaphore_mem>>) src(%dma_wait3A_15 : memref<50x128xi32, #tpu.memory_space<hbm>>) dst(%arg5 : memref<50x128xi32, #tpu.memory_space<vmem>>)
      tpu.yield
    }) : () -> ()
    %scan3A = arith.constant 0 : i32
    %scan3A_5 = arith.constant 0 : i32
    %scan3A_6 = arith.constant 11 : i32
    %scan3A_7 = arith.addi %scan3A_5, %scan3A_6 : i32
    %scan3A_8 = arith.constant 1 : i32
    scf.for %scan3A_10 = %scan3A_5 to %scan3A_7 step %scan3A_8  : i32 {
      %mul3A_11 = arith.constant 5 : i32
      %mul3A_12 = arith.muli %scan3A_10, %mul3A_11 : i32
      %add3A_13 = arith.constant 0 : i32
      %add3A_14 = arith.addi %mul3A_12, %add3A_13 : i32
      %ge3A = arith.constant 1 : i32
      %ge3A_15 = arith.cmpi sge, %scan3A_10, %ge3A : i32
      %convert_element_type3A = arith.extui %ge3A_15 : i1 to i32
      %cond3A = arith.constant 0 : i32
      %cond3A_16 = arith.cmpi ne, %convert_element_type3A, %cond3A : i32
      scf.if %cond3A_16 {
        %dma_wait3A = arith.constant 0 : i32
        %dma_wait3A_111 = arith.constant 0 : i32
        %dma_wait3A_112 = arith.constant 0 : i32
        %dma_wait3A_113 = tpu.memref_slice %arg6[%dma_wait3A, %dma_wait3A_111, %dma_wait3A_112] : memref<5x128x64xf32, #tpu.memory_space<vmem>> -> memref<1x128x64xf32, #tpu.memory_space<vmem>>
        %dma_wait3A_114 = tpu.memref_squeeze %dma_wait3A_113 : memref<1x128x64xf32, #tpu.memory_space<vmem>> -> memref<128x64xf32, #tpu.memory_space<vmem>>
        %dma_wait3A_115 = arith.constant 0 : i32
        %dma_wait3A_116 = tpu.memref_slice %arg4[%mul3A_4, %dma_wait3A_115] : memref<204800x128xf32, #tpu.memory_space<hbm>> -> memref<128x64xf32, #tpu.memory_space<hbm>>
        %dma_wait3A_117 = arith.constant 0 : i32
        %dma_wait3A_118 = tpu.memref_slice %arg4[%mul3A_4, %dma_wait3A_117] : memref<204800x128xf32, #tpu.memory_space<hbm>> -> memref<128x64xf32, #tpu.memory_space<hbm>>
        %dma_wait3A_119 = arith.constant 0 : i32
        %dma_wait3A_120 = arith.constant 0 : i32
        %dma_wait3A_121 = tpu.memref_slice %arg6[%dma_wait3A, %dma_wait3A_119, %dma_wait3A_120] : memref<5x128x64xf32, #tpu.memory_space<vmem>> -> memref<1x128x64xf32, #tpu.memory_space<vmem>>
        %dma_wait3A_122 = tpu.memref_squeeze %dma_wait3A_121 : memref<1x128x64xf32, #tpu.memory_space<vmem>> -> memref<128x64xf32, #tpu.memory_space<vmem>>
        tpu.wait_dma2 semaphore(%arg12 : memref<!tpu.dma_semaphore, #tpu.memory_space<semaphore_mem>>) src(%dma_wait3A_122 : memref<128x64xf32, #tpu.memory_space<vmem>>) dst(%dma_wait3A_118 : memref<128x64xf32, #tpu.memory_space<hbm>>)
      } else {
      }
      %lt3A = arith.constant 10 : i32
      %lt3A_17 = arith.cmpi slt, %scan3A_10, %lt3A : i32
      %convert_element_type3A_18 = arith.extui %lt3A_17 : i1 to i32
      %cond3A_19 = arith.constant 0 : i32
      %cond3A_20 = arith.cmpi ne, %convert_element_type3A_18, %cond3A_19 : i32
      scf.if %cond3A_20 {
        %dma_start3A = arith.constant 0 : i32
        %dma_start3A_111 = arith.constant 0 : i32
        %dma_start3A_112 = arith.constant 0 : i32
        %dma_start3A_113 = tpu.memref_slice %arg6[%dma_start3A, %dma_start3A_111, %dma_start3A_112] : memref<5x128x64xf32, #tpu.memory_space<vmem>> -> memref<1x128x64xf32, #tpu.memory_space<vmem>>
        %dma_start3A_114 = tpu.memref_squeeze %dma_start3A_113 : memref<1x128x64xf32, #tpu.memory_space<vmem>> -> memref<128x64xf32, #tpu.memory_space<vmem>>
        %dma_start3A_115 = arith.constant 0 : i32
        %dma_start3A_116 = tpu.memref_slice %arg5[%add3A_14, %dma_start3A_115] : memref<50x128xi32, #tpu.memory_space<vmem>> -> memref<1x128xi32, #tpu.memory_space<vmem>>
        %dma_start3A_117 = tpu.memref_squeeze %dma_start3A_116 : memref<1x128xi32, #tpu.memory_space<vmem>> -> memref<128xi32, #tpu.memory_space<vmem>>
        %dma_start3A_118 = arith.constant 0 : i32
        %dma_start3A_119 = arith.constant 0 : i32
        %dma_start3A_120 = tpu.memref_slice %arg2[%dma_start3A_118, %dma_start3A_119] : memref<2312x64xf32, #tpu.memory_space<hbm>> -> memref<2312x64xf32, #tpu.memory_space<hbm>>
        tpu.enqueue_indirect_dma source(%dma_start3A_120 : memref<2312x64xf32, #tpu.memory_space<hbm>>) target(%dma_start3A_114 : memref<128x64xf32, #tpu.memory_space<vmem>>) offsets(%dma_start3A_117 : memref<128xi32, #tpu.memory_space<vmem>>) semaphore(%arg7 : memref<!tpu.dma_semaphore, #tpu.memory_space<semaphore_mem>>)
      } else {
      }
      %sub3A = arith.constant 2 : i32
      %sub3A_21 = arith.subi %add3A_14, %sub3A : i32
      %ge3A_22 = arith.constant 1 : i32
      %ge3A_23 = arith.cmpi sge, %scan3A_10, %ge3A_22 : i32
      %convert_element_type3A_24 = arith.extui %ge3A_23 : i1 to i32
      %cond3A_25 = arith.constant 0 : i32
      %cond3A_26 = arith.cmpi ne, %convert_element_type3A_24, %cond3A_25 : i32
      scf.if %cond3A_26 {
        %dma_wait3A = arith.constant 3 : i32
        %dma_wait3A_111 = arith.constant 0 : i32
        %dma_wait3A_112 = arith.constant 0 : i32
        %dma_wait3A_113 = tpu.memref_slice %arg6[%dma_wait3A, %dma_wait3A_111, %dma_wait3A_112] : memref<5x128x64xf32, #tpu.memory_space<vmem>> -> memref<1x128x64xf32, #tpu.memory_space<vmem>>
        %dma_wait3A_114 = tpu.memref_squeeze %dma_wait3A_113 : memref<1x128x64xf32, #tpu.memory_space<vmem>> -> memref<128x64xf32, #tpu.memory_space<vmem>>
        %dma_wait3A_115 = arith.constant 0 : i32
        %dma_wait3A_116 = tpu.memref_slice %arg5[%sub3A_21, %dma_wait3A_115] : memref<50x128xi32, #tpu.memory_space<vmem>> -> memref<1x128xi32, #tpu.memory_space<vmem>>
        %dma_wait3A_117 = tpu.memref_squeeze %dma_wait3A_116 : memref<1x128xi32, #tpu.memory_space<vmem>> -> memref<128xi32, #tpu.memory_space<vmem>>
        %dma_wait3A_118 = arith.constant 0 : i32
        %dma_wait3A_119 = arith.constant 0 : i32
        %dma_wait3A_120 = tpu.memref_slice %arg2[%dma_wait3A_118, %dma_wait3A_119] : memref<2312x64xf32, #tpu.memory_space<hbm>> -> memref<2312x64xf32, #tpu.memory_space<hbm>>
        tpu.wait_indirect_dma semaphore(%arg10 : memref<!tpu.dma_semaphore, #tpu.memory_space<semaphore_mem>>) src(%dma_wait3A_120 : memref<2312x64xf32, #tpu.memory_space<hbm>>) dst(%dma_wait3A_114 : memref<128x64xf32, #tpu.memory_space<vmem>>)
        %mul3A_121 = arith.constant 128 : i32
        %mul3A_122 = arith.muli %sub3A_21, %mul3A_121 : i32
        %add3A_123 = arith.addi %mul3A_4, %mul3A_122 : i32
        %dma_start3A = arith.constant 3 : i32
        %dma_start3A_124 = arith.constant 0 : i32
        %dma_start3A_125 = arith.constant 0 : i32
        %dma_start3A_126 = tpu.memref_slice %arg6[%dma_start3A, %dma_start3A_124, %dma_start3A_125] : memref<5x128x64xf32, #tpu.memory_space<vmem>> -> memref<1x128x64xf32, #tpu.memory_space<vmem>>
        %dma_start3A_127 = tpu.memref_squeeze %dma_start3A_126 : memref<1x128x64xf32, #tpu.memory_space<vmem>> -> memref<128x64xf32, #tpu.memory_space<vmem>>
        %dma_start3A_128 = arith.constant 0 : i32
        %dma_start3A_129 = tpu.memref_slice %arg4[%add3A_123, %dma_start3A_128] : memref<204800x128xf32, #tpu.memory_space<hbm>> -> memref<128x64xf32, #tpu.memory_space<hbm>>
        %dma_start3A_130 = arith.constant 0 : i32
        %dma_start3A_131 = tpu.memref_slice %arg4[%add3A_123, %dma_start3A_130] : memref<204800x128xf32, #tpu.memory_space<hbm>> -> memref<128x64xf32, #tpu.memory_space<hbm>>
        %dma_start3A_132 = arith.constant 0 : i32
        %dma_start3A_133 = arith.constant 0 : i32
        %dma_start3A_134 = tpu.memref_slice %arg6[%dma_start3A, %dma_start3A_132, %dma_start3A_133] : memref<5x128x64xf32, #tpu.memory_space<vmem>> -> memref<1x128x64xf32, #tpu.memory_space<vmem>>
        %dma_start3A_135 = tpu.memref_squeeze %dma_start3A_134 : memref<1x128x64xf32, #tpu.memory_space<vmem>> -> memref<128x64xf32, #tpu.memory_space<vmem>>
        tpu.enqueue_dma source(%dma_start3A_135 : memref<128x64xf32, #tpu.memory_space<vmem>>) target(%dma_start3A_131 : memref<128x64xf32, #tpu.memory_space<hbm>>) target_semaphore(%arg15 : memref<!tpu.dma_semaphore, #tpu.memory_space<semaphore_mem>>)
      } else {
      }
      %mul3A_27 = arith.constant 5 : i32
      %mul3A_28 = arith.muli %scan3A_10, %mul3A_27 : i32
      %add3A_29 = arith.constant 1 : i32
      %add3A_30 = arith.addi %mul3A_28, %add3A_29 : i32
      %ge3A_31 = arith.constant 1 : i32
      %ge3A_32 = arith.cmpi sge, %scan3A_10, %ge3A_31 : i32
      %convert_element_type3A_33 = arith.extui %ge3A_32 : i1 to i32
      %cond3A_34 = arith.constant 0 : i32
      %cond3A_35 = arith.cmpi ne, %convert_element_type3A_33, %cond3A_34 : i32
      scf.if %cond3A_35 {
        %dma_wait3A = arith.constant 1 : i32
        %dma_wait3A_111 = arith.constant 0 : i32
        %dma_wait3A_112 = arith.constant 0 : i32
        %dma_wait3A_113 = tpu.memref_slice %arg6[%dma_wait3A, %dma_wait3A_111, %dma_wait3A_112] : memref<5x128x64xf32, #tpu.memory_space<vmem>> -> memref<1x128x64xf32, #tpu.memory_space<vmem>>
        %dma_wait3A_114 = tpu.memref_squeeze %dma_wait3A_113 : memref<1x128x64xf32, #tpu.memory_space<vmem>> -> memref<128x64xf32, #tpu.memory_space<vmem>>
        %dma_wait3A_115 = arith.constant 0 : i32
        %dma_wait3A_116 = tpu.memref_slice %arg4[%mul3A_4, %dma_wait3A_115] : memref<204800x128xf32, #tpu.memory_space<hbm>> -> memref<128x64xf32, #tpu.memory_space<hbm>>
        %dma_wait3A_117 = arith.constant 0 : i32
        %dma_wait3A_118 = tpu.memref_slice %arg4[%mul3A_4, %dma_wait3A_117] : memref<204800x128xf32, #tpu.memory_space<hbm>> -> memref<128x64xf32, #tpu.memory_space<hbm>>
        %dma_wait3A_119 = arith.constant 0 : i32
        %dma_wait3A_120 = arith.constant 0 : i32
        %dma_wait3A_121 = tpu.memref_slice %arg6[%dma_wait3A, %dma_wait3A_119, %dma_wait3A_120] : memref<5x128x64xf32, #tpu.memory_space<vmem>> -> memref<1x128x64xf32, #tpu.memory_space<vmem>>
        %dma_wait3A_122 = tpu.memref_squeeze %dma_wait3A_121 : memref<1x128x64xf32, #tpu.memory_space<vmem>> -> memref<128x64xf32, #tpu.memory_space<vmem>>
        tpu.wait_dma2 semaphore(%arg13 : memref<!tpu.dma_semaphore, #tpu.memory_space<semaphore_mem>>) src(%dma_wait3A_122 : memref<128x64xf32, #tpu.memory_space<vmem>>) dst(%dma_wait3A_118 : memref<128x64xf32, #tpu.memory_space<hbm>>)
      } else {
      }
      %lt3A_36 = arith.constant 10 : i32
      %lt3A_37 = arith.cmpi slt, %scan3A_10, %lt3A_36 : i32
      %convert_element_type3A_38 = arith.extui %lt3A_37 : i1 to i32
      %cond3A_39 = arith.constant 0 : i32
      %cond3A_40 = arith.cmpi ne, %convert_element_type3A_38, %cond3A_39 : i32
      scf.if %cond3A_40 {
        %dma_start3A = arith.constant 1 : i32
        %dma_start3A_111 = arith.constant 0 : i32
        %dma_start3A_112 = arith.constant 0 : i32
        %dma_start3A_113 = tpu.memref_slice %arg6[%dma_start3A, %dma_start3A_111, %dma_start3A_112] : memref<5x128x64xf32, #tpu.memory_space<vmem>> -> memref<1x128x64xf32, #tpu.memory_space<vmem>>
        %dma_start3A_114 = tpu.memref_squeeze %dma_start3A_113 : memref<1x128x64xf32, #tpu.memory_space<vmem>> -> memref<128x64xf32, #tpu.memory_space<vmem>>
        %dma_start3A_115 = arith.constant 0 : i32
        %dma_start3A_116 = tpu.memref_slice %arg5[%add3A_30, %dma_start3A_115] : memref<50x128xi32, #tpu.memory_space<vmem>> -> memref<1x128xi32, #tpu.memory_space<vmem>>
        %dma_start3A_117 = tpu.memref_squeeze %dma_start3A_116 : memref<1x128xi32, #tpu.memory_space<vmem>> -> memref<128xi32, #tpu.memory_space<vmem>>
        %dma_start3A_118 = arith.constant 0 : i32
        %dma_start3A_119 = arith.constant 0 : i32
        %dma_start3A_120 = tpu.memref_slice %arg2[%dma_start3A_118, %dma_start3A_119] : memref<2312x64xf32, #tpu.memory_space<hbm>> -> memref<2312x64xf32, #tpu.memory_space<hbm>>
        tpu.enqueue_indirect_dma source(%dma_start3A_120 : memref<2312x64xf32, #tpu.memory_space<hbm>>) target(%dma_start3A_114 : memref<128x64xf32, #tpu.memory_space<vmem>>) offsets(%dma_start3A_117 : memref<128xi32, #tpu.memory_space<vmem>>) semaphore(%arg8 : memref<!tpu.dma_semaphore, #tpu.memory_space<semaphore_mem>>)
      } else {
      }
      %sub3A_41 = arith.constant 2 : i32
      %sub3A_42 = arith.subi %add3A_30, %sub3A_41 : i32
      %ge3A_43 = arith.constant 1 : i32
      %ge3A_44 = arith.cmpi sge, %scan3A_10, %ge3A_43 : i32
      %convert_element_type3A_45 = arith.extui %ge3A_44 : i1 to i32
      %cond3A_46 = arith.constant 0 : i32
      %cond3A_47 = arith.cmpi ne, %convert_element_type3A_45, %cond3A_46 : i32
      scf.if %cond3A_47 {
        %dma_wait3A = arith.constant 4 : i32
        %dma_wait3A_111 = arith.constant 0 : i32
        %dma_wait3A_112 = arith.constant 0 : i32
        %dma_wait3A_113 = tpu.memref_slice %arg6[%dma_wait3A, %dma_wait3A_111, %dma_wait3A_112] : memref<5x128x64xf32, #tpu.memory_space<vmem>> -> memref<1x128x64xf32, #tpu.memory_space<vmem>>
        %dma_wait3A_114 = tpu.memref_squeeze %dma_wait3A_113 : memref<1x128x64xf32, #tpu.memory_space<vmem>> -> memref<128x64xf32, #tpu.memory_space<vmem>>
        %dma_wait3A_115 = arith.constant 0 : i32
        %dma_wait3A_116 = tpu.memref_slice %arg5[%sub3A_42, %dma_wait3A_115] : memref<50x128xi32, #tpu.memory_space<vmem>> -> memref<1x128xi32, #tpu.memory_space<vmem>>
        %dma_wait3A_117 = tpu.memref_squeeze %dma_wait3A_116 : memref<1x128xi32, #tpu.memory_space<vmem>> -> memref<128xi32, #tpu.memory_space<vmem>>
        %dma_wait3A_118 = arith.constant 0 : i32
        %dma_wait3A_119 = arith.constant 0 : i32
        %dma_wait3A_120 = tpu.memref_slice %arg2[%dma_wait3A_118, %dma_wait3A_119] : memref<2312x64xf32, #tpu.memory_space<hbm>> -> memref<2312x64xf32, #tpu.memory_space<hbm>>
        tpu.wait_indirect_dma semaphore(%arg11 : memref<!tpu.dma_semaphore, #tpu.memory_space<semaphore_mem>>) src(%dma_wait3A_120 : memref<2312x64xf32, #tpu.memory_space<hbm>>) dst(%dma_wait3A_114 : memref<128x64xf32, #tpu.memory_space<vmem>>)
        %mul3A_121 = arith.constant 128 : i32
        %mul3A_122 = arith.muli %sub3A_42, %mul3A_121 : i32
        %add3A_123 = arith.addi %mul3A_4, %mul3A_122 : i32
        %dma_start3A = arith.constant 4 : i32
        %dma_start3A_124 = arith.constant 0 : i32
        %dma_start3A_125 = arith.constant 0 : i32
        %dma_start3A_126 = tpu.memref_slice %arg6[%dma_start3A, %dma_start3A_124, %dma_start3A_125] : memref<5x128x64xf32, #tpu.memory_space<vmem>> -> memref<1x128x64xf32, #tpu.memory_space<vmem>>
        %dma_start3A_127 = tpu.memref_squeeze %dma_start3A_126 : memref<1x128x64xf32, #tpu.memory_space<vmem>> -> memref<128x64xf32, #tpu.memory_space<vmem>>
        %dma_start3A_128 = arith.constant 0 : i32
        %dma_start3A_129 = tpu.memref_slice %arg4[%add3A_123, %dma_start3A_128] : memref<204800x128xf32, #tpu.memory_space<hbm>> -> memref<128x64xf32, #tpu.memory_space<hbm>>
        %dma_start3A_130 = arith.constant 0 : i32
        %dma_start3A_131 = tpu.memref_slice %arg4[%add3A_123, %dma_start3A_130] : memref<204800x128xf32, #tpu.memory_space<hbm>> -> memref<128x64xf32, #tpu.memory_space<hbm>>
        %dma_start3A_132 = arith.constant 0 : i32
        %dma_start3A_133 = arith.constant 0 : i32
        %dma_start3A_134 = tpu.memref_slice %arg6[%dma_start3A, %dma_start3A_132, %dma_start3A_133] : memref<5x128x64xf32, #tpu.memory_space<vmem>> -> memref<1x128x64xf32, #tpu.memory_space<vmem>>
        %dma_start3A_135 = tpu.memref_squeeze %dma_start3A_134 : memref<1x128x64xf32, #tpu.memory_space<vmem>> -> memref<128x64xf32, #tpu.memory_space<vmem>>
        tpu.enqueue_dma source(%dma_start3A_135 : memref<128x64xf32, #tpu.memory_space<vmem>>) target(%dma_start3A_131 : memref<128x64xf32, #tpu.memory_space<hbm>>) target_semaphore(%arg16 : memref<!tpu.dma_semaphore, #tpu.memory_space<semaphore_mem>>)
      } else {
      }
      %mul3A_48 = arith.constant 5 : i32
      %mul3A_49 = arith.muli %scan3A_10, %mul3A_48 : i32
      %add3A_50 = arith.constant 2 : i32
      %add3A_51 = arith.addi %mul3A_49, %add3A_50 : i32
      %ge3A_52 = arith.constant 1 : i32
      %ge3A_53 = arith.cmpi sge, %scan3A_10, %ge3A_52 : i32
      %convert_element_type3A_54 = arith.extui %ge3A_53 : i1 to i32
      %cond3A_55 = arith.constant 0 : i32
      %cond3A_56 = arith.cmpi ne, %convert_element_type3A_54, %cond3A_55 : i32
      scf.if %cond3A_56 {
        %dma_wait3A = arith.constant 2 : i32
        %dma_wait3A_111 = arith.constant 0 : i32
        %dma_wait3A_112 = arith.constant 0 : i32
        %dma_wait3A_113 = tpu.memref_slice %arg6[%dma_wait3A, %dma_wait3A_111, %dma_wait3A_112] : memref<5x128x64xf32, #tpu.memory_space<vmem>> -> memref<1x128x64xf32, #tpu.memory_space<vmem>>
        %dma_wait3A_114 = tpu.memref_squeeze %dma_wait3A_113 : memref<1x128x64xf32, #tpu.memory_space<vmem>> -> memref<128x64xf32, #tpu.memory_space<vmem>>
        %dma_wait3A_115 = arith.constant 0 : i32
        %dma_wait3A_116 = tpu.memref_slice %arg4[%mul3A_4, %dma_wait3A_115] : memref<204800x128xf32, #tpu.memory_space<hbm>> -> memref<128x64xf32, #tpu.memory_space<hbm>>
        %dma_wait3A_117 = arith.constant 0 : i32
        %dma_wait3A_118 = tpu.memref_slice %arg4[%mul3A_4, %dma_wait3A_117] : memref<204800x128xf32, #tpu.memory_space<hbm>> -> memref<128x64xf32, #tpu.memory_space<hbm>>
        %dma_wait3A_119 = arith.constant 0 : i32
        %dma_wait3A_120 = arith.constant 0 : i32
        %dma_wait3A_121 = tpu.memref_slice %arg6[%dma_wait3A, %dma_wait3A_119, %dma_wait3A_120] : memref<5x128x64xf32, #tpu.memory_space<vmem>> -> memref<1x128x64xf32, #tpu.memory_space<vmem>>
        %dma_wait3A_122 = tpu.memref_squeeze %dma_wait3A_121 : memref<1x128x64xf32, #tpu.memory_space<vmem>> -> memref<128x64xf32, #tpu.memory_space<vmem>>
        tpu.wait_dma2 semaphore(%arg14 : memref<!tpu.dma_semaphore, #tpu.memory_space<semaphore_mem>>) src(%dma_wait3A_122 : memref<128x64xf32, #tpu.memory_space<vmem>>) dst(%dma_wait3A_118 : memref<128x64xf32, #tpu.memory_space<hbm>>)
      } else {
      }
      %lt3A_57 = arith.constant 10 : i32
      %lt3A_58 = arith.cmpi slt, %scan3A_10, %lt3A_57 : i32
      %convert_element_type3A_59 = arith.extui %lt3A_58 : i1 to i32
      %cond3A_60 = arith.constant 0 : i32
      %cond3A_61 = arith.cmpi ne, %convert_element_type3A_59, %cond3A_60 : i32
      scf.if %cond3A_61 {
        %dma_start3A = arith.constant 2 : i32
        %dma_start3A_111 = arith.constant 0 : i32
        %dma_start3A_112 = arith.constant 0 : i32
        %dma_start3A_113 = tpu.memref_slice %arg6[%dma_start3A, %dma_start3A_111, %dma_start3A_112] : memref<5x128x64xf32, #tpu.memory_space<vmem>> -> memref<1x128x64xf32, #tpu.memory_space<vmem>>
        %dma_start3A_114 = tpu.memref_squeeze %dma_start3A_113 : memref<1x128x64xf32, #tpu.memory_space<vmem>> -> memref<128x64xf32, #tpu.memory_space<vmem>>
        %dma_start3A_115 = arith.constant 0 : i32
        %dma_start3A_116 = tpu.memref_slice %arg5[%add3A_51, %dma_start3A_115] : memref<50x128xi32, #tpu.memory_space<vmem>> -> memref<1x128xi32, #tpu.memory_space<vmem>>
        %dma_start3A_117 = tpu.memref_squeeze %dma_start3A_116 : memref<1x128xi32, #tpu.memory_space<vmem>> -> memref<128xi32, #tpu.memory_space<vmem>>
        %dma_start3A_118 = arith.constant 0 : i32
        %dma_start3A_119 = arith.constant 0 : i32
        %dma_start3A_120 = tpu.memref_slice %arg2[%dma_start3A_118, %dma_start3A_119] : memref<2312x64xf32, #tpu.memory_space<hbm>> -> memref<2312x64xf32, #tpu.memory_space<hbm>>
        tpu.enqueue_indirect_dma source(%dma_start3A_120 : memref<2312x64xf32, #tpu.memory_space<hbm>>) target(%dma_start3A_114 : memref<128x64xf32, #tpu.memory_space<vmem>>) offsets(%dma_start3A_117 : memref<128xi32, #tpu.memory_space<vmem>>) semaphore(%arg9 : memref<!tpu.dma_semaphore, #tpu.memory_space<semaphore_mem>>)
      } else {
      }
      %sub3A_62 = arith.constant 2 : i32
      %sub3A_63 = arith.subi %add3A_51, %sub3A_62 : i32
      %lt3A_64 = arith.constant 10 : i32
      %lt3A_65 = arith.cmpi slt, %scan3A_10, %lt3A_64 : i32
      %convert_element_type3A_66 = arith.extui %lt3A_65 : i1 to i32
      %cond3A_67 = arith.constant 0 : i32
      %cond3A_68 = arith.cmpi ne, %convert_element_type3A_66, %cond3A_67 : i32
      scf.if %cond3A_68 {
        %dma_wait3A = arith.constant 0 : i32
        %dma_wait3A_111 = arith.constant 0 : i32
        %dma_wait3A_112 = arith.constant 0 : i32
        %dma_wait3A_113 = tpu.memref_slice %arg6[%dma_wait3A, %dma_wait3A_111, %dma_wait3A_112] : memref<5x128x64xf32, #tpu.memory_space<vmem>> -> memref<1x128x64xf32, #tpu.memory_space<vmem>>
        %dma_wait3A_114 = tpu.memref_squeeze %dma_wait3A_113 : memref<1x128x64xf32, #tpu.memory_space<vmem>> -> memref<128x64xf32, #tpu.memory_space<vmem>>
        %dma_wait3A_115 = arith.constant 0 : i32
        %dma_wait3A_116 = tpu.memref_slice %arg5[%sub3A_63, %dma_wait3A_115] : memref<50x128xi32, #tpu.memory_space<vmem>> -> memref<1x128xi32, #tpu.memory_space<vmem>>
        %dma_wait3A_117 = tpu.memref_squeeze %dma_wait3A_116 : memref<1x128xi32, #tpu.memory_space<vmem>> -> memref<128xi32, #tpu.memory_space<vmem>>
        %dma_wait3A_118 = arith.constant 0 : i32
        %dma_wait3A_119 = arith.constant 0 : i32
        %dma_wait3A_120 = tpu.memref_slice %arg2[%dma_wait3A_118, %dma_wait3A_119] : memref<2312x64xf32, #tpu.memory_space<hbm>> -> memref<2312x64xf32, #tpu.memory_space<hbm>>
        tpu.wait_indirect_dma semaphore(%arg7 : memref<!tpu.dma_semaphore, #tpu.memory_space<semaphore_mem>>) src(%dma_wait3A_120 : memref<2312x64xf32, #tpu.memory_space<hbm>>) dst(%dma_wait3A_114 : memref<128x64xf32, #tpu.memory_space<vmem>>)
        %mul3A_121 = arith.constant 128 : i32
        %mul3A_122 = arith.muli %sub3A_63, %mul3A_121 : i32
        %add3A_123 = arith.addi %mul3A_4, %mul3A_122 : i32
        %dma_start3A = arith.constant 0 : i32
        %dma_start3A_124 = arith.constant 0 : i32
        %dma_start3A_125 = arith.constant 0 : i32
        %dma_start3A_126 = tpu.memref_slice %arg6[%dma_start3A, %dma_start3A_124, %dma_start3A_125] : memref<5x128x64xf32, #tpu.memory_space<vmem>> -> memref<1x128x64xf32, #tpu.memory_space<vmem>>
        %dma_start3A_127 = tpu.memref_squeeze %dma_start3A_126 : memref<1x128x64xf32, #tpu.memory_space<vmem>> -> memref<128x64xf32, #tpu.memory_space<vmem>>
        %dma_start3A_128 = arith.constant 0 : i32
        %dma_start3A_129 = tpu.memref_slice %arg4[%add3A_123, %dma_start3A_128] : memref<204800x128xf32, #tpu.memory_space<hbm>> -> memref<128x64xf32, #tpu.memory_space<hbm>>
        %dma_start3A_130 = arith.constant 0 : i32
        %dma_start3A_131 = tpu.memref_slice %arg4[%add3A_123, %dma_start3A_130] : memref<204800x128xf32, #tpu.memory_space<hbm>> -> memref<128x64xf32, #tpu.memory_space<hbm>>
        %dma_start3A_132 = arith.constant 0 : i32
        %dma_start3A_133 = arith.constant 0 : i32
        %dma_start3A_134 = tpu.memref_slice %arg6[%dma_start3A, %dma_start3A_132, %dma_start3A_133] : memref<5x128x64xf32, #tpu.memory_space<vmem>> -> memref<1x128x64xf32, #tpu.memory_space<vmem>>
        %dma_start3A_135 = tpu.memref_squeeze %dma_start3A_134 : memref<1x128x64xf32, #tpu.memory_space<vmem>> -> memref<128x64xf32, #tpu.memory_space<vmem>>
        tpu.enqueue_dma source(%dma_start3A_135 : memref<128x64xf32, #tpu.memory_space<vmem>>) target(%dma_start3A_131 : memref<128x64xf32, #tpu.memory_space<hbm>>) target_semaphore(%arg12 : memref<!tpu.dma_semaphore, #tpu.memory_space<semaphore_mem>>)
      } else {
      }
      %mul3A_69 = arith.constant 5 : i32
      %mul3A_70 = arith.muli %scan3A_10, %mul3A_69 : i32
      %add3A_71 = arith.constant 3 : i32
      %add3A_72 = arith.addi %mul3A_70, %add3A_71 : i32
      %ge3A_73 = arith.constant 1 : i32
      %ge3A_74 = arith.cmpi sge, %scan3A_10, %ge3A_73 : i32
      %convert_element_type3A_75 = arith.extui %ge3A_74 : i1 to i32
      %cond3A_76 = arith.constant 0 : i32
      %cond3A_77 = arith.cmpi ne, %convert_element_type3A_75, %cond3A_76 : i32
      scf.if %cond3A_77 {
        %dma_wait3A = arith.constant 3 : i32
        %dma_wait3A_111 = arith.constant 0 : i32
        %dma_wait3A_112 = arith.constant 0 : i32
        %dma_wait3A_113 = tpu.memref_slice %arg6[%dma_wait3A, %dma_wait3A_111, %dma_wait3A_112] : memref<5x128x64xf32, #tpu.memory_space<vmem>> -> memref<1x128x64xf32, #tpu.memory_space<vmem>>
        %dma_wait3A_114 = tpu.memref_squeeze %dma_wait3A_113 : memref<1x128x64xf32, #tpu.memory_space<vmem>> -> memref<128x64xf32, #tpu.memory_space<vmem>>
        %dma_wait3A_115 = arith.constant 0 : i32
        %dma_wait3A_116 = tpu.memref_slice %arg4[%mul3A_4, %dma_wait3A_115] : memref<204800x128xf32, #tpu.memory_space<hbm>> -> memref<128x64xf32, #tpu.memory_space<hbm>>
        %dma_wait3A_117 = arith.constant 0 : i32
        %dma_wait3A_118 = tpu.memref_slice %arg4[%mul3A_4, %dma_wait3A_117] : memref<204800x128xf32, #tpu.memory_space<hbm>> -> memref<128x64xf32, #tpu.memory_space<hbm>>
        %dma_wait3A_119 = arith.constant 0 : i32
        %dma_wait3A_120 = arith.constant 0 : i32
        %dma_wait3A_121 = tpu.memref_slice %arg6[%dma_wait3A, %dma_wait3A_119, %dma_wait3A_120] : memref<5x128x64xf32, #tpu.memory_space<vmem>> -> memref<1x128x64xf32, #tpu.memory_space<vmem>>
        %dma_wait3A_122 = tpu.memref_squeeze %dma_wait3A_121 : memref<1x128x64xf32, #tpu.memory_space<vmem>> -> memref<128x64xf32, #tpu.memory_space<vmem>>
        tpu.wait_dma2 semaphore(%arg15 : memref<!tpu.dma_semaphore, #tpu.memory_space<semaphore_mem>>) src(%dma_wait3A_122 : memref<128x64xf32, #tpu.memory_space<vmem>>) dst(%dma_wait3A_118 : memref<128x64xf32, #tpu.memory_space<hbm>>)
      } else {
      }
      %lt3A_78 = arith.constant 10 : i32
      %lt3A_79 = arith.cmpi slt, %scan3A_10, %lt3A_78 : i32
      %convert_element_type3A_80 = arith.extui %lt3A_79 : i1 to i32
      %cond3A_81 = arith.constant 0 : i32
      %cond3A_82 = arith.cmpi ne, %convert_element_type3A_80, %cond3A_81 : i32
      scf.if %cond3A_82 {
        %dma_start3A = arith.constant 3 : i32
        %dma_start3A_111 = arith.constant 0 : i32
        %dma_start3A_112 = arith.constant 0 : i32
        %dma_start3A_113 = tpu.memref_slice %arg6[%dma_start3A, %dma_start3A_111, %dma_start3A_112] : memref<5x128x64xf32, #tpu.memory_space<vmem>> -> memref<1x128x64xf32, #tpu.memory_space<vmem>>
        %dma_start3A_114 = tpu.memref_squeeze %dma_start3A_113 : memref<1x128x64xf32, #tpu.memory_space<vmem>> -> memref<128x64xf32, #tpu.memory_space<vmem>>
        %dma_start3A_115 = arith.constant 0 : i32
        %dma_start3A_116 = tpu.memref_slice %arg5[%add3A_72, %dma_start3A_115] : memref<50x128xi32, #tpu.memory_space<vmem>> -> memref<1x128xi32, #tpu.memory_space<vmem>>
        %dma_start3A_117 = tpu.memref_squeeze %dma_start3A_116 : memref<1x128xi32, #tpu.memory_space<vmem>> -> memref<128xi32, #tpu.memory_space<vmem>>
        %dma_start3A_118 = arith.constant 0 : i32
        %dma_start3A_119 = arith.constant 0 : i32
        %dma_start3A_120 = tpu.memref_slice %arg2[%dma_start3A_118, %dma_start3A_119] : memref<2312x64xf32, #tpu.memory_space<hbm>> -> memref<2312x64xf32, #tpu.memory_space<hbm>>
        tpu.enqueue_indirect_dma source(%dma_start3A_120 : memref<2312x64xf32, #tpu.memory_space<hbm>>) target(%dma_start3A_114 : memref<128x64xf32, #tpu.memory_space<vmem>>) offsets(%dma_start3A_117 : memref<128xi32, #tpu.memory_space<vmem>>) semaphore(%arg10 : memref<!tpu.dma_semaphore, #tpu.memory_space<semaphore_mem>>)
      } else {
      }
      %sub3A_83 = arith.constant 2 : i32
      %sub3A_84 = arith.subi %add3A_72, %sub3A_83 : i32
      %lt3A_85 = arith.constant 10 : i32
      %lt3A_86 = arith.cmpi slt, %scan3A_10, %lt3A_85 : i32
      %convert_element_type3A_87 = arith.extui %lt3A_86 : i1 to i32
      %cond3A_88 = arith.constant 0 : i32
      %cond3A_89 = arith.cmpi ne, %convert_element_type3A_87, %cond3A_88 : i32
      scf.if %cond3A_89 {
        %dma_wait3A = arith.constant 1 : i32
        %dma_wait3A_111 = arith.constant 0 : i32
        %dma_wait3A_112 = arith.constant 0 : i32
        %dma_wait3A_113 = tpu.memref_slice %arg6[%dma_wait3A, %dma_wait3A_111, %dma_wait3A_112] : memref<5x128x64xf32, #tpu.memory_space<vmem>> -> memref<1x128x64xf32, #tpu.memory_space<vmem>>
        %dma_wait3A_114 = tpu.memref_squeeze %dma_wait3A_113 : memref<1x128x64xf32, #tpu.memory_space<vmem>> -> memref<128x64xf32, #tpu.memory_space<vmem>>
        %dma_wait3A_115 = arith.constant 0 : i32
        %dma_wait3A_116 = tpu.memref_slice %arg5[%sub3A_84, %dma_wait3A_115] : memref<50x128xi32, #tpu.memory_space<vmem>> -> memref<1x128xi32, #tpu.memory_space<vmem>>
        %dma_wait3A_117 = tpu.memref_squeeze %dma_wait3A_116 : memref<1x128xi32, #tpu.memory_space<vmem>> -> memref<128xi32, #tpu.memory_space<vmem>>
        %dma_wait3A_118 = arith.constant 0 : i32
        %dma_wait3A_119 = arith.constant 0 : i32
        %dma_wait3A_120 = tpu.memref_slice %arg2[%dma_wait3A_118, %dma_wait3A_119] : memref<2312x64xf32, #tpu.memory_space<hbm>> -> memref<2312x64xf32, #tpu.memory_space<hbm>>
        tpu.wait_indirect_dma semaphore(%arg8 : memref<!tpu.dma_semaphore, #tpu.memory_space<semaphore_mem>>) src(%dma_wait3A_120 : memref<2312x64xf32, #tpu.memory_space<hbm>>) dst(%dma_wait3A_114 : memref<128x64xf32, #tpu.memory_space<vmem>>)
        %mul3A_121 = arith.constant 128 : i32
        %mul3A_122 = arith.muli %sub3A_84, %mul3A_121 : i32
        %add3A_123 = arith.addi %mul3A_4, %mul3A_122 : i32
        %dma_start3A = arith.constant 1 : i32
        %dma_start3A_124 = arith.constant 0 : i32
        %dma_start3A_125 = arith.constant 0 : i32
        %dma_start3A_126 = tpu.memref_slice %arg6[%dma_start3A, %dma_start3A_124, %dma_start3A_125] : memref<5x128x64xf32, #tpu.memory_space<vmem>> -> memref<1x128x64xf32, #tpu.memory_space<vmem>>
        %dma_start3A_127 = tpu.memref_squeeze %dma_start3A_126 : memref<1x128x64xf32, #tpu.memory_space<vmem>> -> memref<128x64xf32, #tpu.memory_space<vmem>>
        %dma_start3A_128 = arith.constant 0 : i32
        %dma_start3A_129 = tpu.memref_slice %arg4[%add3A_123, %dma_start3A_128] : memref<204800x128xf32, #tpu.memory_space<hbm>> -> memref<128x64xf32, #tpu.memory_space<hbm>>
        %dma_start3A_130 = arith.constant 0 : i32
        %dma_start3A_131 = tpu.memref_slice %arg4[%add3A_123, %dma_start3A_130] : memref<204800x128xf32, #tpu.memory_space<hbm>> -> memref<128x64xf32, #tpu.memory_space<hbm>>
        %dma_start3A_132 = arith.constant 0 : i32
        %dma_start3A_133 = arith.constant 0 : i32
        %dma_start3A_134 = tpu.memref_slice %arg6[%dma_start3A, %dma_start3A_132, %dma_start3A_133] : memref<5x128x64xf32, #tpu.memory_space<vmem>> -> memref<1x128x64xf32, #tpu.memory_space<vmem>>
        %dma_start3A_135 = tpu.memref_squeeze %dma_start3A_134 : memref<1x128x64xf32, #tpu.memory_space<vmem>> -> memref<128x64xf32, #tpu.memory_space<vmem>>
        tpu.enqueue_dma source(%dma_start3A_135 : memref<128x64xf32, #tpu.memory_space<vmem>>) target(%dma_start3A_131 : memref<128x64xf32, #tpu.memory_space<hbm>>) target_semaphore(%arg13 : memref<!tpu.dma_semaphore, #tpu.memory_space<semaphore_mem>>)
      } else {
      }
      %mul3A_90 = arith.constant 5 : i32
      %mul3A_91 = arith.muli %scan3A_10, %mul3A_90 : i32
      %add3A_92 = arith.constant 4 : i32
      %add3A_93 = arith.addi %mul3A_91, %add3A_92 : i32
      %ge3A_94 = arith.constant 1 : i32
      %ge3A_95 = arith.cmpi sge, %scan3A_10, %ge3A_94 : i32
      %convert_element_type3A_96 = arith.extui %ge3A_95 : i1 to i32
      %cond3A_97 = arith.constant 0 : i32
      %cond3A_98 = arith.cmpi ne, %convert_element_type3A_96, %cond3A_97 : i32
      scf.if %cond3A_98 {
        %dma_wait3A = arith.constant 4 : i32
        %dma_wait3A_111 = arith.constant 0 : i32
        %dma_wait3A_112 = arith.constant 0 : i32
        %dma_wait3A_113 = tpu.memref_slice %arg6[%dma_wait3A, %dma_wait3A_111, %dma_wait3A_112] : memref<5x128x64xf32, #tpu.memory_space<vmem>> -> memref<1x128x64xf32, #tpu.memory_space<vmem>>
        %dma_wait3A_114 = tpu.memref_squeeze %dma_wait3A_113 : memref<1x128x64xf32, #tpu.memory_space<vmem>> -> memref<128x64xf32, #tpu.memory_space<vmem>>
        %dma_wait3A_115 = arith.constant 0 : i32
        %dma_wait3A_116 = tpu.memref_slice %arg4[%mul3A_4, %dma_wait3A_115] : memref<204800x128xf32, #tpu.memory_space<hbm>> -> memref<128x64xf32, #tpu.memory_space<hbm>>
        %dma_wait3A_117 = arith.constant 0 : i32
        %dma_wait3A_118 = tpu.memref_slice %arg4[%mul3A_4, %dma_wait3A_117] : memref<204800x128xf32, #tpu.memory_space<hbm>> -> memref<128x64xf32, #tpu.memory_space<hbm>>
        %dma_wait3A_119 = arith.constant 0 : i32
        %dma_wait3A_120 = arith.constant 0 : i32
        %dma_wait3A_121 = tpu.memref_slice %arg6[%dma_wait3A, %dma_wait3A_119, %dma_wait3A_120] : memref<5x128x64xf32, #tpu.memory_space<vmem>> -> memref<1x128x64xf32, #tpu.memory_space<vmem>>
        %dma_wait3A_122 = tpu.memref_squeeze %dma_wait3A_121 : memref<1x128x64xf32, #tpu.memory_space<vmem>> -> memref<128x64xf32, #tpu.memory_space<vmem>>
        tpu.wait_dma2 semaphore(%arg16 : memref<!tpu.dma_semaphore, #tpu.memory_space<semaphore_mem>>) src(%dma_wait3A_122 : memref<128x64xf32, #tpu.memory_space<vmem>>) dst(%dma_wait3A_118 : memref<128x64xf32, #tpu.memory_space<hbm>>)
      } else {
      }
      %lt3A_99 = arith.constant 10 : i32
      %lt3A_100 = arith.cmpi slt, %scan3A_10, %lt3A_99 : i32
      %convert_element_type3A_101 = arith.extui %lt3A_100 : i1 to i32
      %cond3A_102 = arith.constant 0 : i32
      %cond3A_103 = arith.cmpi ne, %convert_element_type3A_101, %cond3A_102 : i32
      scf.if %cond3A_103 {
        %dma_start3A = arith.constant 4 : i32
        %dma_start3A_111 = arith.constant 0 : i32
        %dma_start3A_112 = arith.constant 0 : i32
        %dma_start3A_113 = tpu.memref_slice %arg6[%dma_start3A, %dma_start3A_111, %dma_start3A_112] : memref<5x128x64xf32, #tpu.memory_space<vmem>> -> memref<1x128x64xf32, #tpu.memory_space<vmem>>
        %dma_start3A_114 = tpu.memref_squeeze %dma_start3A_113 : memref<1x128x64xf32, #tpu.memory_space<vmem>> -> memref<128x64xf32, #tpu.memory_space<vmem>>
        %dma_start3A_115 = arith.constant 0 : i32
        %dma_start3A_116 = tpu.memref_slice %arg5[%add3A_93, %dma_start3A_115] : memref<50x128xi32, #tpu.memory_space<vmem>> -> memref<1x128xi32, #tpu.memory_space<vmem>>
        %dma_start3A_117 = tpu.memref_squeeze %dma_start3A_116 : memref<1x128xi32, #tpu.memory_space<vmem>> -> memref<128xi32, #tpu.memory_space<vmem>>
        %dma_start3A_118 = arith.constant 0 : i32
        %dma_start3A_119 = arith.constant 0 : i32
        %dma_start3A_120 = tpu.memref_slice %arg2[%dma_start3A_118, %dma_start3A_119] : memref<2312x64xf32, #tpu.memory_space<hbm>> -> memref<2312x64xf32, #tpu.memory_space<hbm>>
        tpu.enqueue_indirect_dma source(%dma_start3A_120 : memref<2312x64xf32, #tpu.memory_space<hbm>>) target(%dma_start3A_114 : memref<128x64xf32, #tpu.memory_space<vmem>>) offsets(%dma_start3A_117 : memref<128xi32, #tpu.memory_space<vmem>>) semaphore(%arg11 : memref<!tpu.dma_semaphore, #tpu.memory_space<semaphore_mem>>)
      } else {
      }
      %sub3A_104 = arith.constant 2 : i32
      %sub3A_105 = arith.subi %add3A_93, %sub3A_104 : i32
      %lt3A_106 = arith.constant 10 : i32
      %lt3A_107 = arith.cmpi slt, %scan3A_10, %lt3A_106 : i32
      %convert_element_type3A_108 = arith.extui %lt3A_107 : i1 to i32
      %cond3A_109 = arith.constant 0 : i32
      %cond3A_110 = arith.cmpi ne, %convert_element_type3A_108, %cond3A_109 : i32
      scf.if %cond3A_110 {
        %dma_wait3A = arith.constant 2 : i32
        %dma_wait3A_111 = arith.constant 0 : i32
        %dma_wait3A_112 = arith.constant 0 : i32
        %dma_wait3A_113 = tpu.memref_slice %arg6[%dma_wait3A, %dma_wait3A_111, %dma_wait3A_112] : memref<5x128x64xf32, #tpu.memory_space<vmem>> -> memref<1x128x64xf32, #tpu.memory_space<vmem>>
        %dma_wait3A_114 = tpu.memref_squeeze %dma_wait3A_113 : memref<1x128x64xf32, #tpu.memory_space<vmem>> -> memref<128x64xf32, #tpu.memory_space<vmem>>
        %dma_wait3A_115 = arith.constant 0 : i32
        %dma_wait3A_116 = tpu.memref_slice %arg5[%sub3A_105, %dma_wait3A_115] : memref<50x128xi32, #tpu.memory_space<vmem>> -> memref<1x128xi32, #tpu.memory_space<vmem>>
        %dma_wait3A_117 = tpu.memref_squeeze %dma_wait3A_116 : memref<1x128xi32, #tpu.memory_space<vmem>> -> memref<128xi32, #tpu.memory_space<vmem>>
        %dma_wait3A_118 = arith.constant 0 : i32
        %dma_wait3A_119 = arith.constant 0 : i32
        %dma_wait3A_120 = tpu.memref_slice %arg2[%dma_wait3A_118, %dma_wait3A_119] : memref<2312x64xf32, #tpu.memory_space<hbm>> -> memref<2312x64xf32, #tpu.memory_space<hbm>>
        tpu.wait_indirect_dma semaphore(%arg9 : memref<!tpu.dma_semaphore, #tpu.memory_space<semaphore_mem>>) src(%dma_wait3A_120 : memref<2312x64xf32, #tpu.memory_space<hbm>>) dst(%dma_wait3A_114 : memref<128x64xf32, #tpu.memory_space<vmem>>)
        %mul3A_121 = arith.constant 128 : i32
        %mul3A_122 = arith.muli %sub3A_105, %mul3A_121 : i32
        %add3A_123 = arith.addi %mul3A_4, %mul3A_122 : i32
        %dma_start3A = arith.constant 2 : i32
        %dma_start3A_124 = arith.constant 0 : i32
        %dma_start3A_125 = arith.constant 0 : i32
        %dma_start3A_126 = tpu.memref_slice %arg6[%dma_start3A, %dma_start3A_124, %dma_start3A_125] : memref<5x128x64xf32, #tpu.memory_space<vmem>> -> memref<1x128x64xf32, #tpu.memory_space<vmem>>
        %dma_start3A_127 = tpu.memref_squeeze %dma_start3A_126 : memref<1x128x64xf32, #tpu.memory_space<vmem>> -> memref<128x64xf32, #tpu.memory_space<vmem>>
        %dma_start3A_128 = arith.constant 0 : i32
        %dma_start3A_129 = tpu.memref_slice %arg4[%add3A_123, %dma_start3A_128] : memref<204800x128xf32, #tpu.memory_space<hbm>> -> memref<128x64xf32, #tpu.memory_space<hbm>>
        %dma_start3A_130 = arith.constant 0 : i32
        %dma_start3A_131 = tpu.memref_slice %arg4[%add3A_123, %dma_start3A_130] : memref<204800x128xf32, #tpu.memory_space<hbm>> -> memref<128x64xf32, #tpu.memory_space<hbm>>
        %dma_start3A_132 = arith.constant 0 : i32
        %dma_start3A_133 = arith.constant 0 : i32
        %dma_start3A_134 = tpu.memref_slice %arg6[%dma_start3A, %dma_start3A_132, %dma_start3A_133] : memref<5x128x64xf32, #tpu.memory_space<vmem>> -> memref<1x128x64xf32, #tpu.memory_space<vmem>>
        %dma_start3A_135 = tpu.memref_squeeze %dma_start3A_134 : memref<1x128x64xf32, #tpu.memory_space<vmem>> -> memref<128x64xf32, #tpu.memory_space<vmem>>
        tpu.enqueue_dma source(%dma_start3A_135 : memref<128x64xf32, #tpu.memory_space<vmem>>) target(%dma_start3A_131 : memref<128x64xf32, #tpu.memory_space<hbm>>) target_semaphore(%arg14 : memref<!tpu.dma_semaphore, #tpu.memory_space<semaphore_mem>>)
      } else {
      }
    }
    %scan3A_9 = arith.constant 11 : i32
    return
  }
}

#map = affine_map<(d0, d1) -> (0, 0)>
module attributes {stable_mosaic.version = 14 : i64} {
  func.func @_sc_body(%arg0: i32, %arg1: i32, %arg2: memref<2312x64xf32, #tpu.memory_space<hbm>>, %arg3: memref<1600x128xi32, #tpu.memory_space<hbm>>, %arg4: memref<204800x128xf32, #tpu.memory_space<hbm>>, %arg5: memref<50x128xi32, #tpu.memory_space<vmem>>, %arg6: memref<5x128x64xf32, #tpu.memory_space<vmem>>, %arg7: memref<!tpu.dma_semaphore, #tpu.memory_space<semaphore_mem>>, %arg8: memref<!tpu.dma_semaphore, #tpu.memory_space<semaphore_mem>>, %arg9: memref<!tpu.dma_semaphore, #tpu.memory_space<semaphore_mem>>, %arg10: memref<!tpu.dma_semaphore, #tpu.memory_space<semaphore_mem>>, %arg11: memref<!tpu.dma_semaphore, #tpu.memory_space<semaphore_mem>>, %arg12: memref<!tpu.dma_semaphore, #tpu.memory_space<semaphore_mem>>, %arg13: memref<!tpu.dma_semaphore, #tpu.memory_space<semaphore_mem>>, %arg14: memref<!tpu.dma_semaphore, #tpu.memory_space<semaphore_mem>>, %arg15: memref<!tpu.dma_semaphore, #tpu.memory_space<semaphore_mem>>, %arg16: memref<!tpu.dma_semaphore, #tpu.memory_space<semaphore_mem>>) attributes {dimension_semantics = [#tpu.dimension_semantics<core_parallel>, #tpu.dimension_semantics<subcore_parallel>], iteration_bounds = array<i64: 2, 16>, scalar_prefetch = 0 : i64, scratch_operands = 12 : i64, tpu.core_type = #tpu.core_type<sc_vector_subcore>, window_params = [{transform_indices = #map}, {transform_indices = #map}, {transform_indices = #map}]} {
    %mul3A = arith.constant 2 : i32
    %mul3A_0 = arith.muli %arg1, %mul3A : i32
    %add3A = arith.addi %mul3A_0, %arg0 : i32
    %mul3A_1 = arith.constant 50 : i32
    %mul3A_2 = arith.muli %add3A, %mul3A_1 : i32
    %mul3A_3 = arith.constant 6400 : i32
    %mul3A_4 = arith.muli %add3A, %mul3A_3 : i32
    "tpu.region"() ({
      %run_scoped3A = tpu.sem_alloc : memref<!tpu.dma_semaphore, #tpu.memory_space<semaphore_mem>>
      %dma_start3A = arith.constant 0 : i32
      %dma_start3A_10 = tpu.memref_slice %arg3[%mul3A_2, %dma_start3A] : memref<1600x128xi32, #tpu.memory_space<hbm>> -> memref<50x128xi32, #tpu.memory_space<hbm>>
      %dma_start3A_11 = arith.constant 0 : i32
      %dma_start3A_12 = tpu.memref_slice %arg3[%mul3A_2, %dma_start3A_11] : memref<1600x128xi32, #tpu.memory_space<hbm>> -> memref<50x128xi32, #tpu.memory_space<hbm>>
      tpu.enqueue_dma source(%dma_start3A_12 : memref<50x128xi32, #tpu.memory_space<hbm>>) target(%arg5 : memref<50x128xi32, #tpu.memory_space<vmem>>) target_semaphore(%run_scoped3A : memref<!tpu.dma_semaphore, #tpu.memory_space<semaphore_mem>>)
      %dma_wait3A = arith.constant 0 : i32
      %dma_wait3A_13 = tpu.memref_slice %arg3[%mul3A_2, %dma_wait3A] : memref<1600x128xi32, #tpu.memory_space<hbm>> -> memref<50x128xi32, #tpu.memory_space<hbm>>
      %dma_wait3A_14 = arith.constant 0 : i32
      %dma_wait3A_15 = tpu.memref_slice %arg3[%mul3A_2, %dma_wait3A_14] : memref<1600x128xi32, #tpu.memory_space<hbm>> -> memref<50x128xi32, #tpu.memory_space<hbm>>
      tpu.wait_dma2 semaphore(%run_scoped3A : memref<!tpu.dma_semaphore, #tpu.memory_space<semaphore_mem>>) src(%dma_wait3A_15 : memref<50x128xi32, #tpu.memory_space<hbm>>) dst(%arg5 : memref<50x128xi32, #tpu.memory_space<vmem>>)
      tpu.yield
    }) : () -> ()
    %scan3A = arith.constant 0 : i32
    %scan3A_5 = arith.constant 0 : i32
    %scan3A_6 = arith.constant 11 : i32
    %scan3A_7 = arith.addi %scan3A_5, %scan3A_6 : i32
    %scan3A_8 = arith.constant 1 : i32
    scf.for %scan3A_10 = %scan3A_5 to %scan3A_7 step %scan3A_8  : i32 {
      %mul3A_11 = arith.constant 5 : i32
      %mul3A_12 = arith.muli %scan3A_10, %mul3A_11 : i32
      %add3A_13 = arith.constant 0 : i32
      %add3A_14 = arith.addi %mul3A_12, %add3A_13 : i32
      %ge3A = arith.constant 1 : i32
      %ge3A_15 = arith.cmpi sge, %scan3A_10, %ge3A : i32
      %convert_element_type3A = arith.extui %ge3A_15 : i1 to i32
      %cond3A = arith.constant 0 : i32
      %cond3A_16 = arith.cmpi ne, %convert_element_type3A, %cond3A : i32
      scf.if %cond3A_16 {
        %dma_wait3A = arith.constant 0 : i32
        %dma_wait3A_111 = arith.constant 0 : i32
        %dma_wait3A_112 = arith.constant 0 : i32
        %dma_wait3A_113 = tpu.memref_slice %arg6[%dma_wait3A, %dma_wait3A_111, %dma_wait3A_112] : memref<5x128x64xf32, #tpu.memory_space<vmem>> -> memref<1x128x64xf32, #tpu.memory_space<vmem>>
        %dma_wait3A_114 = tpu.memref_squeeze %dma_wait3A_113 : memref<1x128x64xf32, #tpu.memory_space<vmem>> -> memref<128x64xf32, #tpu.memory_space<vmem>>
        %dma_wait3A_115 = arith.constant 0 : i32
        %dma_wait3A_116 = tpu.memref_slice %arg4[%mul3A_4, %dma_wait3A_115] : memref<204800x128xf32, #tpu.memory_space<hbm>> -> memref<128x64xf32, #tpu.memory_space<hbm>>
        %dma_wait3A_117 = arith.constant 0 : i32
        %dma_wait3A_118 = tpu.memref_slice %arg4[%mul3A_4, %dma_wait3A_117] : memref<204800x128xf32, #tpu.memory_space<hbm>> -> memref<128x64xf32, #tpu.memory_space<hbm>>
        %dma_wait3A_119 = arith.constant 0 : i32
        %dma_wait3A_120 = arith.constant 0 : i32
        %dma_wait3A_121 = tpu.memref_slice %arg6[%dma_wait3A, %dma_wait3A_119, %dma_wait3A_120] : memref<5x128x64xf32, #tpu.memory_space<vmem>> -> memref<1x128x64xf32, #tpu.memory_space<vmem>>
        %dma_wait3A_122 = tpu.memref_squeeze %dma_wait3A_121 : memref<1x128x64xf32, #tpu.memory_space<vmem>> -> memref<128x64xf32, #tpu.memory_space<vmem>>
        tpu.wait_dma2 semaphore(%arg12 : memref<!tpu.dma_semaphore, #tpu.memory_space<semaphore_mem>>) src(%dma_wait3A_122 : memref<128x64xf32, #tpu.memory_space<vmem>>) dst(%dma_wait3A_118 : memref<128x64xf32, #tpu.memory_space<hbm>>)
      } else {
      }
      %lt3A = arith.constant 10 : i32
      %lt3A_17 = arith.cmpi slt, %scan3A_10, %lt3A : i32
      %convert_element_type3A_18 = arith.extui %lt3A_17 : i1 to i32
      %cond3A_19 = arith.constant 0 : i32
      %cond3A_20 = arith.cmpi ne, %convert_element_type3A_18, %cond3A_19 : i32
      scf.if %cond3A_20 {
        %dma_start3A = arith.constant 0 : i32
        %dma_start3A_111 = arith.constant 0 : i32
        %dma_start3A_112 = arith.constant 0 : i32
        %dma_start3A_113 = tpu.memref_slice %arg6[%dma_start3A, %dma_start3A_111, %dma_start3A_112] : memref<5x128x64xf32, #tpu.memory_space<vmem>> -> memref<1x128x64xf32, #tpu.memory_space<vmem>>
        %dma_start3A_114 = tpu.memref_squeeze %dma_start3A_113 : memref<1x128x64xf32, #tpu.memory_space<vmem>> -> memref<128x64xf32, #tpu.memory_space<vmem>>
        %dma_start3A_115 = arith.constant 0 : i32
        %dma_start3A_116 = tpu.memref_slice %arg5[%add3A_14, %dma_start3A_115] : memref<50x128xi32, #tpu.memory_space<vmem>> -> memref<1x128xi32, #tpu.memory_space<vmem>>
        %dma_start3A_117 = tpu.memref_squeeze %dma_start3A_116 : memref<1x128xi32, #tpu.memory_space<vmem>> -> memref<128xi32, #tpu.memory_space<vmem>>
        %dma_start3A_118 = arith.constant 0 : i32
        %dma_start3A_119 = arith.constant 0 : i32
        %dma_start3A_120 = tpu.memref_slice %arg2[%dma_start3A_118, %dma_start3A_119] : memref<2312x64xf32, #tpu.memory_space<hbm>> -> memref<2312x64xf32, #tpu.memory_space<hbm>>
        tpu.enqueue_indirect_dma source(%dma_start3A_120 : memref<2312x64xf32, #tpu.memory_space<hbm>>) target(%dma_start3A_114 : memref<128x64xf32, #tpu.memory_space<vmem>>) offsets(%dma_start3A_117 : memref<128xi32, #tpu.memory_space<vmem>>) semaphore(%arg7 : memref<!tpu.dma_semaphore, #tpu.memory_space<semaphore_mem>>)
      } else {
      }
      %sub3A = arith.constant 2 : i32
      %sub3A_21 = arith.subi %add3A_14, %sub3A : i32
      %ge3A_22 = arith.constant 1 : i32
      %ge3A_23 = arith.cmpi sge, %scan3A_10, %ge3A_22 : i32
      %convert_element_type3A_24 = arith.extui %ge3A_23 : i1 to i32
      %cond3A_25 = arith.constant 0 : i32
      %cond3A_26 = arith.cmpi ne, %convert_element_type3A_24, %cond3A_25 : i32
      scf.if %cond3A_26 {
        %dma_wait3A = arith.constant 3 : i32
        %dma_wait3A_111 = arith.constant 0 : i32
        %dma_wait3A_112 = arith.constant 0 : i32
        %dma_wait3A_113 = tpu.memref_slice %arg6[%dma_wait3A, %dma_wait3A_111, %dma_wait3A_112] : memref<5x128x64xf32, #tpu.memory_space<vmem>> -> memref<1x128x64xf32, #tpu.memory_space<vmem>>
        %dma_wait3A_114 = tpu.memref_squeeze %dma_wait3A_113 : memref<1x128x64xf32, #tpu.memory_space<vmem>> -> memref<128x64xf32, #tpu.memory_space<vmem>>
        %dma_wait3A_115 = arith.constant 0 : i32
        %dma_wait3A_116 = tpu.memref_slice %arg5[%sub3A_21, %dma_wait3A_115] : memref<50x128xi32, #tpu.memory_space<vmem>> -> memref<1x128xi32, #tpu.memory_space<vmem>>
        %dma_wait3A_117 = tpu.memref_squeeze %dma_wait3A_116 : memref<1x128xi32, #tpu.memory_space<vmem>> -> memref<128xi32, #tpu.memory_space<vmem>>
        %dma_wait3A_118 = arith.constant 0 : i32
        %dma_wait3A_119 = arith.constant 0 : i32
        %dma_wait3A_120 = tpu.memref_slice %arg2[%dma_wait3A_118, %dma_wait3A_119] : memref<2312x64xf32, #tpu.memory_space<hbm>> -> memref<2312x64xf32, #tpu.memory_space<hbm>>
        tpu.wait_indirect_dma semaphore(%arg10 : memref<!tpu.dma_semaphore, #tpu.memory_space<semaphore_mem>>) src(%dma_wait3A_120 : memref<2312x64xf32, #tpu.memory_space<hbm>>) dst(%dma_wait3A_114 : memref<128x64xf32, #tpu.memory_space<vmem>>)
        %mul3A_121 = arith.constant 128 : i32
        %mul3A_122 = arith.muli %sub3A_21, %mul3A_121 : i32
        %add3A_123 = arith.addi %mul3A_4, %mul3A_122 : i32
        %dma_start3A = arith.constant 3 : i32
        %dma_start3A_124 = arith.constant 0 : i32
        %dma_start3A_125 = arith.constant 0 : i32
        %dma_start3A_126 = tpu.memref_slice %arg6[%dma_start3A, %dma_start3A_124, %dma_start3A_125] : memref<5x128x64xf32, #tpu.memory_space<vmem>> -> memref<1x128x64xf32, #tpu.memory_space<vmem>>
        %dma_start3A_127 = tpu.memref_squeeze %dma_start3A_126 : memref<1x128x64xf32, #tpu.memory_space<vmem>> -> memref<128x64xf32, #tpu.memory_space<vmem>>
        %dma_start3A_128 = arith.constant 0 : i32
        %dma_start3A_129 = tpu.memref_slice %arg4[%add3A_123, %dma_start3A_128] : memref<204800x128xf32, #tpu.memory_space<hbm>> -> memref<128x64xf32, #tpu.memory_space<hbm>>
        %dma_start3A_130 = arith.constant 0 : i32
        %dma_start3A_131 = tpu.memref_slice %arg4[%add3A_123, %dma_start3A_130] : memref<204800x128xf32, #tpu.memory_space<hbm>> -> memref<128x64xf32, #tpu.memory_space<hbm>>
        %dma_start3A_132 = arith.constant 0 : i32
        %dma_start3A_133 = arith.constant 0 : i32
        %dma_start3A_134 = tpu.memref_slice %arg6[%dma_start3A, %dma_start3A_132, %dma_start3A_133] : memref<5x128x64xf32, #tpu.memory_space<vmem>> -> memref<1x128x64xf32, #tpu.memory_space<vmem>>
        %dma_start3A_135 = tpu.memref_squeeze %dma_start3A_134 : memref<1x128x64xf32, #tpu.memory_space<vmem>> -> memref<128x64xf32, #tpu.memory_space<vmem>>
        tpu.enqueue_dma source(%dma_start3A_135 : memref<128x64xf32, #tpu.memory_space<vmem>>) target(%dma_start3A_131 : memref<128x64xf32, #tpu.memory_space<hbm>>) target_semaphore(%arg15 : memref<!tpu.dma_semaphore, #tpu.memory_space<semaphore_mem>>)
      } else {
      }
      %mul3A_27 = arith.constant 5 : i32
      %mul3A_28 = arith.muli %scan3A_10, %mul3A_27 : i32
      %add3A_29 = arith.constant 1 : i32
      %add3A_30 = arith.addi %mul3A_28, %add3A_29 : i32
      %ge3A_31 = arith.constant 1 : i32
      %ge3A_32 = arith.cmpi sge, %scan3A_10, %ge3A_31 : i32
      %convert_element_type3A_33 = arith.extui %ge3A_32 : i1 to i32
      %cond3A_34 = arith.constant 0 : i32
      %cond3A_35 = arith.cmpi ne, %convert_element_type3A_33, %cond3A_34 : i32
      scf.if %cond3A_35 {
        %dma_wait3A = arith.constant 1 : i32
        %dma_wait3A_111 = arith.constant 0 : i32
        %dma_wait3A_112 = arith.constant 0 : i32
        %dma_wait3A_113 = tpu.memref_slice %arg6[%dma_wait3A, %dma_wait3A_111, %dma_wait3A_112] : memref<5x128x64xf32, #tpu.memory_space<vmem>> -> memref<1x128x64xf32, #tpu.memory_space<vmem>>
        %dma_wait3A_114 = tpu.memref_squeeze %dma_wait3A_113 : memref<1x128x64xf32, #tpu.memory_space<vmem>> -> memref<128x64xf32, #tpu.memory_space<vmem>>
        %dma_wait3A_115 = arith.constant 0 : i32
        %dma_wait3A_116 = tpu.memref_slice %arg4[%mul3A_4, %dma_wait3A_115] : memref<204800x128xf32, #tpu.memory_space<hbm>> -> memref<128x64xf32, #tpu.memory_space<hbm>>
        %dma_wait3A_117 = arith.constant 0 : i32
        %dma_wait3A_118 = tpu.memref_slice %arg4[%mul3A_4, %dma_wait3A_117] : memref<204800x128xf32, #tpu.memory_space<hbm>> -> memref<128x64xf32, #tpu.memory_space<hbm>>
        %dma_wait3A_119 = arith.constant 0 : i32
        %dma_wait3A_120 = arith.constant 0 : i32
        %dma_wait3A_121 = tpu.memref_slice %arg6[%dma_wait3A, %dma_wait3A_119, %dma_wait3A_120] : memref<5x128x64xf32, #tpu.memory_space<vmem>> -> memref<1x128x64xf32, #tpu.memory_space<vmem>>
        %dma_wait3A_122 = tpu.memref_squeeze %dma_wait3A_121 : memref<1x128x64xf32, #tpu.memory_space<vmem>> -> memref<128x64xf32, #tpu.memory_space<vmem>>
        tpu.wait_dma2 semaphore(%arg13 : memref<!tpu.dma_semaphore, #tpu.memory_space<semaphore_mem>>) src(%dma_wait3A_122 : memref<128x64xf32, #tpu.memory_space<vmem>>) dst(%dma_wait3A_118 : memref<128x64xf32, #tpu.memory_space<hbm>>)
      } else {
      }
      %lt3A_36 = arith.constant 10 : i32
      %lt3A_37 = arith.cmpi slt, %scan3A_10, %lt3A_36 : i32
      %convert_element_type3A_38 = arith.extui %lt3A_37 : i1 to i32
      %cond3A_39 = arith.constant 0 : i32
      %cond3A_40 = arith.cmpi ne, %convert_element_type3A_38, %cond3A_39 : i32
      scf.if %cond3A_40 {
        %dma_start3A = arith.constant 1 : i32
        %dma_start3A_111 = arith.constant 0 : i32
        %dma_start3A_112 = arith.constant 0 : i32
        %dma_start3A_113 = tpu.memref_slice %arg6[%dma_start3A, %dma_start3A_111, %dma_start3A_112] : memref<5x128x64xf32, #tpu.memory_space<vmem>> -> memref<1x128x64xf32, #tpu.memory_space<vmem>>
        %dma_start3A_114 = tpu.memref_squeeze %dma_start3A_113 : memref<1x128x64xf32, #tpu.memory_space<vmem>> -> memref<128x64xf32, #tpu.memory_space<vmem>>
        %dma_start3A_115 = arith.constant 0 : i32
        %dma_start3A_116 = tpu.memref_slice %arg5[%add3A_30, %dma_start3A_115] : memref<50x128xi32, #tpu.memory_space<vmem>> -> memref<1x128xi32, #tpu.memory_space<vmem>>
        %dma_start3A_117 = tpu.memref_squeeze %dma_start3A_116 : memref<1x128xi32, #tpu.memory_space<vmem>> -> memref<128xi32, #tpu.memory_space<vmem>>
        %dma_start3A_118 = arith.constant 0 : i32
        %dma_start3A_119 = arith.constant 0 : i32
        %dma_start3A_120 = tpu.memref_slice %arg2[%dma_start3A_118, %dma_start3A_119] : memref<2312x64xf32, #tpu.memory_space<hbm>> -> memref<2312x64xf32, #tpu.memory_space<hbm>>
        tpu.enqueue_indirect_dma source(%dma_start3A_120 : memref<2312x64xf32, #tpu.memory_space<hbm>>) target(%dma_start3A_114 : memref<128x64xf32, #tpu.memory_space<vmem>>) offsets(%dma_start3A_117 : memref<128xi32, #tpu.memory_space<vmem>>) semaphore(%arg8 : memref<!tpu.dma_semaphore, #tpu.memory_space<semaphore_mem>>)
      } else {
      }
      %sub3A_41 = arith.constant 2 : i32
      %sub3A_42 = arith.subi %add3A_30, %sub3A_41 : i32
      %ge3A_43 = arith.constant 1 : i32
      %ge3A_44 = arith.cmpi sge, %scan3A_10, %ge3A_43 : i32
      %convert_element_type3A_45 = arith.extui %ge3A_44 : i1 to i32
      %cond3A_46 = arith.constant 0 : i32
      %cond3A_47 = arith.cmpi ne, %convert_element_type3A_45, %cond3A_46 : i32
      scf.if %cond3A_47 {
        %dma_wait3A = arith.constant 4 : i32
        %dma_wait3A_111 = arith.constant 0 : i32
        %dma_wait3A_112 = arith.constant 0 : i32
        %dma_wait3A_113 = tpu.memref_slice %arg6[%dma_wait3A, %dma_wait3A_111, %dma_wait3A_112] : memref<5x128x64xf32, #tpu.memory_space<vmem>> -> memref<1x128x64xf32, #tpu.memory_space<vmem>>
        %dma_wait3A_114 = tpu.memref_squeeze %dma_wait3A_113 : memref<1x128x64xf32, #tpu.memory_space<vmem>> -> memref<128x64xf32, #tpu.memory_space<vmem>>
        %dma_wait3A_115 = arith.constant 0 : i32
        %dma_wait3A_116 = tpu.memref_slice %arg5[%sub3A_42, %dma_wait3A_115] : memref<50x128xi32, #tpu.memory_space<vmem>> -> memref<1x128xi32, #tpu.memory_space<vmem>>
        %dma_wait3A_117 = tpu.memref_squeeze %dma_wait3A_116 : memref<1x128xi32, #tpu.memory_space<vmem>> -> memref<128xi32, #tpu.memory_space<vmem>>
        %dma_wait3A_118 = arith.constant 0 : i32
        %dma_wait3A_119 = arith.constant 0 : i32
        %dma_wait3A_120 = tpu.memref_slice %arg2[%dma_wait3A_118, %dma_wait3A_119] : memref<2312x64xf32, #tpu.memory_space<hbm>> -> memref<2312x64xf32, #tpu.memory_space<hbm>>
        tpu.wait_indirect_dma semaphore(%arg11 : memref<!tpu.dma_semaphore, #tpu.memory_space<semaphore_mem>>) src(%dma_wait3A_120 : memref<2312x64xf32, #tpu.memory_space<hbm>>) dst(%dma_wait3A_114 : memref<128x64xf32, #tpu.memory_space<vmem>>)
        %mul3A_121 = arith.constant 128 : i32
        %mul3A_122 = arith.muli %sub3A_42, %mul3A_121 : i32
        %add3A_123 = arith.addi %mul3A_4, %mul3A_122 : i32
        %dma_start3A = arith.constant 4 : i32
        %dma_start3A_124 = arith.constant 0 : i32
        %dma_start3A_125 = arith.constant 0 : i32
        %dma_start3A_126 = tpu.memref_slice %arg6[%dma_start3A, %dma_start3A_124, %dma_start3A_125] : memref<5x128x64xf32, #tpu.memory_space<vmem>> -> memref<1x128x64xf32, #tpu.memory_space<vmem>>
        %dma_start3A_127 = tpu.memref_squeeze %dma_start3A_126 : memref<1x128x64xf32, #tpu.memory_space<vmem>> -> memref<128x64xf32, #tpu.memory_space<vmem>>
        %dma_start3A_128 = arith.constant 0 : i32
        %dma_start3A_129 = tpu.memref_slice %arg4[%add3A_123, %dma_start3A_128] : memref<204800x128xf32, #tpu.memory_space<hbm>> -> memref<128x64xf32, #tpu.memory_space<hbm>>
        %dma_start3A_130 = arith.constant 0 : i32
        %dma_start3A_131 = tpu.memref_slice %arg4[%add3A_123, %dma_start3A_130] : memref<204800x128xf32, #tpu.memory_space<hbm>> -> memref<128x64xf32, #tpu.memory_space<hbm>>
        %dma_start3A_132 = arith.constant 0 : i32
        %dma_start3A_133 = arith.constant 0 : i32
        %dma_start3A_134 = tpu.memref_slice %arg6[%dma_start3A, %dma_start3A_132, %dma_start3A_133] : memref<5x128x64xf32, #tpu.memory_space<vmem>> -> memref<1x128x64xf32, #tpu.memory_space<vmem>>
        %dma_start3A_135 = tpu.memref_squeeze %dma_start3A_134 : memref<1x128x64xf32, #tpu.memory_space<vmem>> -> memref<128x64xf32, #tpu.memory_space<vmem>>
        tpu.enqueue_dma source(%dma_start3A_135 : memref<128x64xf32, #tpu.memory_space<vmem>>) target(%dma_start3A_131 : memref<128x64xf32, #tpu.memory_space<hbm>>) target_semaphore(%arg16 : memref<!tpu.dma_semaphore, #tpu.memory_space<semaphore_mem>>)
      } else {
      }
      %mul3A_48 = arith.constant 5 : i32
      %mul3A_49 = arith.muli %scan3A_10, %mul3A_48 : i32
      %add3A_50 = arith.constant 2 : i32
      %add3A_51 = arith.addi %mul3A_49, %add3A_50 : i32
      %ge3A_52 = arith.constant 1 : i32
      %ge3A_53 = arith.cmpi sge, %scan3A_10, %ge3A_52 : i32
      %convert_element_type3A_54 = arith.extui %ge3A_53 : i1 to i32
      %cond3A_55 = arith.constant 0 : i32
      %cond3A_56 = arith.cmpi ne, %convert_element_type3A_54, %cond3A_55 : i32
      scf.if %cond3A_56 {
        %dma_wait3A = arith.constant 2 : i32
        %dma_wait3A_111 = arith.constant 0 : i32
        %dma_wait3A_112 = arith.constant 0 : i32
        %dma_wait3A_113 = tpu.memref_slice %arg6[%dma_wait3A, %dma_wait3A_111, %dma_wait3A_112] : memref<5x128x64xf32, #tpu.memory_space<vmem>> -> memref<1x128x64xf32, #tpu.memory_space<vmem>>
        %dma_wait3A_114 = tpu.memref_squeeze %dma_wait3A_113 : memref<1x128x64xf32, #tpu.memory_space<vmem>> -> memref<128x64xf32, #tpu.memory_space<vmem>>
        %dma_wait3A_115 = arith.constant 0 : i32
        %dma_wait3A_116 = tpu.memref_slice %arg4[%mul3A_4, %dma_wait3A_115] : memref<204800x128xf32, #tpu.memory_space<hbm>> -> memref<128x64xf32, #tpu.memory_space<hbm>>
        %dma_wait3A_117 = arith.constant 0 : i32
        %dma_wait3A_118 = tpu.memref_slice %arg4[%mul3A_4, %dma_wait3A_117] : memref<204800x128xf32, #tpu.memory_space<hbm>> -> memref<128x64xf32, #tpu.memory_space<hbm>>
        %dma_wait3A_119 = arith.constant 0 : i32
        %dma_wait3A_120 = arith.constant 0 : i32
        %dma_wait3A_121 = tpu.memref_slice %arg6[%dma_wait3A, %dma_wait3A_119, %dma_wait3A_120] : memref<5x128x64xf32, #tpu.memory_space<vmem>> -> memref<1x128x64xf32, #tpu.memory_space<vmem>>
        %dma_wait3A_122 = tpu.memref_squeeze %dma_wait3A_121 : memref<1x128x64xf32, #tpu.memory_space<vmem>> -> memref<128x64xf32, #tpu.memory_space<vmem>>
        tpu.wait_dma2 semaphore(%arg14 : memref<!tpu.dma_semaphore, #tpu.memory_space<semaphore_mem>>) src(%dma_wait3A_122 : memref<128x64xf32, #tpu.memory_space<vmem>>) dst(%dma_wait3A_118 : memref<128x64xf32, #tpu.memory_space<hbm>>)
      } else {
      }
      %lt3A_57 = arith.constant 10 : i32
      %lt3A_58 = arith.cmpi slt, %scan3A_10, %lt3A_57 : i32
      %convert_element_type3A_59 = arith.extui %lt3A_58 : i1 to i32
      %cond3A_60 = arith.constant 0 : i32
      %cond3A_61 = arith.cmpi ne, %convert_element_type3A_59, %cond3A_60 : i32
      scf.if %cond3A_61 {
        %dma_start3A = arith.constant 2 : i32
        %dma_start3A_111 = arith.constant 0 : i32
        %dma_start3A_112 = arith.constant 0 : i32
        %dma_start3A_113 = tpu.memref_slice %arg6[%dma_start3A, %dma_start3A_111, %dma_start3A_112] : memref<5x128x64xf32, #tpu.memory_space<vmem>> -> memref<1x128x64xf32, #tpu.memory_space<vmem>>
        %dma_start3A_114 = tpu.memref_squeeze %dma_start3A_113 : memref<1x128x64xf32, #tpu.memory_space<vmem>> -> memref<128x64xf32, #tpu.memory_space<vmem>>
        %dma_start3A_115 = arith.constant 0 : i32
        %dma_start3A_116 = tpu.memref_slice %arg5[%add3A_51, %dma_start3A_115] : memref<50x128xi32, #tpu.memory_space<vmem>> -> memref<1x128xi32, #tpu.memory_space<vmem>>
        %dma_start3A_117 = tpu.memref_squeeze %dma_start3A_116 : memref<1x128xi32, #tpu.memory_space<vmem>> -> memref<128xi32, #tpu.memory_space<vmem>>
        %dma_start3A_118 = arith.constant 0 : i32
        %dma_start3A_119 = arith.constant 0 : i32
        %dma_start3A_120 = tpu.memref_slice %arg2[%dma_start3A_118, %dma_start3A_119] : memref<2312x64xf32, #tpu.memory_space<hbm>> -> memref<2312x64xf32, #tpu.memory_space<hbm>>
        tpu.enqueue_indirect_dma source(%dma_start3A_120 : memref<2312x64xf32, #tpu.memory_space<hbm>>) target(%dma_start3A_114 : memref<128x64xf32, #tpu.memory_space<vmem>>) offsets(%dma_start3A_117 : memref<128xi32, #tpu.memory_space<vmem>>) semaphore(%arg9 : memref<!tpu.dma_semaphore, #tpu.memory_space<semaphore_mem>>)
      } else {
      }
      %sub3A_62 = arith.constant 2 : i32
      %sub3A_63 = arith.subi %add3A_51, %sub3A_62 : i32
      %lt3A_64 = arith.constant 10 : i32
      %lt3A_65 = arith.cmpi slt, %scan3A_10, %lt3A_64 : i32
      %convert_element_type3A_66 = arith.extui %lt3A_65 : i1 to i32
      %cond3A_67 = arith.constant 0 : i32
      %cond3A_68 = arith.cmpi ne, %convert_element_type3A_66, %cond3A_67 : i32
      scf.if %cond3A_68 {
        %dma_wait3A = arith.constant 0 : i32
        %dma_wait3A_111 = arith.constant 0 : i32
        %dma_wait3A_112 = arith.constant 0 : i32
        %dma_wait3A_113 = tpu.memref_slice %arg6[%dma_wait3A, %dma_wait3A_111, %dma_wait3A_112] : memref<5x128x64xf32, #tpu.memory_space<vmem>> -> memref<1x128x64xf32, #tpu.memory_space<vmem>>
        %dma_wait3A_114 = tpu.memref_squeeze %dma_wait3A_113 : memref<1x128x64xf32, #tpu.memory_space<vmem>> -> memref<128x64xf32, #tpu.memory_space<vmem>>
        %dma_wait3A_115 = arith.constant 0 : i32
        %dma_wait3A_116 = tpu.memref_slice %arg5[%sub3A_63, %dma_wait3A_115] : memref<50x128xi32, #tpu.memory_space<vmem>> -> memref<1x128xi32, #tpu.memory_space<vmem>>
        %dma_wait3A_117 = tpu.memref_squeeze %dma_wait3A_116 : memref<1x128xi32, #tpu.memory_space<vmem>> -> memref<128xi32, #tpu.memory_space<vmem>>
        %dma_wait3A_118 = arith.constant 0 : i32
        %dma_wait3A_119 = arith.constant 0 : i32
        %dma_wait3A_120 = tpu.memref_slice %arg2[%dma_wait3A_118, %dma_wait3A_119] : memref<2312x64xf32, #tpu.memory_space<hbm>> -> memref<2312x64xf32, #tpu.memory_space<hbm>>
        tpu.wait_indirect_dma semaphore(%arg7 : memref<!tpu.dma_semaphore, #tpu.memory_space<semaphore_mem>>) src(%dma_wait3A_120 : memref<2312x64xf32, #tpu.memory_space<hbm>>) dst(%dma_wait3A_114 : memref<128x64xf32, #tpu.memory_space<vmem>>)
        %mul3A_121 = arith.constant 128 : i32
        %mul3A_122 = arith.muli %sub3A_63, %mul3A_121 : i32
        %add3A_123 = arith.addi %mul3A_4, %mul3A_122 : i32
        %dma_start3A = arith.constant 0 : i32
        %dma_start3A_124 = arith.constant 0 : i32
        %dma_start3A_125 = arith.constant 0 : i32
        %dma_start3A_126 = tpu.memref_slice %arg6[%dma_start3A, %dma_start3A_124, %dma_start3A_125] : memref<5x128x64xf32, #tpu.memory_space<vmem>> -> memref<1x128x64xf32, #tpu.memory_space<vmem>>
        %dma_start3A_127 = tpu.memref_squeeze %dma_start3A_126 : memref<1x128x64xf32, #tpu.memory_space<vmem>> -> memref<128x64xf32, #tpu.memory_space<vmem>>
        %dma_start3A_128 = arith.constant 0 : i32
        %dma_start3A_129 = tpu.memref_slice %arg4[%add3A_123, %dma_start3A_128] : memref<204800x128xf32, #tpu.memory_space<hbm>> -> memref<128x64xf32, #tpu.memory_space<hbm>>
        %dma_start3A_130 = arith.constant 0 : i32
        %dma_start3A_131 = tpu.memref_slice %arg4[%add3A_123, %dma_start3A_130] : memref<204800x128xf32, #tpu.memory_space<hbm>> -> memref<128x64xf32, #tpu.memory_space<hbm>>
        %dma_start3A_132 = arith.constant 0 : i32
        %dma_start3A_133 = arith.constant 0 : i32
        %dma_start3A_134 = tpu.memref_slice %arg6[%dma_start3A, %dma_start3A_132, %dma_start3A_133] : memref<5x128x64xf32, #tpu.memory_space<vmem>> -> memref<1x128x64xf32, #tpu.memory_space<vmem>>
        %dma_start3A_135 = tpu.memref_squeeze %dma_start3A_134 : memref<1x128x64xf32, #tpu.memory_space<vmem>> -> memref<128x64xf32, #tpu.memory_space<vmem>>
        tpu.enqueue_dma source(%dma_start3A_135 : memref<128x64xf32, #tpu.memory_space<vmem>>) target(%dma_start3A_131 : memref<128x64xf32, #tpu.memory_space<hbm>>) target_semaphore(%arg12 : memref<!tpu.dma_semaphore, #tpu.memory_space<semaphore_mem>>)
      } else {
      }
      %mul3A_69 = arith.constant 5 : i32
      %mul3A_70 = arith.muli %scan3A_10, %mul3A_69 : i32
      %add3A_71 = arith.constant 3 : i32
      %add3A_72 = arith.addi %mul3A_70, %add3A_71 : i32
      %ge3A_73 = arith.constant 1 : i32
      %ge3A_74 = arith.cmpi sge, %scan3A_10, %ge3A_73 : i32
      %convert_element_type3A_75 = arith.extui %ge3A_74 : i1 to i32
      %cond3A_76 = arith.constant 0 : i32
      %cond3A_77 = arith.cmpi ne, %convert_element_type3A_75, %cond3A_76 : i32
      scf.if %cond3A_77 {
        %dma_wait3A = arith.constant 3 : i32
        %dma_wait3A_111 = arith.constant 0 : i32
        %dma_wait3A_112 = arith.constant 0 : i32
        %dma_wait3A_113 = tpu.memref_slice %arg6[%dma_wait3A, %dma_wait3A_111, %dma_wait3A_112] : memref<5x128x64xf32, #tpu.memory_space<vmem>> -> memref<1x128x64xf32, #tpu.memory_space<vmem>>
        %dma_wait3A_114 = tpu.memref_squeeze %dma_wait3A_113 : memref<1x128x64xf32, #tpu.memory_space<vmem>> -> memref<128x64xf32, #tpu.memory_space<vmem>>
        %dma_wait3A_115 = arith.constant 0 : i32
        %dma_wait3A_116 = tpu.memref_slice %arg4[%mul3A_4, %dma_wait3A_115] : memref<204800x128xf32, #tpu.memory_space<hbm>> -> memref<128x64xf32, #tpu.memory_space<hbm>>
        %dma_wait3A_117 = arith.constant 0 : i32
        %dma_wait3A_118 = tpu.memref_slice %arg4[%mul3A_4, %dma_wait3A_117] : memref<204800x128xf32, #tpu.memory_space<hbm>> -> memref<128x64xf32, #tpu.memory_space<hbm>>
        %dma_wait3A_119 = arith.constant 0 : i32
        %dma_wait3A_120 = arith.constant 0 : i32
        %dma_wait3A_121 = tpu.memref_slice %arg6[%dma_wait3A, %dma_wait3A_119, %dma_wait3A_120] : memref<5x128x64xf32, #tpu.memory_space<vmem>> -> memref<1x128x64xf32, #tpu.memory_space<vmem>>
        %dma_wait3A_122 = tpu.memref_squeeze %dma_wait3A_121 : memref<1x128x64xf32, #tpu.memory_space<vmem>> -> memref<128x64xf32, #tpu.memory_space<vmem>>
        tpu.wait_dma2 semaphore(%arg15 : memref<!tpu.dma_semaphore, #tpu.memory_space<semaphore_mem>>) src(%dma_wait3A_122 : memref<128x64xf32, #tpu.memory_space<vmem>>) dst(%dma_wait3A_118 : memref<128x64xf32, #tpu.memory_space<hbm>>)
      } else {
      }
      %lt3A_78 = arith.constant 10 : i32
      %lt3A_79 = arith.cmpi slt, %scan3A_10, %lt3A_78 : i32
      %convert_element_type3A_80 = arith.extui %lt3A_79 : i1 to i32
      %cond3A_81 = arith.constant 0 : i32
      %cond3A_82 = arith.cmpi ne, %convert_element_type3A_80, %cond3A_81 : i32
      scf.if %cond3A_82 {
        %dma_start3A = arith.constant 3 : i32
        %dma_start3A_111 = arith.constant 0 : i32
        %dma_start3A_112 = arith.constant 0 : i32
        %dma_start3A_113 = tpu.memref_slice %arg6[%dma_start3A, %dma_start3A_111, %dma_start3A_112] : memref<5x128x64xf32, #tpu.memory_space<vmem>> -> memref<1x128x64xf32, #tpu.memory_space<vmem>>
        %dma_start3A_114 = tpu.memref_squeeze %dma_start3A_113 : memref<1x128x64xf32, #tpu.memory_space<vmem>> -> memref<128x64xf32, #tpu.memory_space<vmem>>
        %dma_start3A_115 = arith.constant 0 : i32
        %dma_start3A_116 = tpu.memref_slice %arg5[%add3A_72, %dma_start3A_115] : memref<50x128xi32, #tpu.memory_space<vmem>> -> memref<1x128xi32, #tpu.memory_space<vmem>>
        %dma_start3A_117 = tpu.memref_squeeze %dma_start3A_116 : memref<1x128xi32, #tpu.memory_space<vmem>> -> memref<128xi32, #tpu.memory_space<vmem>>
        %dma_start3A_118 = arith.constant 0 : i32
        %dma_start3A_119 = arith.constant 0 : i32
        %dma_start3A_120 = tpu.memref_slice %arg2[%dma_start3A_118, %dma_start3A_119] : memref<2312x64xf32, #tpu.memory_space<hbm>> -> memref<2312x64xf32, #tpu.memory_space<hbm>>
        tpu.enqueue_indirect_dma source(%dma_start3A_120 : memref<2312x64xf32, #tpu.memory_space<hbm>>) target(%dma_start3A_114 : memref<128x64xf32, #tpu.memory_space<vmem>>) offsets(%dma_start3A_117 : memref<128xi32, #tpu.memory_space<vmem>>) semaphore(%arg10 : memref<!tpu.dma_semaphore, #tpu.memory_space<semaphore_mem>>)
      } else {
      }
      %sub3A_83 = arith.constant 2 : i32
      %sub3A_84 = arith.subi %add3A_72, %sub3A_83 : i32
      %lt3A_85 = arith.constant 10 : i32
      %lt3A_86 = arith.cmpi slt, %scan3A_10, %lt3A_85 : i32
      %convert_element_type3A_87 = arith.extui %lt3A_86 : i1 to i32
      %cond3A_88 = arith.constant 0 : i32
      %cond3A_89 = arith.cmpi ne, %convert_element_type3A_87, %cond3A_88 : i32
      scf.if %cond3A_89 {
        %dma_wait3A = arith.constant 1 : i32
        %dma_wait3A_111 = arith.constant 0 : i32
        %dma_wait3A_112 = arith.constant 0 : i32
        %dma_wait3A_113 = tpu.memref_slice %arg6[%dma_wait3A, %dma_wait3A_111, %dma_wait3A_112] : memref<5x128x64xf32, #tpu.memory_space<vmem>> -> memref<1x128x64xf32, #tpu.memory_space<vmem>>
        %dma_wait3A_114 = tpu.memref_squeeze %dma_wait3A_113 : memref<1x128x64xf32, #tpu.memory_space<vmem>> -> memref<128x64xf32, #tpu.memory_space<vmem>>
        %dma_wait3A_115 = arith.constant 0 : i32
        %dma_wait3A_116 = tpu.memref_slice %arg5[%sub3A_84, %dma_wait3A_115] : memref<50x128xi32, #tpu.memory_space<vmem>> -> memref<1x128xi32, #tpu.memory_space<vmem>>
        %dma_wait3A_117 = tpu.memref_squeeze %dma_wait3A_116 : memref<1x128xi32, #tpu.memory_space<vmem>> -> memref<128xi32, #tpu.memory_space<vmem>>
        %dma_wait3A_118 = arith.constant 0 : i32
        %dma_wait3A_119 = arith.constant 0 : i32
        %dma_wait3A_120 = tpu.memref_slice %arg2[%dma_wait3A_118, %dma_wait3A_119] : memref<2312x64xf32, #tpu.memory_space<hbm>> -> memref<2312x64xf32, #tpu.memory_space<hbm>>
        tpu.wait_indirect_dma semaphore(%arg8 : memref<!tpu.dma_semaphore, #tpu.memory_space<semaphore_mem>>) src(%dma_wait3A_120 : memref<2312x64xf32, #tpu.memory_space<hbm>>) dst(%dma_wait3A_114 : memref<128x64xf32, #tpu.memory_space<vmem>>)
        %mul3A_121 = arith.constant 128 : i32
        %mul3A_122 = arith.muli %sub3A_84, %mul3A_121 : i32
        %add3A_123 = arith.addi %mul3A_4, %mul3A_122 : i32
        %dma_start3A = arith.constant 1 : i32
        %dma_start3A_124 = arith.constant 0 : i32
        %dma_start3A_125 = arith.constant 0 : i32
        %dma_start3A_126 = tpu.memref_slice %arg6[%dma_start3A, %dma_start3A_124, %dma_start3A_125] : memref<5x128x64xf32, #tpu.memory_space<vmem>> -> memref<1x128x64xf32, #tpu.memory_space<vmem>>
        %dma_start3A_127 = tpu.memref_squeeze %dma_start3A_126 : memref<1x128x64xf32, #tpu.memory_space<vmem>> -> memref<128x64xf32, #tpu.memory_space<vmem>>
        %dma_start3A_128 = arith.constant 0 : i32
        %dma_start3A_129 = tpu.memref_slice %arg4[%add3A_123, %dma_start3A_128] : memref<204800x128xf32, #tpu.memory_space<hbm>> -> memref<128x64xf32, #tpu.memory_space<hbm>>
        %dma_start3A_130 = arith.constant 0 : i32
        %dma_start3A_131 = tpu.memref_slice %arg4[%add3A_123, %dma_start3A_130] : memref<204800x128xf32, #tpu.memory_space<hbm>> -> memref<128x64xf32, #tpu.memory_space<hbm>>
        %dma_start3A_132 = arith.constant 0 : i32
        %dma_start3A_133 = arith.constant 0 : i32
        %dma_start3A_134 = tpu.memref_slice %arg6[%dma_start3A, %dma_start3A_132, %dma_start3A_133] : memref<5x128x64xf32, #tpu.memory_space<vmem>> -> memref<1x128x64xf32, #tpu.memory_space<vmem>>
        %dma_start3A_135 = tpu.memref_squeeze %dma_start3A_134 : memref<1x128x64xf32, #tpu.memory_space<vmem>> -> memref<128x64xf32, #tpu.memory_space<vmem>>
        tpu.enqueue_dma source(%dma_start3A_135 : memref<128x64xf32, #tpu.memory_space<vmem>>) target(%dma_start3A_131 : memref<128x64xf32, #tpu.memory_space<hbm>>) target_semaphore(%arg13 : memref<!tpu.dma_semaphore, #tpu.memory_space<semaphore_mem>>)
      } else {
      }
      %mul3A_90 = arith.constant 5 : i32
      %mul3A_91 = arith.muli %scan3A_10, %mul3A_90 : i32
      %add3A_92 = arith.constant 4 : i32
      %add3A_93 = arith.addi %mul3A_91, %add3A_92 : i32
      %ge3A_94 = arith.constant 1 : i32
      %ge3A_95 = arith.cmpi sge, %scan3A_10, %ge3A_94 : i32
      %convert_element_type3A_96 = arith.extui %ge3A_95 : i1 to i32
      %cond3A_97 = arith.constant 0 : i32
      %cond3A_98 = arith.cmpi ne, %convert_element_type3A_96, %cond3A_97 : i32
      scf.if %cond3A_98 {
        %dma_wait3A = arith.constant 4 : i32
        %dma_wait3A_111 = arith.constant 0 : i32
        %dma_wait3A_112 = arith.constant 0 : i32
        %dma_wait3A_113 = tpu.memref_slice %arg6[%dma_wait3A, %dma_wait3A_111, %dma_wait3A_112] : memref<5x128x64xf32, #tpu.memory_space<vmem>> -> memref<1x128x64xf32, #tpu.memory_space<vmem>>
        %dma_wait3A_114 = tpu.memref_squeeze %dma_wait3A_113 : memref<1x128x64xf32, #tpu.memory_space<vmem>> -> memref<128x64xf32, #tpu.memory_space<vmem>>
        %dma_wait3A_115 = arith.constant 0 : i32
        %dma_wait3A_116 = tpu.memref_slice %arg4[%mul3A_4, %dma_wait3A_115] : memref<204800x128xf32, #tpu.memory_space<hbm>> -> memref<128x64xf32, #tpu.memory_space<hbm>>
        %dma_wait3A_117 = arith.constant 0 : i32
        %dma_wait3A_118 = tpu.memref_slice %arg4[%mul3A_4, %dma_wait3A_117] : memref<204800x128xf32, #tpu.memory_space<hbm>> -> memref<128x64xf32, #tpu.memory_space<hbm>>
        %dma_wait3A_119 = arith.constant 0 : i32
        %dma_wait3A_120 = arith.constant 0 : i32
        %dma_wait3A_121 = tpu.memref_slice %arg6[%dma_wait3A, %dma_wait3A_119, %dma_wait3A_120] : memref<5x128x64xf32, #tpu.memory_space<vmem>> -> memref<1x128x64xf32, #tpu.memory_space<vmem>>
        %dma_wait3A_122 = tpu.memref_squeeze %dma_wait3A_121 : memref<1x128x64xf32, #tpu.memory_space<vmem>> -> memref<128x64xf32, #tpu.memory_space<vmem>>
        tpu.wait_dma2 semaphore(%arg16 : memref<!tpu.dma_semaphore, #tpu.memory_space<semaphore_mem>>) src(%dma_wait3A_122 : memref<128x64xf32, #tpu.memory_space<vmem>>) dst(%dma_wait3A_118 : memref<128x64xf32, #tpu.memory_space<hbm>>)
      } else {
      }
      %lt3A_99 = arith.constant 10 : i32
      %lt3A_100 = arith.cmpi slt, %scan3A_10, %lt3A_99 : i32
      %convert_element_type3A_101 = arith.extui %lt3A_100 : i1 to i32
      %cond3A_102 = arith.constant 0 : i32
      %cond3A_103 = arith.cmpi ne, %convert_element_type3A_101, %cond3A_102 : i32
      scf.if %cond3A_103 {
        %dma_start3A = arith.constant 4 : i32
        %dma_start3A_111 = arith.constant 0 : i32
        %dma_start3A_112 = arith.constant 0 : i32
        %dma_start3A_113 = tpu.memref_slice %arg6[%dma_start3A, %dma_start3A_111, %dma_start3A_112] : memref<5x128x64xf32, #tpu.memory_space<vmem>> -> memref<1x128x64xf32, #tpu.memory_space<vmem>>
        %dma_start3A_114 = tpu.memref_squeeze %dma_start3A_113 : memref<1x128x64xf32, #tpu.memory_space<vmem>> -> memref<128x64xf32, #tpu.memory_space<vmem>>
        %dma_start3A_115 = arith.constant 0 : i32
        %dma_start3A_116 = tpu.memref_slice %arg5[%add3A_93, %dma_start3A_115] : memref<50x128xi32, #tpu.memory_space<vmem>> -> memref<1x128xi32, #tpu.memory_space<vmem>>
        %dma_start3A_117 = tpu.memref_squeeze %dma_start3A_116 : memref<1x128xi32, #tpu.memory_space<vmem>> -> memref<128xi32, #tpu.memory_space<vmem>>
        %dma_start3A_118 = arith.constant 0 : i32
        %dma_start3A_119 = arith.constant 0 : i32
        %dma_start3A_120 = tpu.memref_slice %arg2[%dma_start3A_118, %dma_start3A_119] : memref<2312x64xf32, #tpu.memory_space<hbm>> -> memref<2312x64xf32, #tpu.memory_space<hbm>>
        tpu.enqueue_indirect_dma source(%dma_start3A_120 : memref<2312x64xf32, #tpu.memory_space<hbm>>) target(%dma_start3A_114 : memref<128x64xf32, #tpu.memory_space<vmem>>) offsets(%dma_start3A_117 : memref<128xi32, #tpu.memory_space<vmem>>) semaphore(%arg11 : memref<!tpu.dma_semaphore, #tpu.memory_space<semaphore_mem>>)
      } else {
      }
      %sub3A_104 = arith.constant 2 : i32
      %sub3A_105 = arith.subi %add3A_93, %sub3A_104 : i32
      %lt3A_106 = arith.constant 10 : i32
      %lt3A_107 = arith.cmpi slt, %scan3A_10, %lt3A_106 : i32
      %convert_element_type3A_108 = arith.extui %lt3A_107 : i1 to i32
      %cond3A_109 = arith.constant 0 : i32
      %cond3A_110 = arith.cmpi ne, %convert_element_type3A_108, %cond3A_109 : i32
      scf.if %cond3A_110 {
        %dma_wait3A = arith.constant 2 : i32
        %dma_wait3A_111 = arith.constant 0 : i32
        %dma_wait3A_112 = arith.constant 0 : i32
        %dma_wait3A_113 = tpu.memref_slice %arg6[%dma_wait3A, %dma_wait3A_111, %dma_wait3A_112] : memref<5x128x64xf32, #tpu.memory_space<vmem>> -> memref<1x128x64xf32, #tpu.memory_space<vmem>>
        %dma_wait3A_114 = tpu.memref_squeeze %dma_wait3A_113 : memref<1x128x64xf32, #tpu.memory_space<vmem>> -> memref<128x64xf32, #tpu.memory_space<vmem>>
        %dma_wait3A_115 = arith.constant 0 : i32
        %dma_wait3A_116 = tpu.memref_slice %arg5[%sub3A_105, %dma_wait3A_115] : memref<50x128xi32, #tpu.memory_space<vmem>> -> memref<1x128xi32, #tpu.memory_space<vmem>>
        %dma_wait3A_117 = tpu.memref_squeeze %dma_wait3A_116 : memref<1x128xi32, #tpu.memory_space<vmem>> -> memref<128xi32, #tpu.memory_space<vmem>>
        %dma_wait3A_118 = arith.constant 0 : i32
        %dma_wait3A_119 = arith.constant 0 : i32
        %dma_wait3A_120 = tpu.memref_slice %arg2[%dma_wait3A_118, %dma_wait3A_119] : memref<2312x64xf32, #tpu.memory_space<hbm>> -> memref<2312x64xf32, #tpu.memory_space<hbm>>
        tpu.wait_indirect_dma semaphore(%arg9 : memref<!tpu.dma_semaphore, #tpu.memory_space<semaphore_mem>>) src(%dma_wait3A_120 : memref<2312x64xf32, #tpu.memory_space<hbm>>) dst(%dma_wait3A_114 : memref<128x64xf32, #tpu.memory_space<vmem>>)
        %mul3A_121 = arith.constant 128 : i32
        %mul3A_122 = arith.muli %sub3A_105, %mul3A_121 : i32
        %add3A_123 = arith.addi %mul3A_4, %mul3A_122 : i32
        %dma_start3A = arith.constant 2 : i32
        %dma_start3A_124 = arith.constant 0 : i32
        %dma_start3A_125 = arith.constant 0 : i32
        %dma_start3A_126 = tpu.memref_slice %arg6[%dma_start3A, %dma_start3A_124, %dma_start3A_125] : memref<5x128x64xf32, #tpu.memory_space<vmem>> -> memref<1x128x64xf32, #tpu.memory_space<vmem>>
        %dma_start3A_127 = tpu.memref_squeeze %dma_start3A_126 : memref<1x128x64xf32, #tpu.memory_space<vmem>> -> memref<128x64xf32, #tpu.memory_space<vmem>>
        %dma_start3A_128 = arith.constant 0 : i32
        %dma_start3A_129 = tpu.memref_slice %arg4[%add3A_123, %dma_start3A_128] : memref<204800x128xf32, #tpu.memory_space<hbm>> -> memref<128x64xf32, #tpu.memory_space<hbm>>
        %dma_start3A_130 = arith.constant 0 : i32
        %dma_start3A_131 = tpu.memref_slice %arg4[%add3A_123, %dma_start3A_130] : memref<204800x128xf32, #tpu.memory_space<hbm>> -> memref<128x64xf32, #tpu.memory_space<hbm>>
        %dma_start3A_132 = arith.constant 0 : i32
        %dma_start3A_133 = arith.constant 0 : i32
        %dma_start3A_134 = tpu.memref_slice %arg6[%dma_start3A, %dma_start3A_132, %dma_start3A_133] : memref<5x128x64xf32, #tpu.memory_space<vmem>> -> memref<1x128x64xf32, #tpu.memory_space<vmem>>
        %dma_start3A_135 = tpu.memref_squeeze %dma_start3A_134 : memref<1x128x64xf32, #tpu.memory_space<vmem>> -> memref<128x64xf32, #tpu.memory_space<vmem>>
        tpu.enqueue_dma source(%dma_start3A_135 : memref<128x64xf32, #tpu.memory_space<vmem>>) target(%dma_start3A_131 : memref<128x64xf32, #tpu.memory_space<hbm>>) target_semaphore(%arg14 : memref<!tpu.dma_semaphore, #tpu.memory_space<semaphore_mem>>)
      } else {
      }
    }
    %scan3A_9 = arith.constant 11 : i32
    return
  }
}

#map = affine_map<(d0, d1) -> (0, 0)>
module attributes {stable_mosaic.version = 14 : i64} {
  func.func @_sc_body(%arg0: i32, %arg1: i32, %arg2: memref<2312x64xf32, #tpu.memory_space<hbm>>, %arg3: memref<1600x128xi32, #tpu.memory_space<hbm>>, %arg4: memref<204800x128xf32, #tpu.memory_space<hbm>>, %arg5: memref<50x128xi32, #tpu.memory_space<vmem>>, %arg6: memref<5x128x64xf32, #tpu.memory_space<vmem>>, %arg7: memref<!tpu.dma_semaphore, #tpu.memory_space<semaphore_mem>>, %arg8: memref<!tpu.dma_semaphore, #tpu.memory_space<semaphore_mem>>, %arg9: memref<!tpu.dma_semaphore, #tpu.memory_space<semaphore_mem>>, %arg10: memref<!tpu.dma_semaphore, #tpu.memory_space<semaphore_mem>>, %arg11: memref<!tpu.dma_semaphore, #tpu.memory_space<semaphore_mem>>, %arg12: memref<!tpu.dma_semaphore, #tpu.memory_space<semaphore_mem>>, %arg13: memref<!tpu.dma_semaphore, #tpu.memory_space<semaphore_mem>>, %arg14: memref<!tpu.dma_semaphore, #tpu.memory_space<semaphore_mem>>, %arg15: memref<!tpu.dma_semaphore, #tpu.memory_space<semaphore_mem>>, %arg16: memref<!tpu.dma_semaphore, #tpu.memory_space<semaphore_mem>>) attributes {dimension_semantics = [#tpu.dimension_semantics<core_parallel>, #tpu.dimension_semantics<subcore_parallel>], iteration_bounds = array<i64: 2, 16>, scalar_prefetch = 0 : i64, scratch_operands = 12 : i64, tpu.core_type = #tpu.core_type<sc_vector_subcore>, window_params = [{transform_indices = #map}, {transform_indices = #map}, {transform_indices = #map}]} {
    %mul3A = arith.constant 2 : i32
    %mul3A_0 = arith.muli %arg1, %mul3A : i32
    %add3A = arith.addi %mul3A_0, %arg0 : i32
    %mul3A_1 = arith.constant 50 : i32
    %mul3A_2 = arith.muli %add3A, %mul3A_1 : i32
    %mul3A_3 = arith.constant 6400 : i32
    %mul3A_4 = arith.muli %add3A, %mul3A_3 : i32
    "tpu.region"() ({
      %run_scoped3A = tpu.sem_alloc : memref<!tpu.dma_semaphore, #tpu.memory_space<semaphore_mem>>
      %dma_start3A = arith.constant 0 : i32
      %dma_start3A_10 = tpu.memref_slice %arg3[%mul3A_2, %dma_start3A] : memref<1600x128xi32, #tpu.memory_space<hbm>> -> memref<50x128xi32, #tpu.memory_space<hbm>>
      %dma_start3A_11 = arith.constant 0 : i32
      %dma_start3A_12 = tpu.memref_slice %arg3[%mul3A_2, %dma_start3A_11] : memref<1600x128xi32, #tpu.memory_space<hbm>> -> memref<50x128xi32, #tpu.memory_space<hbm>>
      tpu.enqueue_dma source(%dma_start3A_12 : memref<50x128xi32, #tpu.memory_space<hbm>>) target(%arg5 : memref<50x128xi32, #tpu.memory_space<vmem>>) target_semaphore(%run_scoped3A : memref<!tpu.dma_semaphore, #tpu.memory_space<semaphore_mem>>)
      %dma_wait3A = arith.constant 0 : i32
      %dma_wait3A_13 = tpu.memref_slice %arg3[%mul3A_2, %dma_wait3A] : memref<1600x128xi32, #tpu.memory_space<hbm>> -> memref<50x128xi32, #tpu.memory_space<hbm>>
      %dma_wait3A_14 = arith.constant 0 : i32
      %dma_wait3A_15 = tpu.memref_slice %arg3[%mul3A_2, %dma_wait3A_14] : memref<1600x128xi32, #tpu.memory_space<hbm>> -> memref<50x128xi32, #tpu.memory_space<hbm>>
      tpu.wait_dma2 semaphore(%run_scoped3A : memref<!tpu.dma_semaphore, #tpu.memory_space<semaphore_mem>>) src(%dma_wait3A_15 : memref<50x128xi32, #tpu.memory_space<hbm>>) dst(%arg5 : memref<50x128xi32, #tpu.memory_space<vmem>>)
      tpu.yield
    }) : () -> ()
    %scan3A = arith.constant 0 : i32
    %scan3A_5 = arith.constant 0 : i32
    %scan3A_6 = arith.constant 11 : i32
    %scan3A_7 = arith.addi %scan3A_5, %scan3A_6 : i32
    %scan3A_8 = arith.constant 1 : i32
    scf.for %scan3A_10 = %scan3A_5 to %scan3A_7 step %scan3A_8  : i32 {
      %mul3A_11 = arith.constant 5 : i32
      %mul3A_12 = arith.muli %scan3A_10, %mul3A_11 : i32
      %add3A_13 = arith.constant 0 : i32
      %add3A_14 = arith.addi %mul3A_12, %add3A_13 : i32
      %ge3A = arith.constant 1 : i32
      %ge3A_15 = arith.cmpi sge, %scan3A_10, %ge3A : i32
      %convert_element_type3A = arith.extui %ge3A_15 : i1 to i32
      %cond3A = arith.constant 0 : i32
      %cond3A_16 = arith.cmpi ne, %convert_element_type3A, %cond3A : i32
      scf.if %cond3A_16 {
        %dma_wait3A = arith.constant 0 : i32
        %dma_wait3A_111 = arith.constant 0 : i32
        %dma_wait3A_112 = arith.constant 0 : i32
        %dma_wait3A_113 = tpu.memref_slice %arg6[%dma_wait3A, %dma_wait3A_111, %dma_wait3A_112] : memref<5x128x64xf32, #tpu.memory_space<vmem>> -> memref<1x128x64xf32, #tpu.memory_space<vmem>>
        %dma_wait3A_114 = tpu.memref_squeeze %dma_wait3A_113 : memref<1x128x64xf32, #tpu.memory_space<vmem>> -> memref<128x64xf32, #tpu.memory_space<vmem>>
        %dma_wait3A_115 = arith.constant 0 : i32
        %dma_wait3A_116 = tpu.memref_slice %arg4[%mul3A_4, %dma_wait3A_115] : memref<204800x128xf32, #tpu.memory_space<hbm>> -> memref<128x64xf32, #tpu.memory_space<hbm>>
        %dma_wait3A_117 = arith.constant 0 : i32
        %dma_wait3A_118 = tpu.memref_slice %arg4[%mul3A_4, %dma_wait3A_117] : memref<204800x128xf32, #tpu.memory_space<hbm>> -> memref<128x64xf32, #tpu.memory_space<hbm>>
        %dma_wait3A_119 = arith.constant 0 : i32
        %dma_wait3A_120 = arith.constant 0 : i32
        %dma_wait3A_121 = tpu.memref_slice %arg6[%dma_wait3A, %dma_wait3A_119, %dma_wait3A_120] : memref<5x128x64xf32, #tpu.memory_space<vmem>> -> memref<1x128x64xf32, #tpu.memory_space<vmem>>
        %dma_wait3A_122 = tpu.memref_squeeze %dma_wait3A_121 : memref<1x128x64xf32, #tpu.memory_space<vmem>> -> memref<128x64xf32, #tpu.memory_space<vmem>>
        tpu.wait_dma2 semaphore(%arg12 : memref<!tpu.dma_semaphore, #tpu.memory_space<semaphore_mem>>) src(%dma_wait3A_122 : memref<128x64xf32, #tpu.memory_space<vmem>>) dst(%dma_wait3A_118 : memref<128x64xf32, #tpu.memory_space<hbm>>)
      } else {
      }
      %lt3A = arith.constant 10 : i32
      %lt3A_17 = arith.cmpi slt, %scan3A_10, %lt3A : i32
      %convert_element_type3A_18 = arith.extui %lt3A_17 : i1 to i32
      %cond3A_19 = arith.constant 0 : i32
      %cond3A_20 = arith.cmpi ne, %convert_element_type3A_18, %cond3A_19 : i32
      scf.if %cond3A_20 {
        %dma_start3A = arith.constant 0 : i32
        %dma_start3A_111 = arith.constant 0 : i32
        %dma_start3A_112 = arith.constant 0 : i32
        %dma_start3A_113 = tpu.memref_slice %arg6[%dma_start3A, %dma_start3A_111, %dma_start3A_112] : memref<5x128x64xf32, #tpu.memory_space<vmem>> -> memref<1x128x64xf32, #tpu.memory_space<vmem>>
        %dma_start3A_114 = tpu.memref_squeeze %dma_start3A_113 : memref<1x128x64xf32, #tpu.memory_space<vmem>> -> memref<128x64xf32, #tpu.memory_space<vmem>>
        %dma_start3A_115 = arith.constant 0 : i32
        %dma_start3A_116 = tpu.memref_slice %arg5[%add3A_14, %dma_start3A_115] : memref<50x128xi32, #tpu.memory_space<vmem>> -> memref<1x128xi32, #tpu.memory_space<vmem>>
        %dma_start3A_117 = tpu.memref_squeeze %dma_start3A_116 : memref<1x128xi32, #tpu.memory_space<vmem>> -> memref<128xi32, #tpu.memory_space<vmem>>
        %dma_start3A_118 = arith.constant 0 : i32
        %dma_start3A_119 = arith.constant 0 : i32
        %dma_start3A_120 = tpu.memref_slice %arg2[%dma_start3A_118, %dma_start3A_119] : memref<2312x64xf32, #tpu.memory_space<hbm>> -> memref<2312x64xf32, #tpu.memory_space<hbm>>
        tpu.enqueue_indirect_dma source(%dma_start3A_120 : memref<2312x64xf32, #tpu.memory_space<hbm>>) target(%dma_start3A_114 : memref<128x64xf32, #tpu.memory_space<vmem>>) offsets(%dma_start3A_117 : memref<128xi32, #tpu.memory_space<vmem>>) semaphore(%arg7 : memref<!tpu.dma_semaphore, #tpu.memory_space<semaphore_mem>>)
      } else {
      }
      %sub3A = arith.constant 2 : i32
      %sub3A_21 = arith.subi %add3A_14, %sub3A : i32
      %ge3A_22 = arith.constant 1 : i32
      %ge3A_23 = arith.cmpi sge, %scan3A_10, %ge3A_22 : i32
      %convert_element_type3A_24 = arith.extui %ge3A_23 : i1 to i32
      %cond3A_25 = arith.constant 0 : i32
      %cond3A_26 = arith.cmpi ne, %convert_element_type3A_24, %cond3A_25 : i32
      scf.if %cond3A_26 {
        %dma_wait3A = arith.constant 3 : i32
        %dma_wait3A_111 = arith.constant 0 : i32
        %dma_wait3A_112 = arith.constant 0 : i32
        %dma_wait3A_113 = tpu.memref_slice %arg6[%dma_wait3A, %dma_wait3A_111, %dma_wait3A_112] : memref<5x128x64xf32, #tpu.memory_space<vmem>> -> memref<1x128x64xf32, #tpu.memory_space<vmem>>
        %dma_wait3A_114 = tpu.memref_squeeze %dma_wait3A_113 : memref<1x128x64xf32, #tpu.memory_space<vmem>> -> memref<128x64xf32, #tpu.memory_space<vmem>>
        %dma_wait3A_115 = arith.constant 0 : i32
        %dma_wait3A_116 = tpu.memref_slice %arg5[%sub3A_21, %dma_wait3A_115] : memref<50x128xi32, #tpu.memory_space<vmem>> -> memref<1x128xi32, #tpu.memory_space<vmem>>
        %dma_wait3A_117 = tpu.memref_squeeze %dma_wait3A_116 : memref<1x128xi32, #tpu.memory_space<vmem>> -> memref<128xi32, #tpu.memory_space<vmem>>
        %dma_wait3A_118 = arith.constant 0 : i32
        %dma_wait3A_119 = arith.constant 0 : i32
        %dma_wait3A_120 = tpu.memref_slice %arg2[%dma_wait3A_118, %dma_wait3A_119] : memref<2312x64xf32, #tpu.memory_space<hbm>> -> memref<2312x64xf32, #tpu.memory_space<hbm>>
        tpu.wait_indirect_dma semaphore(%arg10 : memref<!tpu.dma_semaphore, #tpu.memory_space<semaphore_mem>>) src(%dma_wait3A_120 : memref<2312x64xf32, #tpu.memory_space<hbm>>) dst(%dma_wait3A_114 : memref<128x64xf32, #tpu.memory_space<vmem>>)
        %mul3A_121 = arith.constant 128 : i32
        %mul3A_122 = arith.muli %sub3A_21, %mul3A_121 : i32
        %add3A_123 = arith.addi %mul3A_4, %mul3A_122 : i32
        %dma_start3A = arith.constant 3 : i32
        %dma_start3A_124 = arith.constant 0 : i32
        %dma_start3A_125 = arith.constant 0 : i32
        %dma_start3A_126 = tpu.memref_slice %arg6[%dma_start3A, %dma_start3A_124, %dma_start3A_125] : memref<5x128x64xf32, #tpu.memory_space<vmem>> -> memref<1x128x64xf32, #tpu.memory_space<vmem>>
        %dma_start3A_127 = tpu.memref_squeeze %dma_start3A_126 : memref<1x128x64xf32, #tpu.memory_space<vmem>> -> memref<128x64xf32, #tpu.memory_space<vmem>>
        %dma_start3A_128 = arith.constant 0 : i32
        %dma_start3A_129 = tpu.memref_slice %arg4[%add3A_123, %dma_start3A_128] : memref<204800x128xf32, #tpu.memory_space<hbm>> -> memref<128x64xf32, #tpu.memory_space<hbm>>
        %dma_start3A_130 = arith.constant 0 : i32
        %dma_start3A_131 = tpu.memref_slice %arg4[%add3A_123, %dma_start3A_130] : memref<204800x128xf32, #tpu.memory_space<hbm>> -> memref<128x64xf32, #tpu.memory_space<hbm>>
        %dma_start3A_132 = arith.constant 0 : i32
        %dma_start3A_133 = arith.constant 0 : i32
        %dma_start3A_134 = tpu.memref_slice %arg6[%dma_start3A, %dma_start3A_132, %dma_start3A_133] : memref<5x128x64xf32, #tpu.memory_space<vmem>> -> memref<1x128x64xf32, #tpu.memory_space<vmem>>
        %dma_start3A_135 = tpu.memref_squeeze %dma_start3A_134 : memref<1x128x64xf32, #tpu.memory_space<vmem>> -> memref<128x64xf32, #tpu.memory_space<vmem>>
        tpu.enqueue_dma source(%dma_start3A_135 : memref<128x64xf32, #tpu.memory_space<vmem>>) target(%dma_start3A_131 : memref<128x64xf32, #tpu.memory_space<hbm>>) target_semaphore(%arg15 : memref<!tpu.dma_semaphore, #tpu.memory_space<semaphore_mem>>)
      } else {
      }
      %mul3A_27 = arith.constant 5 : i32
      %mul3A_28 = arith.muli %scan3A_10, %mul3A_27 : i32
      %add3A_29 = arith.constant 1 : i32
      %add3A_30 = arith.addi %mul3A_28, %add3A_29 : i32
      %ge3A_31 = arith.constant 1 : i32
      %ge3A_32 = arith.cmpi sge, %scan3A_10, %ge3A_31 : i32
      %convert_element_type3A_33 = arith.extui %ge3A_32 : i1 to i32
      %cond3A_34 = arith.constant 0 : i32
      %cond3A_35 = arith.cmpi ne, %convert_element_type3A_33, %cond3A_34 : i32
      scf.if %cond3A_35 {
        %dma_wait3A = arith.constant 1 : i32
        %dma_wait3A_111 = arith.constant 0 : i32
        %dma_wait3A_112 = arith.constant 0 : i32
        %dma_wait3A_113 = tpu.memref_slice %arg6[%dma_wait3A, %dma_wait3A_111, %dma_wait3A_112] : memref<5x128x64xf32, #tpu.memory_space<vmem>> -> memref<1x128x64xf32, #tpu.memory_space<vmem>>
        %dma_wait3A_114 = tpu.memref_squeeze %dma_wait3A_113 : memref<1x128x64xf32, #tpu.memory_space<vmem>> -> memref<128x64xf32, #tpu.memory_space<vmem>>
        %dma_wait3A_115 = arith.constant 0 : i32
        %dma_wait3A_116 = tpu.memref_slice %arg4[%mul3A_4, %dma_wait3A_115] : memref<204800x128xf32, #tpu.memory_space<hbm>> -> memref<128x64xf32, #tpu.memory_space<hbm>>
        %dma_wait3A_117 = arith.constant 0 : i32
        %dma_wait3A_118 = tpu.memref_slice %arg4[%mul3A_4, %dma_wait3A_117] : memref<204800x128xf32, #tpu.memory_space<hbm>> -> memref<128x64xf32, #tpu.memory_space<hbm>>
        %dma_wait3A_119 = arith.constant 0 : i32
        %dma_wait3A_120 = arith.constant 0 : i32
        %dma_wait3A_121 = tpu.memref_slice %arg6[%dma_wait3A, %dma_wait3A_119, %dma_wait3A_120] : memref<5x128x64xf32, #tpu.memory_space<vmem>> -> memref<1x128x64xf32, #tpu.memory_space<vmem>>
        %dma_wait3A_122 = tpu.memref_squeeze %dma_wait3A_121 : memref<1x128x64xf32, #tpu.memory_space<vmem>> -> memref<128x64xf32, #tpu.memory_space<vmem>>
        tpu.wait_dma2 semaphore(%arg13 : memref<!tpu.dma_semaphore, #tpu.memory_space<semaphore_mem>>) src(%dma_wait3A_122 : memref<128x64xf32, #tpu.memory_space<vmem>>) dst(%dma_wait3A_118 : memref<128x64xf32, #tpu.memory_space<hbm>>)
      } else {
      }
      %lt3A_36 = arith.constant 10 : i32
      %lt3A_37 = arith.cmpi slt, %scan3A_10, %lt3A_36 : i32
      %convert_element_type3A_38 = arith.extui %lt3A_37 : i1 to i32
      %cond3A_39 = arith.constant 0 : i32
      %cond3A_40 = arith.cmpi ne, %convert_element_type3A_38, %cond3A_39 : i32
      scf.if %cond3A_40 {
        %dma_start3A = arith.constant 1 : i32
        %dma_start3A_111 = arith.constant 0 : i32
        %dma_start3A_112 = arith.constant 0 : i32
        %dma_start3A_113 = tpu.memref_slice %arg6[%dma_start3A, %dma_start3A_111, %dma_start3A_112] : memref<5x128x64xf32, #tpu.memory_space<vmem>> -> memref<1x128x64xf32, #tpu.memory_space<vmem>>
        %dma_start3A_114 = tpu.memref_squeeze %dma_start3A_113 : memref<1x128x64xf32, #tpu.memory_space<vmem>> -> memref<128x64xf32, #tpu.memory_space<vmem>>
        %dma_start3A_115 = arith.constant 0 : i32
        %dma_start3A_116 = tpu.memref_slice %arg5[%add3A_30, %dma_start3A_115] : memref<50x128xi32, #tpu.memory_space<vmem>> -> memref<1x128xi32, #tpu.memory_space<vmem>>
        %dma_start3A_117 = tpu.memref_squeeze %dma_start3A_116 : memref<1x128xi32, #tpu.memory_space<vmem>> -> memref<128xi32, #tpu.memory_space<vmem>>
        %dma_start3A_118 = arith.constant 0 : i32
        %dma_start3A_119 = arith.constant 0 : i32
        %dma_start3A_120 = tpu.memref_slice %arg2[%dma_start3A_118, %dma_start3A_119] : memref<2312x64xf32, #tpu.memory_space<hbm>> -> memref<2312x64xf32, #tpu.memory_space<hbm>>
        tpu.enqueue_indirect_dma source(%dma_start3A_120 : memref<2312x64xf32, #tpu.memory_space<hbm>>) target(%dma_start3A_114 : memref<128x64xf32, #tpu.memory_space<vmem>>) offsets(%dma_start3A_117 : memref<128xi32, #tpu.memory_space<vmem>>) semaphore(%arg8 : memref<!tpu.dma_semaphore, #tpu.memory_space<semaphore_mem>>)
      } else {
      }
      %sub3A_41 = arith.constant 2 : i32
      %sub3A_42 = arith.subi %add3A_30, %sub3A_41 : i32
      %ge3A_43 = arith.constant 1 : i32
      %ge3A_44 = arith.cmpi sge, %scan3A_10, %ge3A_43 : i32
      %convert_element_type3A_45 = arith.extui %ge3A_44 : i1 to i32
      %cond3A_46 = arith.constant 0 : i32
      %cond3A_47 = arith.cmpi ne, %convert_element_type3A_45, %cond3A_46 : i32
      scf.if %cond3A_47 {
        %dma_wait3A = arith.constant 4 : i32
        %dma_wait3A_111 = arith.constant 0 : i32
        %dma_wait3A_112 = arith.constant 0 : i32
        %dma_wait3A_113 = tpu.memref_slice %arg6[%dma_wait3A, %dma_wait3A_111, %dma_wait3A_112] : memref<5x128x64xf32, #tpu.memory_space<vmem>> -> memref<1x128x64xf32, #tpu.memory_space<vmem>>
        %dma_wait3A_114 = tpu.memref_squeeze %dma_wait3A_113 : memref<1x128x64xf32, #tpu.memory_space<vmem>> -> memref<128x64xf32, #tpu.memory_space<vmem>>
        %dma_wait3A_115 = arith.constant 0 : i32
        %dma_wait3A_116 = tpu.memref_slice %arg5[%sub3A_42, %dma_wait3A_115] : memref<50x128xi32, #tpu.memory_space<vmem>> -> memref<1x128xi32, #tpu.memory_space<vmem>>
        %dma_wait3A_117 = tpu.memref_squeeze %dma_wait3A_116 : memref<1x128xi32, #tpu.memory_space<vmem>> -> memref<128xi32, #tpu.memory_space<vmem>>
        %dma_wait3A_118 = arith.constant 0 : i32
        %dma_wait3A_119 = arith.constant 0 : i32
        %dma_wait3A_120 = tpu.memref_slice %arg2[%dma_wait3A_118, %dma_wait3A_119] : memref<2312x64xf32, #tpu.memory_space<hbm>> -> memref<2312x64xf32, #tpu.memory_space<hbm>>
        tpu.wait_indirect_dma semaphore(%arg11 : memref<!tpu.dma_semaphore, #tpu.memory_space<semaphore_mem>>) src(%dma_wait3A_120 : memref<2312x64xf32, #tpu.memory_space<hbm>>) dst(%dma_wait3A_114 : memref<128x64xf32, #tpu.memory_space<vmem>>)
        %mul3A_121 = arith.constant 128 : i32
        %mul3A_122 = arith.muli %sub3A_42, %mul3A_121 : i32
        %add3A_123 = arith.addi %mul3A_4, %mul3A_122 : i32
        %dma_start3A = arith.constant 4 : i32
        %dma_start3A_124 = arith.constant 0 : i32
        %dma_start3A_125 = arith.constant 0 : i32
        %dma_start3A_126 = tpu.memref_slice %arg6[%dma_start3A, %dma_start3A_124, %dma_start3A_125] : memref<5x128x64xf32, #tpu.memory_space<vmem>> -> memref<1x128x64xf32, #tpu.memory_space<vmem>>
        %dma_start3A_127 = tpu.memref_squeeze %dma_start3A_126 : memref<1x128x64xf32, #tpu.memory_space<vmem>> -> memref<128x64xf32, #tpu.memory_space<vmem>>
        %dma_start3A_128 = arith.constant 0 : i32
        %dma_start3A_129 = tpu.memref_slice %arg4[%add3A_123, %dma_start3A_128] : memref<204800x128xf32, #tpu.memory_space<hbm>> -> memref<128x64xf32, #tpu.memory_space<hbm>>
        %dma_start3A_130 = arith.constant 0 : i32
        %dma_start3A_131 = tpu.memref_slice %arg4[%add3A_123, %dma_start3A_130] : memref<204800x128xf32, #tpu.memory_space<hbm>> -> memref<128x64xf32, #tpu.memory_space<hbm>>
        %dma_start3A_132 = arith.constant 0 : i32
        %dma_start3A_133 = arith.constant 0 : i32
        %dma_start3A_134 = tpu.memref_slice %arg6[%dma_start3A, %dma_start3A_132, %dma_start3A_133] : memref<5x128x64xf32, #tpu.memory_space<vmem>> -> memref<1x128x64xf32, #tpu.memory_space<vmem>>
        %dma_start3A_135 = tpu.memref_squeeze %dma_start3A_134 : memref<1x128x64xf32, #tpu.memory_space<vmem>> -> memref<128x64xf32, #tpu.memory_space<vmem>>
        tpu.enqueue_dma source(%dma_start3A_135 : memref<128x64xf32, #tpu.memory_space<vmem>>) target(%dma_start3A_131 : memref<128x64xf32, #tpu.memory_space<hbm>>) target_semaphore(%arg16 : memref<!tpu.dma_semaphore, #tpu.memory_space<semaphore_mem>>)
      } else {
      }
      %mul3A_48 = arith.constant 5 : i32
      %mul3A_49 = arith.muli %scan3A_10, %mul3A_48 : i32
      %add3A_50 = arith.constant 2 : i32
      %add3A_51 = arith.addi %mul3A_49, %add3A_50 : i32
      %ge3A_52 = arith.constant 1 : i32
      %ge3A_53 = arith.cmpi sge, %scan3A_10, %ge3A_52 : i32
      %convert_element_type3A_54 = arith.extui %ge3A_53 : i1 to i32
      %cond3A_55 = arith.constant 0 : i32
      %cond3A_56 = arith.cmpi ne, %convert_element_type3A_54, %cond3A_55 : i32
      scf.if %cond3A_56 {
        %dma_wait3A = arith.constant 2 : i32
        %dma_wait3A_111 = arith.constant 0 : i32
        %dma_wait3A_112 = arith.constant 0 : i32
        %dma_wait3A_113 = tpu.memref_slice %arg6[%dma_wait3A, %dma_wait3A_111, %dma_wait3A_112] : memref<5x128x64xf32, #tpu.memory_space<vmem>> -> memref<1x128x64xf32, #tpu.memory_space<vmem>>
        %dma_wait3A_114 = tpu.memref_squeeze %dma_wait3A_113 : memref<1x128x64xf32, #tpu.memory_space<vmem>> -> memref<128x64xf32, #tpu.memory_space<vmem>>
        %dma_wait3A_115 = arith.constant 0 : i32
        %dma_wait3A_116 = tpu.memref_slice %arg4[%mul3A_4, %dma_wait3A_115] : memref<204800x128xf32, #tpu.memory_space<hbm>> -> memref<128x64xf32, #tpu.memory_space<hbm>>
        %dma_wait3A_117 = arith.constant 0 : i32
        %dma_wait3A_118 = tpu.memref_slice %arg4[%mul3A_4, %dma_wait3A_117] : memref<204800x128xf32, #tpu.memory_space<hbm>> -> memref<128x64xf32, #tpu.memory_space<hbm>>
        %dma_wait3A_119 = arith.constant 0 : i32
        %dma_wait3A_120 = arith.constant 0 : i32
        %dma_wait3A_121 = tpu.memref_slice %arg6[%dma_wait3A, %dma_wait3A_119, %dma_wait3A_120] : memref<5x128x64xf32, #tpu.memory_space<vmem>> -> memref<1x128x64xf32, #tpu.memory_space<vmem>>
        %dma_wait3A_122 = tpu.memref_squeeze %dma_wait3A_121 : memref<1x128x64xf32, #tpu.memory_space<vmem>> -> memref<128x64xf32, #tpu.memory_space<vmem>>
        tpu.wait_dma2 semaphore(%arg14 : memref<!tpu.dma_semaphore, #tpu.memory_space<semaphore_mem>>) src(%dma_wait3A_122 : memref<128x64xf32, #tpu.memory_space<vmem>>) dst(%dma_wait3A_118 : memref<128x64xf32, #tpu.memory_space<hbm>>)
      } else {
      }
      %lt3A_57 = arith.constant 10 : i32
      %lt3A_58 = arith.cmpi slt, %scan3A_10, %lt3A_57 : i32
      %convert_element_type3A_59 = arith.extui %lt3A_58 : i1 to i32
      %cond3A_60 = arith.constant 0 : i32
      %cond3A_61 = arith.cmpi ne, %convert_element_type3A_59, %cond3A_60 : i32
      scf.if %cond3A_61 {
        %dma_start3A = arith.constant 2 : i32
        %dma_start3A_111 = arith.constant 0 : i32
        %dma_start3A_112 = arith.constant 0 : i32
        %dma_start3A_113 = tpu.memref_slice %arg6[%dma_start3A, %dma_start3A_111, %dma_start3A_112] : memref<5x128x64xf32, #tpu.memory_space<vmem>> -> memref<1x128x64xf32, #tpu.memory_space<vmem>>
        %dma_start3A_114 = tpu.memref_squeeze %dma_start3A_113 : memref<1x128x64xf32, #tpu.memory_space<vmem>> -> memref<128x64xf32, #tpu.memory_space<vmem>>
        %dma_start3A_115 = arith.constant 0 : i32
        %dma_start3A_116 = tpu.memref_slice %arg5[%add3A_51, %dma_start3A_115] : memref<50x128xi32, #tpu.memory_space<vmem>> -> memref<1x128xi32, #tpu.memory_space<vmem>>
        %dma_start3A_117 = tpu.memref_squeeze %dma_start3A_116 : memref<1x128xi32, #tpu.memory_space<vmem>> -> memref<128xi32, #tpu.memory_space<vmem>>
        %dma_start3A_118 = arith.constant 0 : i32
        %dma_start3A_119 = arith.constant 0 : i32
        %dma_start3A_120 = tpu.memref_slice %arg2[%dma_start3A_118, %dma_start3A_119] : memref<2312x64xf32, #tpu.memory_space<hbm>> -> memref<2312x64xf32, #tpu.memory_space<hbm>>
        tpu.enqueue_indirect_dma source(%dma_start3A_120 : memref<2312x64xf32, #tpu.memory_space<hbm>>) target(%dma_start3A_114 : memref<128x64xf32, #tpu.memory_space<vmem>>) offsets(%dma_start3A_117 : memref<128xi32, #tpu.memory_space<vmem>>) semaphore(%arg9 : memref<!tpu.dma_semaphore, #tpu.memory_space<semaphore_mem>>)
      } else {
      }
      %sub3A_62 = arith.constant 2 : i32
      %sub3A_63 = arith.subi %add3A_51, %sub3A_62 : i32
      %lt3A_64 = arith.constant 10 : i32
      %lt3A_65 = arith.cmpi slt, %scan3A_10, %lt3A_64 : i32
      %convert_element_type3A_66 = arith.extui %lt3A_65 : i1 to i32
      %cond3A_67 = arith.constant 0 : i32
      %cond3A_68 = arith.cmpi ne, %convert_element_type3A_66, %cond3A_67 : i32
      scf.if %cond3A_68 {
        %dma_wait3A = arith.constant 0 : i32
        %dma_wait3A_111 = arith.constant 0 : i32
        %dma_wait3A_112 = arith.constant 0 : i32
        %dma_wait3A_113 = tpu.memref_slice %arg6[%dma_wait3A, %dma_wait3A_111, %dma_wait3A_112] : memref<5x128x64xf32, #tpu.memory_space<vmem>> -> memref<1x128x64xf32, #tpu.memory_space<vmem>>
        %dma_wait3A_114 = tpu.memref_squeeze %dma_wait3A_113 : memref<1x128x64xf32, #tpu.memory_space<vmem>> -> memref<128x64xf32, #tpu.memory_space<vmem>>
        %dma_wait3A_115 = arith.constant 0 : i32
        %dma_wait3A_116 = tpu.memref_slice %arg5[%sub3A_63, %dma_wait3A_115] : memref<50x128xi32, #tpu.memory_space<vmem>> -> memref<1x128xi32, #tpu.memory_space<vmem>>
        %dma_wait3A_117 = tpu.memref_squeeze %dma_wait3A_116 : memref<1x128xi32, #tpu.memory_space<vmem>> -> memref<128xi32, #tpu.memory_space<vmem>>
        %dma_wait3A_118 = arith.constant 0 : i32
        %dma_wait3A_119 = arith.constant 0 : i32
        %dma_wait3A_120 = tpu.memref_slice %arg2[%dma_wait3A_118, %dma_wait3A_119] : memref<2312x64xf32, #tpu.memory_space<hbm>> -> memref<2312x64xf32, #tpu.memory_space<hbm>>
        tpu.wait_indirect_dma semaphore(%arg7 : memref<!tpu.dma_semaphore, #tpu.memory_space<semaphore_mem>>) src(%dma_wait3A_120 : memref<2312x64xf32, #tpu.memory_space<hbm>>) dst(%dma_wait3A_114 : memref<128x64xf32, #tpu.memory_space<vmem>>)
        %mul3A_121 = arith.constant 128 : i32
        %mul3A_122 = arith.muli %sub3A_63, %mul3A_121 : i32
        %add3A_123 = arith.addi %mul3A_4, %mul3A_122 : i32
        %dma_start3A = arith.constant 0 : i32
        %dma_start3A_124 = arith.constant 0 : i32
        %dma_start3A_125 = arith.constant 0 : i32
        %dma_start3A_126 = tpu.memref_slice %arg6[%dma_start3A, %dma_start3A_124, %dma_start3A_125] : memref<5x128x64xf32, #tpu.memory_space<vmem>> -> memref<1x128x64xf32, #tpu.memory_space<vmem>>
        %dma_start3A_127 = tpu.memref_squeeze %dma_start3A_126 : memref<1x128x64xf32, #tpu.memory_space<vmem>> -> memref<128x64xf32, #tpu.memory_space<vmem>>
        %dma_start3A_128 = arith.constant 0 : i32
        %dma_start3A_129 = tpu.memref_slice %arg4[%add3A_123, %dma_start3A_128] : memref<204800x128xf32, #tpu.memory_space<hbm>> -> memref<128x64xf32, #tpu.memory_space<hbm>>
        %dma_start3A_130 = arith.constant 0 : i32
        %dma_start3A_131 = tpu.memref_slice %arg4[%add3A_123, %dma_start3A_130] : memref<204800x128xf32, #tpu.memory_space<hbm>> -> memref<128x64xf32, #tpu.memory_space<hbm>>
        %dma_start3A_132 = arith.constant 0 : i32
        %dma_start3A_133 = arith.constant 0 : i32
        %dma_start3A_134 = tpu.memref_slice %arg6[%dma_start3A, %dma_start3A_132, %dma_start3A_133] : memref<5x128x64xf32, #tpu.memory_space<vmem>> -> memref<1x128x64xf32, #tpu.memory_space<vmem>>
        %dma_start3A_135 = tpu.memref_squeeze %dma_start3A_134 : memref<1x128x64xf32, #tpu.memory_space<vmem>> -> memref<128x64xf32, #tpu.memory_space<vmem>>
        tpu.enqueue_dma source(%dma_start3A_135 : memref<128x64xf32, #tpu.memory_space<vmem>>) target(%dma_start3A_131 : memref<128x64xf32, #tpu.memory_space<hbm>>) target_semaphore(%arg12 : memref<!tpu.dma_semaphore, #tpu.memory_space<semaphore_mem>>)
      } else {
      }
      %mul3A_69 = arith.constant 5 : i32
      %mul3A_70 = arith.muli %scan3A_10, %mul3A_69 : i32
      %add3A_71 = arith.constant 3 : i32
      %add3A_72 = arith.addi %mul3A_70, %add3A_71 : i32
      %ge3A_73 = arith.constant 1 : i32
      %ge3A_74 = arith.cmpi sge, %scan3A_10, %ge3A_73 : i32
      %convert_element_type3A_75 = arith.extui %ge3A_74 : i1 to i32
      %cond3A_76 = arith.constant 0 : i32
      %cond3A_77 = arith.cmpi ne, %convert_element_type3A_75, %cond3A_76 : i32
      scf.if %cond3A_77 {
        %dma_wait3A = arith.constant 3 : i32
        %dma_wait3A_111 = arith.constant 0 : i32
        %dma_wait3A_112 = arith.constant 0 : i32
        %dma_wait3A_113 = tpu.memref_slice %arg6[%dma_wait3A, %dma_wait3A_111, %dma_wait3A_112] : memref<5x128x64xf32, #tpu.memory_space<vmem>> -> memref<1x128x64xf32, #tpu.memory_space<vmem>>
        %dma_wait3A_114 = tpu.memref_squeeze %dma_wait3A_113 : memref<1x128x64xf32, #tpu.memory_space<vmem>> -> memref<128x64xf32, #tpu.memory_space<vmem>>
        %dma_wait3A_115 = arith.constant 0 : i32
        %dma_wait3A_116 = tpu.memref_slice %arg4[%mul3A_4, %dma_wait3A_115] : memref<204800x128xf32, #tpu.memory_space<hbm>> -> memref<128x64xf32, #tpu.memory_space<hbm>>
        %dma_wait3A_117 = arith.constant 0 : i32
        %dma_wait3A_118 = tpu.memref_slice %arg4[%mul3A_4, %dma_wait3A_117] : memref<204800x128xf32, #tpu.memory_space<hbm>> -> memref<128x64xf32, #tpu.memory_space<hbm>>
        %dma_wait3A_119 = arith.constant 0 : i32
        %dma_wait3A_120 = arith.constant 0 : i32
        %dma_wait3A_121 = tpu.memref_slice %arg6[%dma_wait3A, %dma_wait3A_119, %dma_wait3A_120] : memref<5x128x64xf32, #tpu.memory_space<vmem>> -> memref<1x128x64xf32, #tpu.memory_space<vmem>>
        %dma_wait3A_122 = tpu.memref_squeeze %dma_wait3A_121 : memref<1x128x64xf32, #tpu.memory_space<vmem>> -> memref<128x64xf32, #tpu.memory_space<vmem>>
        tpu.wait_dma2 semaphore(%arg15 : memref<!tpu.dma_semaphore, #tpu.memory_space<semaphore_mem>>) src(%dma_wait3A_122 : memref<128x64xf32, #tpu.memory_space<vmem>>) dst(%dma_wait3A_118 : memref<128x64xf32, #tpu.memory_space<hbm>>)
      } else {
      }
      %lt3A_78 = arith.constant 10 : i32
      %lt3A_79 = arith.cmpi slt, %scan3A_10, %lt3A_78 : i32
      %convert_element_type3A_80 = arith.extui %lt3A_79 : i1 to i32
      %cond3A_81 = arith.constant 0 : i32
      %cond3A_82 = arith.cmpi ne, %convert_element_type3A_80, %cond3A_81 : i32
      scf.if %cond3A_82 {
        %dma_start3A = arith.constant 3 : i32
        %dma_start3A_111 = arith.constant 0 : i32
        %dma_start3A_112 = arith.constant 0 : i32
        %dma_start3A_113 = tpu.memref_slice %arg6[%dma_start3A, %dma_start3A_111, %dma_start3A_112] : memref<5x128x64xf32, #tpu.memory_space<vmem>> -> memref<1x128x64xf32, #tpu.memory_space<vmem>>
        %dma_start3A_114 = tpu.memref_squeeze %dma_start3A_113 : memref<1x128x64xf32, #tpu.memory_space<vmem>> -> memref<128x64xf32, #tpu.memory_space<vmem>>
        %dma_start3A_115 = arith.constant 0 : i32
        %dma_start3A_116 = tpu.memref_slice %arg5[%add3A_72, %dma_start3A_115] : memref<50x128xi32, #tpu.memory_space<vmem>> -> memref<1x128xi32, #tpu.memory_space<vmem>>
        %dma_start3A_117 = tpu.memref_squeeze %dma_start3A_116 : memref<1x128xi32, #tpu.memory_space<vmem>> -> memref<128xi32, #tpu.memory_space<vmem>>
        %dma_start3A_118 = arith.constant 0 : i32
        %dma_start3A_119 = arith.constant 0 : i32
        %dma_start3A_120 = tpu.memref_slice %arg2[%dma_start3A_118, %dma_start3A_119] : memref<2312x64xf32, #tpu.memory_space<hbm>> -> memref<2312x64xf32, #tpu.memory_space<hbm>>
        tpu.enqueue_indirect_dma source(%dma_start3A_120 : memref<2312x64xf32, #tpu.memory_space<hbm>>) target(%dma_start3A_114 : memref<128x64xf32, #tpu.memory_space<vmem>>) offsets(%dma_start3A_117 : memref<128xi32, #tpu.memory_space<vmem>>) semaphore(%arg10 : memref<!tpu.dma_semaphore, #tpu.memory_space<semaphore_mem>>)
      } else {
      }
      %sub3A_83 = arith.constant 2 : i32
      %sub3A_84 = arith.subi %add3A_72, %sub3A_83 : i32
      %lt3A_85 = arith.constant 10 : i32
      %lt3A_86 = arith.cmpi slt, %scan3A_10, %lt3A_85 : i32
      %convert_element_type3A_87 = arith.extui %lt3A_86 : i1 to i32
      %cond3A_88 = arith.constant 0 : i32
      %cond3A_89 = arith.cmpi ne, %convert_element_type3A_87, %cond3A_88 : i32
      scf.if %cond3A_89 {
        %dma_wait3A = arith.constant 1 : i32
        %dma_wait3A_111 = arith.constant 0 : i32
        %dma_wait3A_112 = arith.constant 0 : i32
        %dma_wait3A_113 = tpu.memref_slice %arg6[%dma_wait3A, %dma_wait3A_111, %dma_wait3A_112] : memref<5x128x64xf32, #tpu.memory_space<vmem>> -> memref<1x128x64xf32, #tpu.memory_space<vmem>>
        %dma_wait3A_114 = tpu.memref_squeeze %dma_wait3A_113 : memref<1x128x64xf32, #tpu.memory_space<vmem>> -> memref<128x64xf32, #tpu.memory_space<vmem>>
        %dma_wait3A_115 = arith.constant 0 : i32
        %dma_wait3A_116 = tpu.memref_slice %arg5[%sub3A_84, %dma_wait3A_115] : memref<50x128xi32, #tpu.memory_space<vmem>> -> memref<1x128xi32, #tpu.memory_space<vmem>>
        %dma_wait3A_117 = tpu.memref_squeeze %dma_wait3A_116 : memref<1x128xi32, #tpu.memory_space<vmem>> -> memref<128xi32, #tpu.memory_space<vmem>>
        %dma_wait3A_118 = arith.constant 0 : i32
        %dma_wait3A_119 = arith.constant 0 : i32
        %dma_wait3A_120 = tpu.memref_slice %arg2[%dma_wait3A_118, %dma_wait3A_119] : memref<2312x64xf32, #tpu.memory_space<hbm>> -> memref<2312x64xf32, #tpu.memory_space<hbm>>
        tpu.wait_indirect_dma semaphore(%arg8 : memref<!tpu.dma_semaphore, #tpu.memory_space<semaphore_mem>>) src(%dma_wait3A_120 : memref<2312x64xf32, #tpu.memory_space<hbm>>) dst(%dma_wait3A_114 : memref<128x64xf32, #tpu.memory_space<vmem>>)
        %mul3A_121 = arith.constant 128 : i32
        %mul3A_122 = arith.muli %sub3A_84, %mul3A_121 : i32
        %add3A_123 = arith.addi %mul3A_4, %mul3A_122 : i32
        %dma_start3A = arith.constant 1 : i32
        %dma_start3A_124 = arith.constant 0 : i32
        %dma_start3A_125 = arith.constant 0 : i32
        %dma_start3A_126 = tpu.memref_slice %arg6[%dma_start3A, %dma_start3A_124, %dma_start3A_125] : memref<5x128x64xf32, #tpu.memory_space<vmem>> -> memref<1x128x64xf32, #tpu.memory_space<vmem>>
        %dma_start3A_127 = tpu.memref_squeeze %dma_start3A_126 : memref<1x128x64xf32, #tpu.memory_space<vmem>> -> memref<128x64xf32, #tpu.memory_space<vmem>>
        %dma_start3A_128 = arith.constant 0 : i32
        %dma_start3A_129 = tpu.memref_slice %arg4[%add3A_123, %dma_start3A_128] : memref<204800x128xf32, #tpu.memory_space<hbm>> -> memref<128x64xf32, #tpu.memory_space<hbm>>
        %dma_start3A_130 = arith.constant 0 : i32
        %dma_start3A_131 = tpu.memref_slice %arg4[%add3A_123, %dma_start3A_130] : memref<204800x128xf32, #tpu.memory_space<hbm>> -> memref<128x64xf32, #tpu.memory_space<hbm>>
        %dma_start3A_132 = arith.constant 0 : i32
        %dma_start3A_133 = arith.constant 0 : i32
        %dma_start3A_134 = tpu.memref_slice %arg6[%dma_start3A, %dma_start3A_132, %dma_start3A_133] : memref<5x128x64xf32, #tpu.memory_space<vmem>> -> memref<1x128x64xf32, #tpu.memory_space<vmem>>
        %dma_start3A_135 = tpu.memref_squeeze %dma_start3A_134 : memref<1x128x64xf32, #tpu.memory_space<vmem>> -> memref<128x64xf32, #tpu.memory_space<vmem>>
        tpu.enqueue_dma source(%dma_start3A_135 : memref<128x64xf32, #tpu.memory_space<vmem>>) target(%dma_start3A_131 : memref<128x64xf32, #tpu.memory_space<hbm>>) target_semaphore(%arg13 : memref<!tpu.dma_semaphore, #tpu.memory_space<semaphore_mem>>)
      } else {
      }
      %mul3A_90 = arith.constant 5 : i32
      %mul3A_91 = arith.muli %scan3A_10, %mul3A_90 : i32
      %add3A_92 = arith.constant 4 : i32
      %add3A_93 = arith.addi %mul3A_91, %add3A_92 : i32
      %ge3A_94 = arith.constant 1 : i32
      %ge3A_95 = arith.cmpi sge, %scan3A_10, %ge3A_94 : i32
      %convert_element_type3A_96 = arith.extui %ge3A_95 : i1 to i32
      %cond3A_97 = arith.constant 0 : i32
      %cond3A_98 = arith.cmpi ne, %convert_element_type3A_96, %cond3A_97 : i32
      scf.if %cond3A_98 {
        %dma_wait3A = arith.constant 4 : i32
        %dma_wait3A_111 = arith.constant 0 : i32
        %dma_wait3A_112 = arith.constant 0 : i32
        %dma_wait3A_113 = tpu.memref_slice %arg6[%dma_wait3A, %dma_wait3A_111, %dma_wait3A_112] : memref<5x128x64xf32, #tpu.memory_space<vmem>> -> memref<1x128x64xf32, #tpu.memory_space<vmem>>
        %dma_wait3A_114 = tpu.memref_squeeze %dma_wait3A_113 : memref<1x128x64xf32, #tpu.memory_space<vmem>> -> memref<128x64xf32, #tpu.memory_space<vmem>>
        %dma_wait3A_115 = arith.constant 0 : i32
        %dma_wait3A_116 = tpu.memref_slice %arg4[%mul3A_4, %dma_wait3A_115] : memref<204800x128xf32, #tpu.memory_space<hbm>> -> memref<128x64xf32, #tpu.memory_space<hbm>>
        %dma_wait3A_117 = arith.constant 0 : i32
        %dma_wait3A_118 = tpu.memref_slice %arg4[%mul3A_4, %dma_wait3A_117] : memref<204800x128xf32, #tpu.memory_space<hbm>> -> memref<128x64xf32, #tpu.memory_space<hbm>>
        %dma_wait3A_119 = arith.constant 0 : i32
        %dma_wait3A_120 = arith.constant 0 : i32
        %dma_wait3A_121 = tpu.memref_slice %arg6[%dma_wait3A, %dma_wait3A_119, %dma_wait3A_120] : memref<5x128x64xf32, #tpu.memory_space<vmem>> -> memref<1x128x64xf32, #tpu.memory_space<vmem>>
        %dma_wait3A_122 = tpu.memref_squeeze %dma_wait3A_121 : memref<1x128x64xf32, #tpu.memory_space<vmem>> -> memref<128x64xf32, #tpu.memory_space<vmem>>
        tpu.wait_dma2 semaphore(%arg16 : memref<!tpu.dma_semaphore, #tpu.memory_space<semaphore_mem>>) src(%dma_wait3A_122 : memref<128x64xf32, #tpu.memory_space<vmem>>) dst(%dma_wait3A_118 : memref<128x64xf32, #tpu.memory_space<hbm>>)
      } else {
      }
      %lt3A_99 = arith.constant 10 : i32
      %lt3A_100 = arith.cmpi slt, %scan3A_10, %lt3A_99 : i32
      %convert_element_type3A_101 = arith.extui %lt3A_100 : i1 to i32
      %cond3A_102 = arith.constant 0 : i32
      %cond3A_103 = arith.cmpi ne, %convert_element_type3A_101, %cond3A_102 : i32
      scf.if %cond3A_103 {
        %dma_start3A = arith.constant 4 : i32
        %dma_start3A_111 = arith.constant 0 : i32
        %dma_start3A_112 = arith.constant 0 : i32
        %dma_start3A_113 = tpu.memref_slice %arg6[%dma_start3A, %dma_start3A_111, %dma_start3A_112] : memref<5x128x64xf32, #tpu.memory_space<vmem>> -> memref<1x128x64xf32, #tpu.memory_space<vmem>>
        %dma_start3A_114 = tpu.memref_squeeze %dma_start3A_113 : memref<1x128x64xf32, #tpu.memory_space<vmem>> -> memref<128x64xf32, #tpu.memory_space<vmem>>
        %dma_start3A_115 = arith.constant 0 : i32
        %dma_start3A_116 = tpu.memref_slice %arg5[%add3A_93, %dma_start3A_115] : memref<50x128xi32, #tpu.memory_space<vmem>> -> memref<1x128xi32, #tpu.memory_space<vmem>>
        %dma_start3A_117 = tpu.memref_squeeze %dma_start3A_116 : memref<1x128xi32, #tpu.memory_space<vmem>> -> memref<128xi32, #tpu.memory_space<vmem>>
        %dma_start3A_118 = arith.constant 0 : i32
        %dma_start3A_119 = arith.constant 0 : i32
        %dma_start3A_120 = tpu.memref_slice %arg2[%dma_start3A_118, %dma_start3A_119] : memref<2312x64xf32, #tpu.memory_space<hbm>> -> memref<2312x64xf32, #tpu.memory_space<hbm>>
        tpu.enqueue_indirect_dma source(%dma_start3A_120 : memref<2312x64xf32, #tpu.memory_space<hbm>>) target(%dma_start3A_114 : memref<128x64xf32, #tpu.memory_space<vmem>>) offsets(%dma_start3A_117 : memref<128xi32, #tpu.memory_space<vmem>>) semaphore(%arg11 : memref<!tpu.dma_semaphore, #tpu.memory_space<semaphore_mem>>)
      } else {
      }
      %sub3A_104 = arith.constant 2 : i32
      %sub3A_105 = arith.subi %add3A_93, %sub3A_104 : i32
      %lt3A_106 = arith.constant 10 : i32
      %lt3A_107 = arith.cmpi slt, %scan3A_10, %lt3A_106 : i32
      %convert_element_type3A_108 = arith.extui %lt3A_107 : i1 to i32
      %cond3A_109 = arith.constant 0 : i32
      %cond3A_110 = arith.cmpi ne, %convert_element_type3A_108, %cond3A_109 : i32
      scf.if %cond3A_110 {
        %dma_wait3A = arith.constant 2 : i32
        %dma_wait3A_111 = arith.constant 0 : i32
        %dma_wait3A_112 = arith.constant 0 : i32
        %dma_wait3A_113 = tpu.memref_slice %arg6[%dma_wait3A, %dma_wait3A_111, %dma_wait3A_112] : memref<5x128x64xf32, #tpu.memory_space<vmem>> -> memref<1x128x64xf32, #tpu.memory_space<vmem>>
        %dma_wait3A_114 = tpu.memref_squeeze %dma_wait3A_113 : memref<1x128x64xf32, #tpu.memory_space<vmem>> -> memref<128x64xf32, #tpu.memory_space<vmem>>
        %dma_wait3A_115 = arith.constant 0 : i32
        %dma_wait3A_116 = tpu.memref_slice %arg5[%sub3A_105, %dma_wait3A_115] : memref<50x128xi32, #tpu.memory_space<vmem>> -> memref<1x128xi32, #tpu.memory_space<vmem>>
        %dma_wait3A_117 = tpu.memref_squeeze %dma_wait3A_116 : memref<1x128xi32, #tpu.memory_space<vmem>> -> memref<128xi32, #tpu.memory_space<vmem>>
        %dma_wait3A_118 = arith.constant 0 : i32
        %dma_wait3A_119 = arith.constant 0 : i32
        %dma_wait3A_120 = tpu.memref_slice %arg2[%dma_wait3A_118, %dma_wait3A_119] : memref<2312x64xf32, #tpu.memory_space<hbm>> -> memref<2312x64xf32, #tpu.memory_space<hbm>>
        tpu.wait_indirect_dma semaphore(%arg9 : memref<!tpu.dma_semaphore, #tpu.memory_space<semaphore_mem>>) src(%dma_wait3A_120 : memref<2312x64xf32, #tpu.memory_space<hbm>>) dst(%dma_wait3A_114 : memref<128x64xf32, #tpu.memory_space<vmem>>)
        %mul3A_121 = arith.constant 128 : i32
        %mul3A_122 = arith.muli %sub3A_105, %mul3A_121 : i32
        %add3A_123 = arith.addi %mul3A_4, %mul3A_122 : i32
        %dma_start3A = arith.constant 2 : i32
        %dma_start3A_124 = arith.constant 0 : i32
        %dma_start3A_125 = arith.constant 0 : i32
        %dma_start3A_126 = tpu.memref_slice %arg6[%dma_start3A, %dma_start3A_124, %dma_start3A_125] : memref<5x128x64xf32, #tpu.memory_space<vmem>> -> memref<1x128x64xf32, #tpu.memory_space<vmem>>
        %dma_start3A_127 = tpu.memref_squeeze %dma_start3A_126 : memref<1x128x64xf32, #tpu.memory_space<vmem>> -> memref<128x64xf32, #tpu.memory_space<vmem>>
        %dma_start3A_128 = arith.constant 0 : i32
        %dma_start3A_129 = tpu.memref_slice %arg4[%add3A_123, %dma_start3A_128] : memref<204800x128xf32, #tpu.memory_space<hbm>> -> memref<128x64xf32, #tpu.memory_space<hbm>>
        %dma_start3A_130 = arith.constant 0 : i32
        %dma_start3A_131 = tpu.memref_slice %arg4[%add3A_123, %dma_start3A_130] : memref<204800x128xf32, #tpu.memory_space<hbm>> -> memref<128x64xf32, #tpu.memory_space<hbm>>
        %dma_start3A_132 = arith.constant 0 : i32
        %dma_start3A_133 = arith.constant 0 : i32
        %dma_start3A_134 = tpu.memref_slice %arg6[%dma_start3A, %dma_start3A_132, %dma_start3A_133] : memref<5x128x64xf32, #tpu.memory_space<vmem>> -> memref<1x128x64xf32, #tpu.memory_space<vmem>>
        %dma_start3A_135 = tpu.memref_squeeze %dma_start3A_134 : memref<1x128x64xf32, #tpu.memory_space<vmem>> -> memref<128x64xf32, #tpu.memory_space<vmem>>
        tpu.enqueue_dma source(%dma_start3A_135 : memref<128x64xf32, #tpu.memory_space<vmem>>) target(%dma_start3A_131 : memref<128x64xf32, #tpu.memory_space<hbm>>) target_semaphore(%arg14 : memref<!tpu.dma_semaphore, #tpu.memory_space<semaphore_mem>>)
      } else {
      }
    }
    %scan3A_9 = arith.constant 11 : i32
    return
  }
}

#map = affine_map<(d0, d1) -> (0, 0)>
module attributes {stable_mosaic.version = 14 : i64} {
  func.func @_sc_body(%arg0: i32, %arg1: i32, %arg2: memref<2312x64xf32, #tpu.memory_space<hbm>>, %arg3: memref<1600x128xi32, #tpu.memory_space<hbm>>, %arg4: memref<204800x128xf32, #tpu.memory_space<hbm>>, %arg5: memref<50x128xi32, #tpu.memory_space<vmem>>, %arg6: memref<5x128x64xf32, #tpu.memory_space<vmem>>, %arg7: memref<!tpu.dma_semaphore, #tpu.memory_space<semaphore_mem>>, %arg8: memref<!tpu.dma_semaphore, #tpu.memory_space<semaphore_mem>>, %arg9: memref<!tpu.dma_semaphore, #tpu.memory_space<semaphore_mem>>, %arg10: memref<!tpu.dma_semaphore, #tpu.memory_space<semaphore_mem>>, %arg11: memref<!tpu.dma_semaphore, #tpu.memory_space<semaphore_mem>>, %arg12: memref<!tpu.dma_semaphore, #tpu.memory_space<semaphore_mem>>, %arg13: memref<!tpu.dma_semaphore, #tpu.memory_space<semaphore_mem>>, %arg14: memref<!tpu.dma_semaphore, #tpu.memory_space<semaphore_mem>>, %arg15: memref<!tpu.dma_semaphore, #tpu.memory_space<semaphore_mem>>, %arg16: memref<!tpu.dma_semaphore, #tpu.memory_space<semaphore_mem>>) attributes {dimension_semantics = [#tpu.dimension_semantics<core_parallel>, #tpu.dimension_semantics<subcore_parallel>], iteration_bounds = array<i64: 2, 16>, scalar_prefetch = 0 : i64, scratch_operands = 12 : i64, tpu.core_type = #tpu.core_type<sc_vector_subcore>, window_params = [{transform_indices = #map}, {transform_indices = #map}, {transform_indices = #map}]} {
    %mul3A = arith.constant 2 : i32
    %mul3A_0 = arith.muli %arg1, %mul3A : i32
    %add3A = arith.addi %mul3A_0, %arg0 : i32
    %mul3A_1 = arith.constant 50 : i32
    %mul3A_2 = arith.muli %add3A, %mul3A_1 : i32
    %mul3A_3 = arith.constant 6400 : i32
    %mul3A_4 = arith.muli %add3A, %mul3A_3 : i32
    "tpu.region"() ({
      %run_scoped3A = tpu.sem_alloc : memref<!tpu.dma_semaphore, #tpu.memory_space<semaphore_mem>>
      %dma_start3A = arith.constant 0 : i32
      %dma_start3A_10 = tpu.memref_slice %arg3[%mul3A_2, %dma_start3A] : memref<1600x128xi32, #tpu.memory_space<hbm>> -> memref<50x128xi32, #tpu.memory_space<hbm>>
      %dma_start3A_11 = arith.constant 0 : i32
      %dma_start3A_12 = tpu.memref_slice %arg3[%mul3A_2, %dma_start3A_11] : memref<1600x128xi32, #tpu.memory_space<hbm>> -> memref<50x128xi32, #tpu.memory_space<hbm>>
      tpu.enqueue_dma source(%dma_start3A_12 : memref<50x128xi32, #tpu.memory_space<hbm>>) target(%arg5 : memref<50x128xi32, #tpu.memory_space<vmem>>) target_semaphore(%run_scoped3A : memref<!tpu.dma_semaphore, #tpu.memory_space<semaphore_mem>>)
      %dma_wait3A = arith.constant 0 : i32
      %dma_wait3A_13 = tpu.memref_slice %arg3[%mul3A_2, %dma_wait3A] : memref<1600x128xi32, #tpu.memory_space<hbm>> -> memref<50x128xi32, #tpu.memory_space<hbm>>
      %dma_wait3A_14 = arith.constant 0 : i32
      %dma_wait3A_15 = tpu.memref_slice %arg3[%mul3A_2, %dma_wait3A_14] : memref<1600x128xi32, #tpu.memory_space<hbm>> -> memref<50x128xi32, #tpu.memory_space<hbm>>
      tpu.wait_dma2 semaphore(%run_scoped3A : memref<!tpu.dma_semaphore, #tpu.memory_space<semaphore_mem>>) src(%dma_wait3A_15 : memref<50x128xi32, #tpu.memory_space<hbm>>) dst(%arg5 : memref<50x128xi32, #tpu.memory_space<vmem>>)
      tpu.yield
    }) : () -> ()
    %scan3A = arith.constant 0 : i32
    %scan3A_5 = arith.constant 0 : i32
    %scan3A_6 = arith.constant 11 : i32
    %scan3A_7 = arith.addi %scan3A_5, %scan3A_6 : i32
    %scan3A_8 = arith.constant 1 : i32
    scf.for %scan3A_10 = %scan3A_5 to %scan3A_7 step %scan3A_8  : i32 {
      %mul3A_11 = arith.constant 5 : i32
      %mul3A_12 = arith.muli %scan3A_10, %mul3A_11 : i32
      %add3A_13 = arith.constant 0 : i32
      %add3A_14 = arith.addi %mul3A_12, %add3A_13 : i32
      %ge3A = arith.constant 1 : i32
      %ge3A_15 = arith.cmpi sge, %scan3A_10, %ge3A : i32
      %convert_element_type3A = arith.extui %ge3A_15 : i1 to i32
      %cond3A = arith.constant 0 : i32
      %cond3A_16 = arith.cmpi ne, %convert_element_type3A, %cond3A : i32
      scf.if %cond3A_16 {
        %dma_wait3A = arith.constant 0 : i32
        %dma_wait3A_111 = arith.constant 0 : i32
        %dma_wait3A_112 = arith.constant 0 : i32
        %dma_wait3A_113 = tpu.memref_slice %arg6[%dma_wait3A, %dma_wait3A_111, %dma_wait3A_112] : memref<5x128x64xf32, #tpu.memory_space<vmem>> -> memref<1x128x64xf32, #tpu.memory_space<vmem>>
        %dma_wait3A_114 = tpu.memref_squeeze %dma_wait3A_113 : memref<1x128x64xf32, #tpu.memory_space<vmem>> -> memref<128x64xf32, #tpu.memory_space<vmem>>
        %dma_wait3A_115 = arith.constant 0 : i32
        %dma_wait3A_116 = tpu.memref_slice %arg4[%mul3A_4, %dma_wait3A_115] : memref<204800x128xf32, #tpu.memory_space<hbm>> -> memref<128x64xf32, #tpu.memory_space<hbm>>
        %dma_wait3A_117 = arith.constant 0 : i32
        %dma_wait3A_118 = tpu.memref_slice %arg4[%mul3A_4, %dma_wait3A_117] : memref<204800x128xf32, #tpu.memory_space<hbm>> -> memref<128x64xf32, #tpu.memory_space<hbm>>
        %dma_wait3A_119 = arith.constant 0 : i32
        %dma_wait3A_120 = arith.constant 0 : i32
        %dma_wait3A_121 = tpu.memref_slice %arg6[%dma_wait3A, %dma_wait3A_119, %dma_wait3A_120] : memref<5x128x64xf32, #tpu.memory_space<vmem>> -> memref<1x128x64xf32, #tpu.memory_space<vmem>>
        %dma_wait3A_122 = tpu.memref_squeeze %dma_wait3A_121 : memref<1x128x64xf32, #tpu.memory_space<vmem>> -> memref<128x64xf32, #tpu.memory_space<vmem>>
        tpu.wait_dma2 semaphore(%arg12 : memref<!tpu.dma_semaphore, #tpu.memory_space<semaphore_mem>>) src(%dma_wait3A_122 : memref<128x64xf32, #tpu.memory_space<vmem>>) dst(%dma_wait3A_118 : memref<128x64xf32, #tpu.memory_space<hbm>>)
      } else {
      }
      %lt3A = arith.constant 10 : i32
      %lt3A_17 = arith.cmpi slt, %scan3A_10, %lt3A : i32
      %convert_element_type3A_18 = arith.extui %lt3A_17 : i1 to i32
      %cond3A_19 = arith.constant 0 : i32
      %cond3A_20 = arith.cmpi ne, %convert_element_type3A_18, %cond3A_19 : i32
      scf.if %cond3A_20 {
        %dma_start3A = arith.constant 0 : i32
        %dma_start3A_111 = arith.constant 0 : i32
        %dma_start3A_112 = arith.constant 0 : i32
        %dma_start3A_113 = tpu.memref_slice %arg6[%dma_start3A, %dma_start3A_111, %dma_start3A_112] : memref<5x128x64xf32, #tpu.memory_space<vmem>> -> memref<1x128x64xf32, #tpu.memory_space<vmem>>
        %dma_start3A_114 = tpu.memref_squeeze %dma_start3A_113 : memref<1x128x64xf32, #tpu.memory_space<vmem>> -> memref<128x64xf32, #tpu.memory_space<vmem>>
        %dma_start3A_115 = arith.constant 0 : i32
        %dma_start3A_116 = tpu.memref_slice %arg5[%add3A_14, %dma_start3A_115] : memref<50x128xi32, #tpu.memory_space<vmem>> -> memref<1x128xi32, #tpu.memory_space<vmem>>
        %dma_start3A_117 = tpu.memref_squeeze %dma_start3A_116 : memref<1x128xi32, #tpu.memory_space<vmem>> -> memref<128xi32, #tpu.memory_space<vmem>>
        %dma_start3A_118 = arith.constant 0 : i32
        %dma_start3A_119 = arith.constant 0 : i32
        %dma_start3A_120 = tpu.memref_slice %arg2[%dma_start3A_118, %dma_start3A_119] : memref<2312x64xf32, #tpu.memory_space<hbm>> -> memref<2312x64xf32, #tpu.memory_space<hbm>>
        tpu.enqueue_indirect_dma source(%dma_start3A_120 : memref<2312x64xf32, #tpu.memory_space<hbm>>) target(%dma_start3A_114 : memref<128x64xf32, #tpu.memory_space<vmem>>) offsets(%dma_start3A_117 : memref<128xi32, #tpu.memory_space<vmem>>) semaphore(%arg7 : memref<!tpu.dma_semaphore, #tpu.memory_space<semaphore_mem>>)
      } else {
      }
      %sub3A = arith.constant 2 : i32
      %sub3A_21 = arith.subi %add3A_14, %sub3A : i32
      %ge3A_22 = arith.constant 1 : i32
      %ge3A_23 = arith.cmpi sge, %scan3A_10, %ge3A_22 : i32
      %convert_element_type3A_24 = arith.extui %ge3A_23 : i1 to i32
      %cond3A_25 = arith.constant 0 : i32
      %cond3A_26 = arith.cmpi ne, %convert_element_type3A_24, %cond3A_25 : i32
      scf.if %cond3A_26 {
        %dma_wait3A = arith.constant 3 : i32
        %dma_wait3A_111 = arith.constant 0 : i32
        %dma_wait3A_112 = arith.constant 0 : i32
        %dma_wait3A_113 = tpu.memref_slice %arg6[%dma_wait3A, %dma_wait3A_111, %dma_wait3A_112] : memref<5x128x64xf32, #tpu.memory_space<vmem>> -> memref<1x128x64xf32, #tpu.memory_space<vmem>>
        %dma_wait3A_114 = tpu.memref_squeeze %dma_wait3A_113 : memref<1x128x64xf32, #tpu.memory_space<vmem>> -> memref<128x64xf32, #tpu.memory_space<vmem>>
        %dma_wait3A_115 = arith.constant 0 : i32
        %dma_wait3A_116 = tpu.memref_slice %arg5[%sub3A_21, %dma_wait3A_115] : memref<50x128xi32, #tpu.memory_space<vmem>> -> memref<1x128xi32, #tpu.memory_space<vmem>>
        %dma_wait3A_117 = tpu.memref_squeeze %dma_wait3A_116 : memref<1x128xi32, #tpu.memory_space<vmem>> -> memref<128xi32, #tpu.memory_space<vmem>>
        %dma_wait3A_118 = arith.constant 0 : i32
        %dma_wait3A_119 = arith.constant 0 : i32
        %dma_wait3A_120 = tpu.memref_slice %arg2[%dma_wait3A_118, %dma_wait3A_119] : memref<2312x64xf32, #tpu.memory_space<hbm>> -> memref<2312x64xf32, #tpu.memory_space<hbm>>
        tpu.wait_indirect_dma semaphore(%arg10 : memref<!tpu.dma_semaphore, #tpu.memory_space<semaphore_mem>>) src(%dma_wait3A_120 : memref<2312x64xf32, #tpu.memory_space<hbm>>) dst(%dma_wait3A_114 : memref<128x64xf32, #tpu.memory_space<vmem>>)
        %mul3A_121 = arith.constant 128 : i32
        %mul3A_122 = arith.muli %sub3A_21, %mul3A_121 : i32
        %add3A_123 = arith.addi %mul3A_4, %mul3A_122 : i32
        %dma_start3A = arith.constant 3 : i32
        %dma_start3A_124 = arith.constant 0 : i32
        %dma_start3A_125 = arith.constant 0 : i32
        %dma_start3A_126 = tpu.memref_slice %arg6[%dma_start3A, %dma_start3A_124, %dma_start3A_125] : memref<5x128x64xf32, #tpu.memory_space<vmem>> -> memref<1x128x64xf32, #tpu.memory_space<vmem>>
        %dma_start3A_127 = tpu.memref_squeeze %dma_start3A_126 : memref<1x128x64xf32, #tpu.memory_space<vmem>> -> memref<128x64xf32, #tpu.memory_space<vmem>>
        %dma_start3A_128 = arith.constant 0 : i32
        %dma_start3A_129 = tpu.memref_slice %arg4[%add3A_123, %dma_start3A_128] : memref<204800x128xf32, #tpu.memory_space<hbm>> -> memref<128x64xf32, #tpu.memory_space<hbm>>
        %dma_start3A_130 = arith.constant 0 : i32
        %dma_start3A_131 = tpu.memref_slice %arg4[%add3A_123, %dma_start3A_130] : memref<204800x128xf32, #tpu.memory_space<hbm>> -> memref<128x64xf32, #tpu.memory_space<hbm>>
        %dma_start3A_132 = arith.constant 0 : i32
        %dma_start3A_133 = arith.constant 0 : i32
        %dma_start3A_134 = tpu.memref_slice %arg6[%dma_start3A, %dma_start3A_132, %dma_start3A_133] : memref<5x128x64xf32, #tpu.memory_space<vmem>> -> memref<1x128x64xf32, #tpu.memory_space<vmem>>
        %dma_start3A_135 = tpu.memref_squeeze %dma_start3A_134 : memref<1x128x64xf32, #tpu.memory_space<vmem>> -> memref<128x64xf32, #tpu.memory_space<vmem>>
        tpu.enqueue_dma source(%dma_start3A_135 : memref<128x64xf32, #tpu.memory_space<vmem>>) target(%dma_start3A_131 : memref<128x64xf32, #tpu.memory_space<hbm>>) target_semaphore(%arg15 : memref<!tpu.dma_semaphore, #tpu.memory_space<semaphore_mem>>)
      } else {
      }
      %mul3A_27 = arith.constant 5 : i32
      %mul3A_28 = arith.muli %scan3A_10, %mul3A_27 : i32
      %add3A_29 = arith.constant 1 : i32
      %add3A_30 = arith.addi %mul3A_28, %add3A_29 : i32
      %ge3A_31 = arith.constant 1 : i32
      %ge3A_32 = arith.cmpi sge, %scan3A_10, %ge3A_31 : i32
      %convert_element_type3A_33 = arith.extui %ge3A_32 : i1 to i32
      %cond3A_34 = arith.constant 0 : i32
      %cond3A_35 = arith.cmpi ne, %convert_element_type3A_33, %cond3A_34 : i32
      scf.if %cond3A_35 {
        %dma_wait3A = arith.constant 1 : i32
        %dma_wait3A_111 = arith.constant 0 : i32
        %dma_wait3A_112 = arith.constant 0 : i32
        %dma_wait3A_113 = tpu.memref_slice %arg6[%dma_wait3A, %dma_wait3A_111, %dma_wait3A_112] : memref<5x128x64xf32, #tpu.memory_space<vmem>> -> memref<1x128x64xf32, #tpu.memory_space<vmem>>
        %dma_wait3A_114 = tpu.memref_squeeze %dma_wait3A_113 : memref<1x128x64xf32, #tpu.memory_space<vmem>> -> memref<128x64xf32, #tpu.memory_space<vmem>>
        %dma_wait3A_115 = arith.constant 0 : i32
        %dma_wait3A_116 = tpu.memref_slice %arg4[%mul3A_4, %dma_wait3A_115] : memref<204800x128xf32, #tpu.memory_space<hbm>> -> memref<128x64xf32, #tpu.memory_space<hbm>>
        %dma_wait3A_117 = arith.constant 0 : i32
        %dma_wait3A_118 = tpu.memref_slice %arg4[%mul3A_4, %dma_wait3A_117] : memref<204800x128xf32, #tpu.memory_space<hbm>> -> memref<128x64xf32, #tpu.memory_space<hbm>>
        %dma_wait3A_119 = arith.constant 0 : i32
        %dma_wait3A_120 = arith.constant 0 : i32
        %dma_wait3A_121 = tpu.memref_slice %arg6[%dma_wait3A, %dma_wait3A_119, %dma_wait3A_120] : memref<5x128x64xf32, #tpu.memory_space<vmem>> -> memref<1x128x64xf32, #tpu.memory_space<vmem>>
        %dma_wait3A_122 = tpu.memref_squeeze %dma_wait3A_121 : memref<1x128x64xf32, #tpu.memory_space<vmem>> -> memref<128x64xf32, #tpu.memory_space<vmem>>
        tpu.wait_dma2 semaphore(%arg13 : memref<!tpu.dma_semaphore, #tpu.memory_space<semaphore_mem>>) src(%dma_wait3A_122 : memref<128x64xf32, #tpu.memory_space<vmem>>) dst(%dma_wait3A_118 : memref<128x64xf32, #tpu.memory_space<hbm>>)
      } else {
      }
      %lt3A_36 = arith.constant 10 : i32
      %lt3A_37 = arith.cmpi slt, %scan3A_10, %lt3A_36 : i32
      %convert_element_type3A_38 = arith.extui %lt3A_37 : i1 to i32
      %cond3A_39 = arith.constant 0 : i32
      %cond3A_40 = arith.cmpi ne, %convert_element_type3A_38, %cond3A_39 : i32
      scf.if %cond3A_40 {
        %dma_start3A = arith.constant 1 : i32
        %dma_start3A_111 = arith.constant 0 : i32
        %dma_start3A_112 = arith.constant 0 : i32
        %dma_start3A_113 = tpu.memref_slice %arg6[%dma_start3A, %dma_start3A_111, %dma_start3A_112] : memref<5x128x64xf32, #tpu.memory_space<vmem>> -> memref<1x128x64xf32, #tpu.memory_space<vmem>>
        %dma_start3A_114 = tpu.memref_squeeze %dma_start3A_113 : memref<1x128x64xf32, #tpu.memory_space<vmem>> -> memref<128x64xf32, #tpu.memory_space<vmem>>
        %dma_start3A_115 = arith.constant 0 : i32
        %dma_start3A_116 = tpu.memref_slice %arg5[%add3A_30, %dma_start3A_115] : memref<50x128xi32, #tpu.memory_space<vmem>> -> memref<1x128xi32, #tpu.memory_space<vmem>>
        %dma_start3A_117 = tpu.memref_squeeze %dma_start3A_116 : memref<1x128xi32, #tpu.memory_space<vmem>> -> memref<128xi32, #tpu.memory_space<vmem>>
        %dma_start3A_118 = arith.constant 0 : i32
        %dma_start3A_119 = arith.constant 0 : i32
        %dma_start3A_120 = tpu.memref_slice %arg2[%dma_start3A_118, %dma_start3A_119] : memref<2312x64xf32, #tpu.memory_space<hbm>> -> memref<2312x64xf32, #tpu.memory_space<hbm>>
        tpu.enqueue_indirect_dma source(%dma_start3A_120 : memref<2312x64xf32, #tpu.memory_space<hbm>>) target(%dma_start3A_114 : memref<128x64xf32, #tpu.memory_space<vmem>>) offsets(%dma_start3A_117 : memref<128xi32, #tpu.memory_space<vmem>>) semaphore(%arg8 : memref<!tpu.dma_semaphore, #tpu.memory_space<semaphore_mem>>)
      } else {
      }
      %sub3A_41 = arith.constant 2 : i32
      %sub3A_42 = arith.subi %add3A_30, %sub3A_41 : i32
      %ge3A_43 = arith.constant 1 : i32
      %ge3A_44 = arith.cmpi sge, %scan3A_10, %ge3A_43 : i32
      %convert_element_type3A_45 = arith.extui %ge3A_44 : i1 to i32
      %cond3A_46 = arith.constant 0 : i32
      %cond3A_47 = arith.cmpi ne, %convert_element_type3A_45, %cond3A_46 : i32
      scf.if %cond3A_47 {
        %dma_wait3A = arith.constant 4 : i32
        %dma_wait3A_111 = arith.constant 0 : i32
        %dma_wait3A_112 = arith.constant 0 : i32
        %dma_wait3A_113 = tpu.memref_slice %arg6[%dma_wait3A, %dma_wait3A_111, %dma_wait3A_112] : memref<5x128x64xf32, #tpu.memory_space<vmem>> -> memref<1x128x64xf32, #tpu.memory_space<vmem>>
        %dma_wait3A_114 = tpu.memref_squeeze %dma_wait3A_113 : memref<1x128x64xf32, #tpu.memory_space<vmem>> -> memref<128x64xf32, #tpu.memory_space<vmem>>
        %dma_wait3A_115 = arith.constant 0 : i32
        %dma_wait3A_116 = tpu.memref_slice %arg5[%sub3A_42, %dma_wait3A_115] : memref<50x128xi32, #tpu.memory_space<vmem>> -> memref<1x128xi32, #tpu.memory_space<vmem>>
        %dma_wait3A_117 = tpu.memref_squeeze %dma_wait3A_116 : memref<1x128xi32, #tpu.memory_space<vmem>> -> memref<128xi32, #tpu.memory_space<vmem>>
        %dma_wait3A_118 = arith.constant 0 : i32
        %dma_wait3A_119 = arith.constant 0 : i32
        %dma_wait3A_120 = tpu.memref_slice %arg2[%dma_wait3A_118, %dma_wait3A_119] : memref<2312x64xf32, #tpu.memory_space<hbm>> -> memref<2312x64xf32, #tpu.memory_space<hbm>>
        tpu.wait_indirect_dma semaphore(%arg11 : memref<!tpu.dma_semaphore, #tpu.memory_space<semaphore_mem>>) src(%dma_wait3A_120 : memref<2312x64xf32, #tpu.memory_space<hbm>>) dst(%dma_wait3A_114 : memref<128x64xf32, #tpu.memory_space<vmem>>)
        %mul3A_121 = arith.constant 128 : i32
        %mul3A_122 = arith.muli %sub3A_42, %mul3A_121 : i32
        %add3A_123 = arith.addi %mul3A_4, %mul3A_122 : i32
        %dma_start3A = arith.constant 4 : i32
        %dma_start3A_124 = arith.constant 0 : i32
        %dma_start3A_125 = arith.constant 0 : i32
        %dma_start3A_126 = tpu.memref_slice %arg6[%dma_start3A, %dma_start3A_124, %dma_start3A_125] : memref<5x128x64xf32, #tpu.memory_space<vmem>> -> memref<1x128x64xf32, #tpu.memory_space<vmem>>
        %dma_start3A_127 = tpu.memref_squeeze %dma_start3A_126 : memref<1x128x64xf32, #tpu.memory_space<vmem>> -> memref<128x64xf32, #tpu.memory_space<vmem>>
        %dma_start3A_128 = arith.constant 0 : i32
        %dma_start3A_129 = tpu.memref_slice %arg4[%add3A_123, %dma_start3A_128] : memref<204800x128xf32, #tpu.memory_space<hbm>> -> memref<128x64xf32, #tpu.memory_space<hbm>>
        %dma_start3A_130 = arith.constant 0 : i32
        %dma_start3A_131 = tpu.memref_slice %arg4[%add3A_123, %dma_start3A_130] : memref<204800x128xf32, #tpu.memory_space<hbm>> -> memref<128x64xf32, #tpu.memory_space<hbm>>
        %dma_start3A_132 = arith.constant 0 : i32
        %dma_start3A_133 = arith.constant 0 : i32
        %dma_start3A_134 = tpu.memref_slice %arg6[%dma_start3A, %dma_start3A_132, %dma_start3A_133] : memref<5x128x64xf32, #tpu.memory_space<vmem>> -> memref<1x128x64xf32, #tpu.memory_space<vmem>>
        %dma_start3A_135 = tpu.memref_squeeze %dma_start3A_134 : memref<1x128x64xf32, #tpu.memory_space<vmem>> -> memref<128x64xf32, #tpu.memory_space<vmem>>
        tpu.enqueue_dma source(%dma_start3A_135 : memref<128x64xf32, #tpu.memory_space<vmem>>) target(%dma_start3A_131 : memref<128x64xf32, #tpu.memory_space<hbm>>) target_semaphore(%arg16 : memref<!tpu.dma_semaphore, #tpu.memory_space<semaphore_mem>>)
      } else {
      }
      %mul3A_48 = arith.constant 5 : i32
      %mul3A_49 = arith.muli %scan3A_10, %mul3A_48 : i32
      %add3A_50 = arith.constant 2 : i32
      %add3A_51 = arith.addi %mul3A_49, %add3A_50 : i32
      %ge3A_52 = arith.constant 1 : i32
      %ge3A_53 = arith.cmpi sge, %scan3A_10, %ge3A_52 : i32
      %convert_element_type3A_54 = arith.extui %ge3A_53 : i1 to i32
      %cond3A_55 = arith.constant 0 : i32
      %cond3A_56 = arith.cmpi ne, %convert_element_type3A_54, %cond3A_55 : i32
      scf.if %cond3A_56 {
        %dma_wait3A = arith.constant 2 : i32
        %dma_wait3A_111 = arith.constant 0 : i32
        %dma_wait3A_112 = arith.constant 0 : i32
        %dma_wait3A_113 = tpu.memref_slice %arg6[%dma_wait3A, %dma_wait3A_111, %dma_wait3A_112] : memref<5x128x64xf32, #tpu.memory_space<vmem>> -> memref<1x128x64xf32, #tpu.memory_space<vmem>>
        %dma_wait3A_114 = tpu.memref_squeeze %dma_wait3A_113 : memref<1x128x64xf32, #tpu.memory_space<vmem>> -> memref<128x64xf32, #tpu.memory_space<vmem>>
        %dma_wait3A_115 = arith.constant 0 : i32
        %dma_wait3A_116 = tpu.memref_slice %arg4[%mul3A_4, %dma_wait3A_115] : memref<204800x128xf32, #tpu.memory_space<hbm>> -> memref<128x64xf32, #tpu.memory_space<hbm>>
        %dma_wait3A_117 = arith.constant 0 : i32
        %dma_wait3A_118 = tpu.memref_slice %arg4[%mul3A_4, %dma_wait3A_117] : memref<204800x128xf32, #tpu.memory_space<hbm>> -> memref<128x64xf32, #tpu.memory_space<hbm>>
        %dma_wait3A_119 = arith.constant 0 : i32
        %dma_wait3A_120 = arith.constant 0 : i32
        %dma_wait3A_121 = tpu.memref_slice %arg6[%dma_wait3A, %dma_wait3A_119, %dma_wait3A_120] : memref<5x128x64xf32, #tpu.memory_space<vmem>> -> memref<1x128x64xf32, #tpu.memory_space<vmem>>
        %dma_wait3A_122 = tpu.memref_squeeze %dma_wait3A_121 : memref<1x128x64xf32, #tpu.memory_space<vmem>> -> memref<128x64xf32, #tpu.memory_space<vmem>>
        tpu.wait_dma2 semaphore(%arg14 : memref<!tpu.dma_semaphore, #tpu.memory_space<semaphore_mem>>) src(%dma_wait3A_122 : memref<128x64xf32, #tpu.memory_space<vmem>>) dst(%dma_wait3A_118 : memref<128x64xf32, #tpu.memory_space<hbm>>)
      } else {
      }
      %lt3A_57 = arith.constant 10 : i32
      %lt3A_58 = arith.cmpi slt, %scan3A_10, %lt3A_57 : i32
      %convert_element_type3A_59 = arith.extui %lt3A_58 : i1 to i32
      %cond3A_60 = arith.constant 0 : i32
      %cond3A_61 = arith.cmpi ne, %convert_element_type3A_59, %cond3A_60 : i32
      scf.if %cond3A_61 {
        %dma_start3A = arith.constant 2 : i32
        %dma_start3A_111 = arith.constant 0 : i32
        %dma_start3A_112 = arith.constant 0 : i32
        %dma_start3A_113 = tpu.memref_slice %arg6[%dma_start3A, %dma_start3A_111, %dma_start3A_112] : memref<5x128x64xf32, #tpu.memory_space<vmem>> -> memref<1x128x64xf32, #tpu.memory_space<vmem>>
        %dma_start3A_114 = tpu.memref_squeeze %dma_start3A_113 : memref<1x128x64xf32, #tpu.memory_space<vmem>> -> memref<128x64xf32, #tpu.memory_space<vmem>>
        %dma_start3A_115 = arith.constant 0 : i32
        %dma_start3A_116 = tpu.memref_slice %arg5[%add3A_51, %dma_start3A_115] : memref<50x128xi32, #tpu.memory_space<vmem>> -> memref<1x128xi32, #tpu.memory_space<vmem>>
        %dma_start3A_117 = tpu.memref_squeeze %dma_start3A_116 : memref<1x128xi32, #tpu.memory_space<vmem>> -> memref<128xi32, #tpu.memory_space<vmem>>
        %dma_start3A_118 = arith.constant 0 : i32
        %dma_start3A_119 = arith.constant 0 : i32
        %dma_start3A_120 = tpu.memref_slice %arg2[%dma_start3A_118, %dma_start3A_119] : memref<2312x64xf32, #tpu.memory_space<hbm>> -> memref<2312x64xf32, #tpu.memory_space<hbm>>
        tpu.enqueue_indirect_dma source(%dma_start3A_120 : memref<2312x64xf32, #tpu.memory_space<hbm>>) target(%dma_start3A_114 : memref<128x64xf32, #tpu.memory_space<vmem>>) offsets(%dma_start3A_117 : memref<128xi32, #tpu.memory_space<vmem>>) semaphore(%arg9 : memref<!tpu.dma_semaphore, #tpu.memory_space<semaphore_mem>>)
      } else {
      }
      %sub3A_62 = arith.constant 2 : i32
      %sub3A_63 = arith.subi %add3A_51, %sub3A_62 : i32
      %lt3A_64 = arith.constant 10 : i32
      %lt3A_65 = arith.cmpi slt, %scan3A_10, %lt3A_64 : i32
      %convert_element_type3A_66 = arith.extui %lt3A_65 : i1 to i32
      %cond3A_67 = arith.constant 0 : i32
      %cond3A_68 = arith.cmpi ne, %convert_element_type3A_66, %cond3A_67 : i32
      scf.if %cond3A_68 {
        %dma_wait3A = arith.constant 0 : i32
        %dma_wait3A_111 = arith.constant 0 : i32
        %dma_wait3A_112 = arith.constant 0 : i32
        %dma_wait3A_113 = tpu.memref_slice %arg6[%dma_wait3A, %dma_wait3A_111, %dma_wait3A_112] : memref<5x128x64xf32, #tpu.memory_space<vmem>> -> memref<1x128x64xf32, #tpu.memory_space<vmem>>
        %dma_wait3A_114 = tpu.memref_squeeze %dma_wait3A_113 : memref<1x128x64xf32, #tpu.memory_space<vmem>> -> memref<128x64xf32, #tpu.memory_space<vmem>>
        %dma_wait3A_115 = arith.constant 0 : i32
        %dma_wait3A_116 = tpu.memref_slice %arg5[%sub3A_63, %dma_wait3A_115] : memref<50x128xi32, #tpu.memory_space<vmem>> -> memref<1x128xi32, #tpu.memory_space<vmem>>
        %dma_wait3A_117 = tpu.memref_squeeze %dma_wait3A_116 : memref<1x128xi32, #tpu.memory_space<vmem>> -> memref<128xi32, #tpu.memory_space<vmem>>
        %dma_wait3A_118 = arith.constant 0 : i32
        %dma_wait3A_119 = arith.constant 0 : i32
        %dma_wait3A_120 = tpu.memref_slice %arg2[%dma_wait3A_118, %dma_wait3A_119] : memref<2312x64xf32, #tpu.memory_space<hbm>> -> memref<2312x64xf32, #tpu.memory_space<hbm>>
        tpu.wait_indirect_dma semaphore(%arg7 : memref<!tpu.dma_semaphore, #tpu.memory_space<semaphore_mem>>) src(%dma_wait3A_120 : memref<2312x64xf32, #tpu.memory_space<hbm>>) dst(%dma_wait3A_114 : memref<128x64xf32, #tpu.memory_space<vmem>>)
        %mul3A_121 = arith.constant 128 : i32
        %mul3A_122 = arith.muli %sub3A_63, %mul3A_121 : i32
        %add3A_123 = arith.addi %mul3A_4, %mul3A_122 : i32
        %dma_start3A = arith.constant 0 : i32
        %dma_start3A_124 = arith.constant 0 : i32
        %dma_start3A_125 = arith.constant 0 : i32
        %dma_start3A_126 = tpu.memref_slice %arg6[%dma_start3A, %dma_start3A_124, %dma_start3A_125] : memref<5x128x64xf32, #tpu.memory_space<vmem>> -> memref<1x128x64xf32, #tpu.memory_space<vmem>>
        %dma_start3A_127 = tpu.memref_squeeze %dma_start3A_126 : memref<1x128x64xf32, #tpu.memory_space<vmem>> -> memref<128x64xf32, #tpu.memory_space<vmem>>
        %dma_start3A_128 = arith.constant 0 : i32
        %dma_start3A_129 = tpu.memref_slice %arg4[%add3A_123, %dma_start3A_128] : memref<204800x128xf32, #tpu.memory_space<hbm>> -> memref<128x64xf32, #tpu.memory_space<hbm>>
        %dma_start3A_130 = arith.constant 0 : i32
        %dma_start3A_131 = tpu.memref_slice %arg4[%add3A_123, %dma_start3A_130] : memref<204800x128xf32, #tpu.memory_space<hbm>> -> memref<128x64xf32, #tpu.memory_space<hbm>>
        %dma_start3A_132 = arith.constant 0 : i32
        %dma_start3A_133 = arith.constant 0 : i32
        %dma_start3A_134 = tpu.memref_slice %arg6[%dma_start3A, %dma_start3A_132, %dma_start3A_133] : memref<5x128x64xf32, #tpu.memory_space<vmem>> -> memref<1x128x64xf32, #tpu.memory_space<vmem>>
        %dma_start3A_135 = tpu.memref_squeeze %dma_start3A_134 : memref<1x128x64xf32, #tpu.memory_space<vmem>> -> memref<128x64xf32, #tpu.memory_space<vmem>>
        tpu.enqueue_dma source(%dma_start3A_135 : memref<128x64xf32, #tpu.memory_space<vmem>>) target(%dma_start3A_131 : memref<128x64xf32, #tpu.memory_space<hbm>>) target_semaphore(%arg12 : memref<!tpu.dma_semaphore, #tpu.memory_space<semaphore_mem>>)
      } else {
      }
      %mul3A_69 = arith.constant 5 : i32
      %mul3A_70 = arith.muli %scan3A_10, %mul3A_69 : i32
      %add3A_71 = arith.constant 3 : i32
      %add3A_72 = arith.addi %mul3A_70, %add3A_71 : i32
      %ge3A_73 = arith.constant 1 : i32
      %ge3A_74 = arith.cmpi sge, %scan3A_10, %ge3A_73 : i32
      %convert_element_type3A_75 = arith.extui %ge3A_74 : i1 to i32
      %cond3A_76 = arith.constant 0 : i32
      %cond3A_77 = arith.cmpi ne, %convert_element_type3A_75, %cond3A_76 : i32
      scf.if %cond3A_77 {
        %dma_wait3A = arith.constant 3 : i32
        %dma_wait3A_111 = arith.constant 0 : i32
        %dma_wait3A_112 = arith.constant 0 : i32
        %dma_wait3A_113 = tpu.memref_slice %arg6[%dma_wait3A, %dma_wait3A_111, %dma_wait3A_112] : memref<5x128x64xf32, #tpu.memory_space<vmem>> -> memref<1x128x64xf32, #tpu.memory_space<vmem>>
        %dma_wait3A_114 = tpu.memref_squeeze %dma_wait3A_113 : memref<1x128x64xf32, #tpu.memory_space<vmem>> -> memref<128x64xf32, #tpu.memory_space<vmem>>
        %dma_wait3A_115 = arith.constant 0 : i32
        %dma_wait3A_116 = tpu.memref_slice %arg4[%mul3A_4, %dma_wait3A_115] : memref<204800x128xf32, #tpu.memory_space<hbm>> -> memref<128x64xf32, #tpu.memory_space<hbm>>
        %dma_wait3A_117 = arith.constant 0 : i32
        %dma_wait3A_118 = tpu.memref_slice %arg4[%mul3A_4, %dma_wait3A_117] : memref<204800x128xf32, #tpu.memory_space<hbm>> -> memref<128x64xf32, #tpu.memory_space<hbm>>
        %dma_wait3A_119 = arith.constant 0 : i32
        %dma_wait3A_120 = arith.constant 0 : i32
        %dma_wait3A_121 = tpu.memref_slice %arg6[%dma_wait3A, %dma_wait3A_119, %dma_wait3A_120] : memref<5x128x64xf32, #tpu.memory_space<vmem>> -> memref<1x128x64xf32, #tpu.memory_space<vmem>>
        %dma_wait3A_122 = tpu.memref_squeeze %dma_wait3A_121 : memref<1x128x64xf32, #tpu.memory_space<vmem>> -> memref<128x64xf32, #tpu.memory_space<vmem>>
        tpu.wait_dma2 semaphore(%arg15 : memref<!tpu.dma_semaphore, #tpu.memory_space<semaphore_mem>>) src(%dma_wait3A_122 : memref<128x64xf32, #tpu.memory_space<vmem>>) dst(%dma_wait3A_118 : memref<128x64xf32, #tpu.memory_space<hbm>>)
      } else {
      }
      %lt3A_78 = arith.constant 10 : i32
      %lt3A_79 = arith.cmpi slt, %scan3A_10, %lt3A_78 : i32
      %convert_element_type3A_80 = arith.extui %lt3A_79 : i1 to i32
      %cond3A_81 = arith.constant 0 : i32
      %cond3A_82 = arith.cmpi ne, %convert_element_type3A_80, %cond3A_81 : i32
      scf.if %cond3A_82 {
        %dma_start3A = arith.constant 3 : i32
        %dma_start3A_111 = arith.constant 0 : i32
        %dma_start3A_112 = arith.constant 0 : i32
        %dma_start3A_113 = tpu.memref_slice %arg6[%dma_start3A, %dma_start3A_111, %dma_start3A_112] : memref<5x128x64xf32, #tpu.memory_space<vmem>> -> memref<1x128x64xf32, #tpu.memory_space<vmem>>
        %dma_start3A_114 = tpu.memref_squeeze %dma_start3A_113 : memref<1x128x64xf32, #tpu.memory_space<vmem>> -> memref<128x64xf32, #tpu.memory_space<vmem>>
        %dma_start3A_115 = arith.constant 0 : i32
        %dma_start3A_116 = tpu.memref_slice %arg5[%add3A_72, %dma_start3A_115] : memref<50x128xi32, #tpu.memory_space<vmem>> -> memref<1x128xi32, #tpu.memory_space<vmem>>
        %dma_start3A_117 = tpu.memref_squeeze %dma_start3A_116 : memref<1x128xi32, #tpu.memory_space<vmem>> -> memref<128xi32, #tpu.memory_space<vmem>>
        %dma_start3A_118 = arith.constant 0 : i32
        %dma_start3A_119 = arith.constant 0 : i32
        %dma_start3A_120 = tpu.memref_slice %arg2[%dma_start3A_118, %dma_start3A_119] : memref<2312x64xf32, #tpu.memory_space<hbm>> -> memref<2312x64xf32, #tpu.memory_space<hbm>>
        tpu.enqueue_indirect_dma source(%dma_start3A_120 : memref<2312x64xf32, #tpu.memory_space<hbm>>) target(%dma_start3A_114 : memref<128x64xf32, #tpu.memory_space<vmem>>) offsets(%dma_start3A_117 : memref<128xi32, #tpu.memory_space<vmem>>) semaphore(%arg10 : memref<!tpu.dma_semaphore, #tpu.memory_space<semaphore_mem>>)
      } else {
      }
      %sub3A_83 = arith.constant 2 : i32
      %sub3A_84 = arith.subi %add3A_72, %sub3A_83 : i32
      %lt3A_85 = arith.constant 10 : i32
      %lt3A_86 = arith.cmpi slt, %scan3A_10, %lt3A_85 : i32
      %convert_element_type3A_87 = arith.extui %lt3A_86 : i1 to i32
      %cond3A_88 = arith.constant 0 : i32
      %cond3A_89 = arith.cmpi ne, %convert_element_type3A_87, %cond3A_88 : i32
      scf.if %cond3A_89 {
        %dma_wait3A = arith.constant 1 : i32
        %dma_wait3A_111 = arith.constant 0 : i32
        %dma_wait3A_112 = arith.constant 0 : i32
        %dma_wait3A_113 = tpu.memref_slice %arg6[%dma_wait3A, %dma_wait3A_111, %dma_wait3A_112] : memref<5x128x64xf32, #tpu.memory_space<vmem>> -> memref<1x128x64xf32, #tpu.memory_space<vmem>>
        %dma_wait3A_114 = tpu.memref_squeeze %dma_wait3A_113 : memref<1x128x64xf32, #tpu.memory_space<vmem>> -> memref<128x64xf32, #tpu.memory_space<vmem>>
        %dma_wait3A_115 = arith.constant 0 : i32
        %dma_wait3A_116 = tpu.memref_slice %arg5[%sub3A_84, %dma_wait3A_115] : memref<50x128xi32, #tpu.memory_space<vmem>> -> memref<1x128xi32, #tpu.memory_space<vmem>>
        %dma_wait3A_117 = tpu.memref_squeeze %dma_wait3A_116 : memref<1x128xi32, #tpu.memory_space<vmem>> -> memref<128xi32, #tpu.memory_space<vmem>>
        %dma_wait3A_118 = arith.constant 0 : i32
        %dma_wait3A_119 = arith.constant 0 : i32
        %dma_wait3A_120 = tpu.memref_slice %arg2[%dma_wait3A_118, %dma_wait3A_119] : memref<2312x64xf32, #tpu.memory_space<hbm>> -> memref<2312x64xf32, #tpu.memory_space<hbm>>
        tpu.wait_indirect_dma semaphore(%arg8 : memref<!tpu.dma_semaphore, #tpu.memory_space<semaphore_mem>>) src(%dma_wait3A_120 : memref<2312x64xf32, #tpu.memory_space<hbm>>) dst(%dma_wait3A_114 : memref<128x64xf32, #tpu.memory_space<vmem>>)
        %mul3A_121 = arith.constant 128 : i32
        %mul3A_122 = arith.muli %sub3A_84, %mul3A_121 : i32
        %add3A_123 = arith.addi %mul3A_4, %mul3A_122 : i32
        %dma_start3A = arith.constant 1 : i32
        %dma_start3A_124 = arith.constant 0 : i32
        %dma_start3A_125 = arith.constant 0 : i32
        %dma_start3A_126 = tpu.memref_slice %arg6[%dma_start3A, %dma_start3A_124, %dma_start3A_125] : memref<5x128x64xf32, #tpu.memory_space<vmem>> -> memref<1x128x64xf32, #tpu.memory_space<vmem>>
        %dma_start3A_127 = tpu.memref_squeeze %dma_start3A_126 : memref<1x128x64xf32, #tpu.memory_space<vmem>> -> memref<128x64xf32, #tpu.memory_space<vmem>>
        %dma_start3A_128 = arith.constant 0 : i32
        %dma_start3A_129 = tpu.memref_slice %arg4[%add3A_123, %dma_start3A_128] : memref<204800x128xf32, #tpu.memory_space<hbm>> -> memref<128x64xf32, #tpu.memory_space<hbm>>
        %dma_start3A_130 = arith.constant 0 : i32
        %dma_start3A_131 = tpu.memref_slice %arg4[%add3A_123, %dma_start3A_130] : memref<204800x128xf32, #tpu.memory_space<hbm>> -> memref<128x64xf32, #tpu.memory_space<hbm>>
        %dma_start3A_132 = arith.constant 0 : i32
        %dma_start3A_133 = arith.constant 0 : i32
        %dma_start3A_134 = tpu.memref_slice %arg6[%dma_start3A, %dma_start3A_132, %dma_start3A_133] : memref<5x128x64xf32, #tpu.memory_space<vmem>> -> memref<1x128x64xf32, #tpu.memory_space<vmem>>
        %dma_start3A_135 = tpu.memref_squeeze %dma_start3A_134 : memref<1x128x64xf32, #tpu.memory_space<vmem>> -> memref<128x64xf32, #tpu.memory_space<vmem>>
        tpu.enqueue_dma source(%dma_start3A_135 : memref<128x64xf32, #tpu.memory_space<vmem>>) target(%dma_start3A_131 : memref<128x64xf32, #tpu.memory_space<hbm>>) target_semaphore(%arg13 : memref<!tpu.dma_semaphore, #tpu.memory_space<semaphore_mem>>)
      } else {
      }
      %mul3A_90 = arith.constant 5 : i32
      %mul3A_91 = arith.muli %scan3A_10, %mul3A_90 : i32
      %add3A_92 = arith.constant 4 : i32
      %add3A_93 = arith.addi %mul3A_91, %add3A_92 : i32
      %ge3A_94 = arith.constant 1 : i32
      %ge3A_95 = arith.cmpi sge, %scan3A_10, %ge3A_94 : i32
      %convert_element_type3A_96 = arith.extui %ge3A_95 : i1 to i32
      %cond3A_97 = arith.constant 0 : i32
      %cond3A_98 = arith.cmpi ne, %convert_element_type3A_96, %cond3A_97 : i32
      scf.if %cond3A_98 {
        %dma_wait3A = arith.constant 4 : i32
        %dma_wait3A_111 = arith.constant 0 : i32
        %dma_wait3A_112 = arith.constant 0 : i32
        %dma_wait3A_113 = tpu.memref_slice %arg6[%dma_wait3A, %dma_wait3A_111, %dma_wait3A_112] : memref<5x128x64xf32, #tpu.memory_space<vmem>> -> memref<1x128x64xf32, #tpu.memory_space<vmem>>
        %dma_wait3A_114 = tpu.memref_squeeze %dma_wait3A_113 : memref<1x128x64xf32, #tpu.memory_space<vmem>> -> memref<128x64xf32, #tpu.memory_space<vmem>>
        %dma_wait3A_115 = arith.constant 0 : i32
        %dma_wait3A_116 = tpu.memref_slice %arg4[%mul3A_4, %dma_wait3A_115] : memref<204800x128xf32, #tpu.memory_space<hbm>> -> memref<128x64xf32, #tpu.memory_space<hbm>>
        %dma_wait3A_117 = arith.constant 0 : i32
        %dma_wait3A_118 = tpu.memref_slice %arg4[%mul3A_4, %dma_wait3A_117] : memref<204800x128xf32, #tpu.memory_space<hbm>> -> memref<128x64xf32, #tpu.memory_space<hbm>>
        %dma_wait3A_119 = arith.constant 0 : i32
        %dma_wait3A_120 = arith.constant 0 : i32
        %dma_wait3A_121 = tpu.memref_slice %arg6[%dma_wait3A, %dma_wait3A_119, %dma_wait3A_120] : memref<5x128x64xf32, #tpu.memory_space<vmem>> -> memref<1x128x64xf32, #tpu.memory_space<vmem>>
        %dma_wait3A_122 = tpu.memref_squeeze %dma_wait3A_121 : memref<1x128x64xf32, #tpu.memory_space<vmem>> -> memref<128x64xf32, #tpu.memory_space<vmem>>
        tpu.wait_dma2 semaphore(%arg16 : memref<!tpu.dma_semaphore, #tpu.memory_space<semaphore_mem>>) src(%dma_wait3A_122 : memref<128x64xf32, #tpu.memory_space<vmem>>) dst(%dma_wait3A_118 : memref<128x64xf32, #tpu.memory_space<hbm>>)
      } else {
      }
      %lt3A_99 = arith.constant 10 : i32
      %lt3A_100 = arith.cmpi slt, %scan3A_10, %lt3A_99 : i32
      %convert_element_type3A_101 = arith.extui %lt3A_100 : i1 to i32
      %cond3A_102 = arith.constant 0 : i32
      %cond3A_103 = arith.cmpi ne, %convert_element_type3A_101, %cond3A_102 : i32
      scf.if %cond3A_103 {
        %dma_start3A = arith.constant 4 : i32
        %dma_start3A_111 = arith.constant 0 : i32
        %dma_start3A_112 = arith.constant 0 : i32
        %dma_start3A_113 = tpu.memref_slice %arg6[%dma_start3A, %dma_start3A_111, %dma_start3A_112] : memref<5x128x64xf32, #tpu.memory_space<vmem>> -> memref<1x128x64xf32, #tpu.memory_space<vmem>>
        %dma_start3A_114 = tpu.memref_squeeze %dma_start3A_113 : memref<1x128x64xf32, #tpu.memory_space<vmem>> -> memref<128x64xf32, #tpu.memory_space<vmem>>
        %dma_start3A_115 = arith.constant 0 : i32
        %dma_start3A_116 = tpu.memref_slice %arg5[%add3A_93, %dma_start3A_115] : memref<50x128xi32, #tpu.memory_space<vmem>> -> memref<1x128xi32, #tpu.memory_space<vmem>>
        %dma_start3A_117 = tpu.memref_squeeze %dma_start3A_116 : memref<1x128xi32, #tpu.memory_space<vmem>> -> memref<128xi32, #tpu.memory_space<vmem>>
        %dma_start3A_118 = arith.constant 0 : i32
        %dma_start3A_119 = arith.constant 0 : i32
        %dma_start3A_120 = tpu.memref_slice %arg2[%dma_start3A_118, %dma_start3A_119] : memref<2312x64xf32, #tpu.memory_space<hbm>> -> memref<2312x64xf32, #tpu.memory_space<hbm>>
        tpu.enqueue_indirect_dma source(%dma_start3A_120 : memref<2312x64xf32, #tpu.memory_space<hbm>>) target(%dma_start3A_114 : memref<128x64xf32, #tpu.memory_space<vmem>>) offsets(%dma_start3A_117 : memref<128xi32, #tpu.memory_space<vmem>>) semaphore(%arg11 : memref<!tpu.dma_semaphore, #tpu.memory_space<semaphore_mem>>)
      } else {
      }
      %sub3A_104 = arith.constant 2 : i32
      %sub3A_105 = arith.subi %add3A_93, %sub3A_104 : i32
      %lt3A_106 = arith.constant 10 : i32
      %lt3A_107 = arith.cmpi slt, %scan3A_10, %lt3A_106 : i32
      %convert_element_type3A_108 = arith.extui %lt3A_107 : i1 to i32
      %cond3A_109 = arith.constant 0 : i32
      %cond3A_110 = arith.cmpi ne, %convert_element_type3A_108, %cond3A_109 : i32
      scf.if %cond3A_110 {
        %dma_wait3A = arith.constant 2 : i32
        %dma_wait3A_111 = arith.constant 0 : i32
        %dma_wait3A_112 = arith.constant 0 : i32
        %dma_wait3A_113 = tpu.memref_slice %arg6[%dma_wait3A, %dma_wait3A_111, %dma_wait3A_112] : memref<5x128x64xf32, #tpu.memory_space<vmem>> -> memref<1x128x64xf32, #tpu.memory_space<vmem>>
        %dma_wait3A_114 = tpu.memref_squeeze %dma_wait3A_113 : memref<1x128x64xf32, #tpu.memory_space<vmem>> -> memref<128x64xf32, #tpu.memory_space<vmem>>
        %dma_wait3A_115 = arith.constant 0 : i32
        %dma_wait3A_116 = tpu.memref_slice %arg5[%sub3A_105, %dma_wait3A_115] : memref<50x128xi32, #tpu.memory_space<vmem>> -> memref<1x128xi32, #tpu.memory_space<vmem>>
        %dma_wait3A_117 = tpu.memref_squeeze %dma_wait3A_116 : memref<1x128xi32, #tpu.memory_space<vmem>> -> memref<128xi32, #tpu.memory_space<vmem>>
        %dma_wait3A_118 = arith.constant 0 : i32
        %dma_wait3A_119 = arith.constant 0 : i32
        %dma_wait3A_120 = tpu.memref_slice %arg2[%dma_wait3A_118, %dma_wait3A_119] : memref<2312x64xf32, #tpu.memory_space<hbm>> -> memref<2312x64xf32, #tpu.memory_space<hbm>>
        tpu.wait_indirect_dma semaphore(%arg9 : memref<!tpu.dma_semaphore, #tpu.memory_space<semaphore_mem>>) src(%dma_wait3A_120 : memref<2312x64xf32, #tpu.memory_space<hbm>>) dst(%dma_wait3A_114 : memref<128x64xf32, #tpu.memory_space<vmem>>)
        %mul3A_121 = arith.constant 128 : i32
        %mul3A_122 = arith.muli %sub3A_105, %mul3A_121 : i32
        %add3A_123 = arith.addi %mul3A_4, %mul3A_122 : i32
        %dma_start3A = arith.constant 2 : i32
        %dma_start3A_124 = arith.constant 0 : i32
        %dma_start3A_125 = arith.constant 0 : i32
        %dma_start3A_126 = tpu.memref_slice %arg6[%dma_start3A, %dma_start3A_124, %dma_start3A_125] : memref<5x128x64xf32, #tpu.memory_space<vmem>> -> memref<1x128x64xf32, #tpu.memory_space<vmem>>
        %dma_start3A_127 = tpu.memref_squeeze %dma_start3A_126 : memref<1x128x64xf32, #tpu.memory_space<vmem>> -> memref<128x64xf32, #tpu.memory_space<vmem>>
        %dma_start3A_128 = arith.constant 0 : i32
        %dma_start3A_129 = tpu.memref_slice %arg4[%add3A_123, %dma_start3A_128] : memref<204800x128xf32, #tpu.memory_space<hbm>> -> memref<128x64xf32, #tpu.memory_space<hbm>>
        %dma_start3A_130 = arith.constant 0 : i32
        %dma_start3A_131 = tpu.memref_slice %arg4[%add3A_123, %dma_start3A_130] : memref<204800x128xf32, #tpu.memory_space<hbm>> -> memref<128x64xf32, #tpu.memory_space<hbm>>
        %dma_start3A_132 = arith.constant 0 : i32
        %dma_start3A_133 = arith.constant 0 : i32
        %dma_start3A_134 = tpu.memref_slice %arg6[%dma_start3A, %dma_start3A_132, %dma_start3A_133] : memref<5x128x64xf32, #tpu.memory_space<vmem>> -> memref<1x128x64xf32, #tpu.memory_space<vmem>>
        %dma_start3A_135 = tpu.memref_squeeze %dma_start3A_134 : memref<1x128x64xf32, #tpu.memory_space<vmem>> -> memref<128x64xf32, #tpu.memory_space<vmem>>
        tpu.enqueue_dma source(%dma_start3A_135 : memref<128x64xf32, #tpu.memory_space<vmem>>) target(%dma_start3A_131 : memref<128x64xf32, #tpu.memory_space<hbm>>) target_semaphore(%arg14 : memref<!tpu.dma_semaphore, #tpu.memory_space<semaphore_mem>>)
      } else {
      }
    }
    %scan3A_9 = arith.constant 11 : i32
    return
  }
}

module attributes {stable_mosaic.version = 14 : i64} {
  func.func @body(%arg0: i32, %arg1: memref<2048x50xi32, #tpu.memory_space<vmem>>, %arg2: memref<2048x50xi32, #tpu.memory_space<vmem>>, %arg3: memref<2048x50xi32, #tpu.memory_space<vmem>>) attributes {dimension_semantics = [#tpu.dimension_semantics<arbitrary>], iteration_bounds = array<i64: 2>, scalar_prefetch = 0 : i64, scratch_operands = 0 : i64, tpu.core_type = #tpu.core_type<tc>, window_params = [{transform_indices = @transform_0, window_bounds = array<i64: 2048, 50>}, {transform_indices = @transform_1, window_bounds = array<i64: 2048, 50>}, {transform_indices = @transform_2, window_bounds = array<i64: 2048, 50>}]} {
    %get3A = arith.constant 0 : index
    %get3A_0 = arith.constant 0 : index
    %get3A_1 = vector.load %arg2[%get3A, %get3A_0] : memref<2048x50xi32, #tpu.memory_space<vmem>>, vector<2048x50xi32>
    %mul3A = arith.constant 289 : i32
    %mul3A_2 = vector.broadcast %mul3A : i32 to vector<2048x50xi32>
    %mul3A_3 = arith.muli %get3A_1, %mul3A_2 : vector<2048x50xi32>
    %get3A_4 = arith.constant 0 : index
    %get3A_5 = arith.constant 0 : index
    %get3A_6 = vector.load %arg1[%get3A_4, %get3A_5] : memref<2048x50xi32, #tpu.memory_space<vmem>>, vector<2048x50xi32>
    %add3A = arith.addi %mul3A_3, %get3A_6 : vector<2048x50xi32>
    %swap3A = arith.constant 0 : index
    %swap3A_7 = arith.constant 0 : index
    %swap3A_8 = vector.load %arg3[%swap3A, %swap3A_7] : memref<2048x50xi32, #tpu.memory_space<vmem>>, vector<2048x50xi32>
    tpu.vector_store %arg3[%swap3A, %swap3A_7], %add3A {strides = array<i32>} : memref<2048x50xi32, #tpu.memory_space<vmem>>, vector<2048x50xi32>,
    return
  }
  func.func @transform_0(%arg0: i32) -> (i32, i32) {
    %add3A = arith.constant 0 : i32
    %add3A_0 = arith.addi %arg0, %add3A : i32
    %c0_i32 = arith.constant 0 : i32
    %c0_i32_1 = arith.constant 0 : i32
    return %add3A_0, %c0_i32 : i32, i32
  }
  func.func @transform_1(%arg0: i32) -> (i32, i32) {
    %add3A = arith.constant 0 : i32
    %add3A_0 = arith.addi %arg0, %add3A : i32
    %c0_i32 = arith.constant 0 : i32
    %c0_i32_1 = arith.constant 0 : i32
    return %add3A_0, %c0_i32 : i32, i32
  }
  func.func @transform_2(%arg0: i32) -> (i32, i32) {
    %c0_i32 = arith.constant 0 : i32
    %c0_i32_0 = arith.constant 0 : i32
    return %arg0, %c0_i32 : i32, i32
  }
}

module attributes {stable_mosaic.version = 14 : i64} {
  func.func @body(%arg0: memref<289x64xf32, #tpu.memory_space<vmem>>, %arg1: memref<8x64xf32, #tpu.memory_space<vmem>>, %arg2: memref<8x289x64xf32, #tpu.memory_space<vmem>>) attributes {dimension_semantics = [], scalar_prefetch = 0 : i64, scratch_operands = 0 : i64, tpu.core_type = #tpu.core_type<tc>} {
    %get3A = arith.constant 0 : index
    %get3A_0 = arith.constant 0 : index
    %get3A_1 = vector.load %arg1[%get3A, %get3A_0] : memref<8x64xf32, #tpu.memory_space<vmem>>, vector<8x64xf32>
    %broadcast_in_dim3A = vector.shape_cast %get3A_1 : vector<8x64xf32> to vector<8x1x64xf32>
    %get3A_2 = arith.constant 0 : index
    %get3A_3 = arith.constant 0 : index
    %get3A_4 = vector.load %arg0[%get3A_2, %get3A_3] : memref<289x64xf32, #tpu.memory_space<vmem>>, vector<289x64xf32>
    %broadcast_in_dim3A_5 = vector.shape_cast %get3A_4 : vector<289x64xf32> to vector<1x289x64xf32>
    %add3A = vector.broadcast %broadcast_in_dim3A : vector<8x1x64xf32> to vector<8x289x64xf32>
    %add3A_6 = vector.broadcast %broadcast_in_dim3A_5 : vector<1x289x64xf32> to vector<8x289x64xf32>
    %add3A_7 = arith.addf %add3A, %add3A_6 : vector<8x289x64xf32>
    %swap3A = arith.constant 0 : index
    %swap3A_8 = arith.constant 0 : index
    %swap3A_9 = arith.constant 0 : index
    %swap3A_10 = vector.load %arg2[%swap3A, %swap3A_8, %swap3A_9] : memref<8x289x64xf32, #tpu.memory_space<vmem>>, vector<8x289x64xf32>
    tpu.vector_store %arg2[%swap3A, %swap3A_8, %swap3A_9], %add3A_7 {strides = array<i32>} : memref<8x289x64xf32, #tpu.memory_space<vmem>>, vector<8x289x64xf32>,
    return
  }
}

module attributes {stable_mosaic.version = 14 : i64} {
  func.func @body(%arg0: i32, %arg1: memref<2048x50xi32, #tpu.memory_space<vmem>>, %arg2: memref<2048x50xi32, #tpu.memory_space<vmem>>, %arg3: memref<2048x50xi32, #tpu.memory_space<vmem>>) attributes {dimension_semantics = [#tpu.dimension_semantics<arbitrary>], iteration_bounds = array<i64: 2>, scalar_prefetch = 0 : i64, scratch_operands = 0 : i64, tpu.core_type = #tpu.core_type<tc>, window_params = [{transform_indices = @transform_0, window_bounds = array<i64: 2048, 50>}, {transform_indices = @transform_1, window_bounds = array<i64: 2048, 50>}, {transform_indices = @transform_2, window_bounds = array<i64: 2048, 50>}]} {
    %get3A = arith.constant 0 : index
    %get3A_0 = arith.constant 0 : index
    %get3A_1 = vector.load %arg2[%get3A, %get3A_0] : memref<2048x50xi32, #tpu.memory_space<vmem>>, vector<2048x50xi32>
    %mul3A = arith.constant 289 : i32
    %mul3A_2 = vector.broadcast %mul3A : i32 to vector<2048x50xi32>
    %mul3A_3 = arith.muli %get3A_1, %mul3A_2 : vector<2048x50xi32>
    %get3A_4 = arith.constant 0 : index
    %get3A_5 = arith.constant 0 : index
    %get3A_6 = vector.load %arg1[%get3A_4, %get3A_5] : memref<2048x50xi32, #tpu.memory_space<vmem>>, vector<2048x50xi32>
    %add3A = arith.addi %mul3A_3, %get3A_6 : vector<2048x50xi32>
    %swap3A = arith.constant 0 : index
    %swap3A_7 = arith.constant 0 : index
    %swap3A_8 = vector.load %arg3[%swap3A, %swap3A_7] : memref<2048x50xi32, #tpu.memory_space<vmem>>, vector<2048x50xi32>
    tpu.vector_store %arg3[%swap3A, %swap3A_7], %add3A {strides = array<i32>} : memref<2048x50xi32, #tpu.memory_space<vmem>>, vector<2048x50xi32>,
    return
  }
  func.func @transform_0(%arg0: i32) -> (i32, i32) {
    %add3A = arith.constant 2 : i32
    %add3A_0 = arith.addi %arg0, %add3A : i32
    %c0_i32 = arith.constant 0 : i32
    %c0_i32_1 = arith.constant 0 : i32
    return %add3A_0, %c0_i32 : i32, i32
  }
  func.func @transform_1(%arg0: i32) -> (i32, i32) {
    %add3A = arith.constant 2 : i32
    %add3A_0 = arith.addi %arg0, %add3A : i32
    %c0_i32 = arith.constant 0 : i32
    %c0_i32_1 = arith.constant 0 : i32
    return %add3A_0, %c0_i32 : i32, i32
  }
  func.func @transform_2(%arg0: i32) -> (i32, i32) {
    %c0_i32 = arith.constant 0 : i32
    %c0_i32_0 = arith.constant 0 : i32
    return %arg0, %c0_i32 : i32, i32
  }
}

module attributes {stable_mosaic.version = 14 : i64} {
  func.func @body(%arg0: i32, %arg1: memref<2048x50xi32, #tpu.memory_space<vmem>>, %arg2: memref<2048x50xi32, #tpu.memory_space<vmem>>, %arg3: memref<2048x50xi32, #tpu.memory_space<vmem>>) attributes {dimension_semantics = [#tpu.dimension_semantics<arbitrary>], iteration_bounds = array<i64: 2>, scalar_prefetch = 0 : i64, scratch_operands = 0 : i64, tpu.core_type = #tpu.core_type<tc>, window_params = [{transform_indices = @transform_0, window_bounds = array<i64: 2048, 50>}, {transform_indices = @transform_1, window_bounds = array<i64: 2048, 50>}, {transform_indices = @transform_2, window_bounds = array<i64: 2048, 50>}]} {
    %get3A = arith.constant 0 : index
    %get3A_0 = arith.constant 0 : index
    %get3A_1 = vector.load %arg2[%get3A, %get3A_0] : memref<2048x50xi32, #tpu.memory_space<vmem>>, vector<2048x50xi32>
    %mul3A = arith.constant 289 : i32
    %mul3A_2 = vector.broadcast %mul3A : i32 to vector<2048x50xi32>
    %mul3A_3 = arith.muli %get3A_1, %mul3A_2 : vector<2048x50xi32>
    %get3A_4 = arith.constant 0 : index
    %get3A_5 = arith.constant 0 : index
    %get3A_6 = vector.load %arg1[%get3A_4, %get3A_5] : memref<2048x50xi32, #tpu.memory_space<vmem>>, vector<2048x50xi32>
    %add3A = arith.addi %mul3A_3, %get3A_6 : vector<2048x50xi32>
    %swap3A = arith.constant 0 : index
    %swap3A_7 = arith.constant 0 : index
    %swap3A_8 = vector.load %arg3[%swap3A, %swap3A_7] : memref<2048x50xi32, #tpu.memory_space<vmem>>, vector<2048x50xi32>
    tpu.vector_store %arg3[%swap3A, %swap3A_7], %add3A {strides = array<i32>} : memref<2048x50xi32, #tpu.memory_space<vmem>>, vector<2048x50xi32>,
    return
  }
  func.func @transform_0(%arg0: i32) -> (i32, i32) {
    %add3A = arith.constant 4 : i32
    %add3A_0 = arith.addi %arg0, %add3A : i32
    %c0_i32 = arith.constant 0 : i32
    %c0_i32_1 = arith.constant 0 : i32
    return %add3A_0, %c0_i32 : i32, i32
  }
  func.func @transform_1(%arg0: i32) -> (i32, i32) {
    %add3A = arith.constant 4 : i32
    %add3A_0 = arith.addi %arg0, %add3A : i32
    %c0_i32 = arith.constant 0 : i32
    %c0_i32_1 = arith.constant 0 : i32
    return %add3A_0, %c0_i32 : i32, i32
  }
  func.func @transform_2(%arg0: i32) -> (i32, i32) {
    %c0_i32 = arith.constant 0 : i32
    %c0_i32_0 = arith.constant 0 : i32
    return %arg0, %c0_i32 : i32, i32
  }
}

module attributes {stable_mosaic.version = 14 : i64} {
  func.func @body(%arg0: i32, %arg1: memref<2048x50xi32, #tpu.memory_space<vmem>>, %arg2: memref<2048x50xi32, #tpu.memory_space<vmem>>, %arg3: memref<2048x50xi32, #tpu.memory_space<vmem>>) attributes {dimension_semantics = [#tpu.dimension_semantics<arbitrary>], iteration_bounds = array<i64: 2>, scalar_prefetch = 0 : i64, scratch_operands = 0 : i64, tpu.core_type = #tpu.core_type<tc>, window_params = [{transform_indices = @transform_0, window_bounds = array<i64: 2048, 50>}, {transform_indices = @transform_1, window_bounds = array<i64: 2048, 50>}, {transform_indices = @transform_2, window_bounds = array<i64: 2048, 50>}]} {
    %get3A = arith.constant 0 : index
    %get3A_0 = arith.constant 0 : index
    %get3A_1 = vector.load %arg2[%get3A, %get3A_0] : memref<2048x50xi32, #tpu.memory_space<vmem>>, vector<2048x50xi32>
    %mul3A = arith.constant 289 : i32
    %mul3A_2 = vector.broadcast %mul3A : i32 to vector<2048x50xi32>
    %mul3A_3 = arith.muli %get3A_1, %mul3A_2 : vector<2048x50xi32>
    %get3A_4 = arith.constant 0 : index
    %get3A_5 = arith.constant 0 : index
    %get3A_6 = vector.load %arg1[%get3A_4, %get3A_5] : memref<2048x50xi32, #tpu.memory_space<vmem>>, vector<2048x50xi32>
    %add3A = arith.addi %mul3A_3, %get3A_6 : vector<2048x50xi32>
    %swap3A = arith.constant 0 : index
    %swap3A_7 = arith.constant 0 : index
    %swap3A_8 = vector.load %arg3[%swap3A, %swap3A_7] : memref<2048x50xi32, #tpu.memory_space<vmem>>, vector<2048x50xi32>
    tpu.vector_store %arg3[%swap3A, %swap3A_7], %add3A {strides = array<i32>} : memref<2048x50xi32, #tpu.memory_space<vmem>>, vector<2048x50xi32>,
    return
  }
  func.func @transform_0(%arg0: i32) -> (i32, i32) {
    %add3A = arith.constant 6 : i32
    %add3A_0 = arith.addi %arg0, %add3A : i32
    %c0_i32 = arith.constant 0 : i32
    %c0_i32_1 = arith.constant 0 : i32
    return %add3A_0, %c0_i32 : i32, i32
  }
  func.func @transform_1(%arg0: i32) -> (i32, i32) {
    %add3A = arith.constant 6 : i32
    %add3A_0 = arith.addi %arg0, %add3A : i32
    %c0_i32 = arith.constant 0 : i32
    %c0_i32_1 = arith.constant 0 : i32
    return %add3A_0, %c0_i32 : i32, i32
  }
  func.func @transform_2(%arg0: i32) -> (i32, i32) {
    %c0_i32 = arith.constant 0 : i32
    %c0_i32_0 = arith.constant 0 : i32
    return %arg0, %c0_i32 : i32, i32
  }
}

module attributes {stable_mosaic.version = 14 : i64} {
  func.func @body(%arg0: i32, %arg1: memref<12800x128xf32, #tpu.memory_space<vmem>>, %arg2: memref<50x64x256xf32, #tpu.memory_space<vmem>>) attributes {dimension_semantics = [#tpu.dimension_semantics<arbitrary>], iteration_bounds = array<i64: 16>, scalar_prefetch = 0 : i64, scratch_operands = 0 : i64, tpu.core_type = #tpu.core_type<tc>, window_params = [{transform_indices = @transform_0, window_bounds = array<i64: 12800, 128>}, {transform_indices = @transform_1, window_bounds = array<i64: 50, 64, 256>}]} {
    %get3A = arith.constant 0 : index
    %get3A_0 = arith.constant 0 : index
    %get3A_1 = vector.load %arg1[%get3A, %get3A_0] : memref<12800x128xf32, #tpu.memory_space<vmem>>, vector<12800x128xf32>
    %reshape3A = vector.shape_cast %get3A_1 : vector<12800x128xf32> to vector<256x50x128xf32>
    %slice3A = vector.extract_strided_slice %reshape3A {offsets = [0, 0, 0], sizes = [256, 50, 64], strides = [1, 1, 1]} : vector<256x50x128xf32> to vector<256x50x64xf32>
    %transpose3A = tpu.transpose %slice3A, [1, 0, 2] : vector<256x50x64xf32> -> vector<50x256x64xf32>
    %transpose3A_2 = tpu.transpose %transpose3A, [0, 2, 1] : vector<50x256x64xf32> -> vector<50x64x256xf32>
    %swap3A = arith.constant 0 : index
    %swap3A_3 = arith.constant 0 : index
    %swap3A_4 = arith.constant 0 : index
    %swap3A_5 = vector.load %arg2[%swap3A, %swap3A_3, %swap3A_4] : memref<50x64x256xf32, #tpu.memory_space<vmem>>, vector<50x64x256xf32>
    tpu.vector_store %arg2[%swap3A, %swap3A_3, %swap3A_4], %transpose3A_2 {strides = array<i32>} : memref<50x64x256xf32, #tpu.memory_space<vmem>>, vector<50x64x256xf32>,
    return
  }
  func.func @transform_0(%arg0: i32) -> (i32, i32) {
    %c0_i32 = arith.constant 0 : i32
    %c0_i32_0 = arith.constant 0 : i32
    return %arg0, %c0_i32 : i32, i32
  }
  func.func @transform_1(%arg0: i32) -> (i32, i32, i32) {
    %add3A = arith.constant 0 : i32
    %add3A_0 = arith.addi %arg0, %add3A : i32
    %c0_i32 = arith.constant 0 : i32
    %c0_i32_1 = arith.constant 0 : i32
    %c0_i32_2 = arith.constant 0 : i32
    return %c0_i32, %c0_i32_1, %add3A_0 : i32, i32, i32
  }
}

module attributes {stable_mosaic.version = 14 : i64} {
  func.func @body(%arg0: i32, %arg1: memref<12800x128xf32, #tpu.memory_space<vmem>>, %arg2: memref<50x64x16384xf32, #tpu.memory_space<any>>, %arg3: memref<50x64x256xf32, #tpu.memory_space<vmem>>) attributes {dimension_semantics = [#tpu.dimension_semantics<arbitrary>], iteration_bounds = array<i64: 16>, scalar_prefetch = 0 : i64, scratch_operands = 0 : i64, tpu.core_type = #tpu.core_type<tc>, window_params = [{transform_indices = @transform_0, window_bounds = array<i64: 12800, 128>}, {}, {transform_indices = @transform_2, window_bounds = array<i64: 50, 64, 256>}]} {
    %get3A = arith.constant 0 : index
    %get3A_0 = arith.constant 0 : index
    %get3A_1 = vector.load %arg1[%get3A, %get3A_0] : memref<12800x128xf32, #tpu.memory_space<vmem>>, vector<12800x128xf32>
    %reshape3A = vector.shape_cast %get3A_1 : vector<12800x128xf32> to vector<256x50x128xf32>
    %slice3A = vector.extract_strided_slice %reshape3A {offsets = [0, 0, 0], sizes = [256, 50, 64], strides = [1, 1, 1]} : vector<256x50x128xf32> to vector<256x50x64xf32>
    %transpose3A = tpu.transpose %slice3A, [1, 0, 2] : vector<256x50x64xf32> -> vector<50x256x64xf32>
    %transpose3A_2 = tpu.transpose %transpose3A, [0, 2, 1] : vector<50x256x64xf32> -> vector<50x64x256xf32>
    %swap3A = arith.constant 0 : index
    %swap3A_3 = arith.constant 0 : index
    %swap3A_4 = arith.constant 0 : index
    %swap3A_5 = vector.load %arg3[%swap3A, %swap3A_3, %swap3A_4] : memref<50x64x256xf32, #tpu.memory_space<vmem>>, vector<50x64x256xf32>
    tpu.vector_store %arg3[%swap3A, %swap3A_3, %swap3A_4], %transpose3A_2 {strides = array<i32>} : memref<50x64x256xf32, #tpu.memory_space<vmem>>, vector<50x64x256xf32>,
    return
  }
  func.func @transform_0(%arg0: i32) -> (i32, i32) {
    %c0_i32 = arith.constant 0 : i32
    %c0_i32_0 = arith.constant 0 : i32
    return %arg0, %c0_i32 : i32, i32
  }
  func.func @transform_2(%arg0: i32) -> (i32, i32, i32) {
    %add3A = arith.constant 16 : i32
    %add3A_0 = arith.addi %arg0, %add3A : i32
    %c0_i32 = arith.constant 0 : i32
    %c0_i32_1 = arith.constant 0 : i32
    %c0_i32_2 = arith.constant 0 : i32
    return %c0_i32, %c0_i32_1, %add3A_0 : i32, i32, i32
  }
}

module attributes {stable_mosaic.version = 14 : i64} {
  func.func @body(%arg0: i32, %arg1: memref<12800x128xf32, #tpu.memory_space<vmem>>, %arg2: memref<50x64x16384xf32, #tpu.memory_space<any>>, %arg3: memref<50x64x256xf32, #tpu.memory_space<vmem>>) attributes {dimension_semantics = [#tpu.dimension_semantics<arbitrary>], iteration_bounds = array<i64: 16>, scalar_prefetch = 0 : i64, scratch_operands = 0 : i64, tpu.core_type = #tpu.core_type<tc>, window_params = [{transform_indices = @transform_0, window_bounds = array<i64: 12800, 128>}, {}, {transform_indices = @transform_2, window_bounds = array<i64: 50, 64, 256>}]} {
    %get3A = arith.constant 0 : index
    %get3A_0 = arith.constant 0 : index
    %get3A_1 = vector.load %arg1[%get3A, %get3A_0] : memref<12800x128xf32, #tpu.memory_space<vmem>>, vector<12800x128xf32>
    %reshape3A = vector.shape_cast %get3A_1 : vector<12800x128xf32> to vector<256x50x128xf32>
    %slice3A = vector.extract_strided_slice %reshape3A {offsets = [0, 0, 0], sizes = [256, 50, 64], strides = [1, 1, 1]} : vector<256x50x128xf32> to vector<256x50x64xf32>
    %transpose3A = tpu.transpose %slice3A, [1, 0, 2] : vector<256x50x64xf32> -> vector<50x256x64xf32>
    %transpose3A_2 = tpu.transpose %transpose3A, [0, 2, 1] : vector<50x256x64xf32> -> vector<50x64x256xf32>
    %swap3A = arith.constant 0 : index
    %swap3A_3 = arith.constant 0 : index
    %swap3A_4 = arith.constant 0 : index
    %swap3A_5 = vector.load %arg3[%swap3A, %swap3A_3, %swap3A_4] : memref<50x64x256xf32, #tpu.memory_space<vmem>>, vector<50x64x256xf32>
    tpu.vector_store %arg3[%swap3A, %swap3A_3, %swap3A_4], %transpose3A_2 {strides = array<i32>} : memref<50x64x256xf32, #tpu.memory_space<vmem>>, vector<50x64x256xf32>,
    return
  }
  func.func @transform_0(%arg0: i32) -> (i32, i32) {
    %c0_i32 = arith.constant 0 : i32
    %c0_i32_0 = arith.constant 0 : i32
    return %arg0, %c0_i32 : i32, i32
  }
  func.func @transform_2(%arg0: i32) -> (i32, i32, i32) {
    %add3A = arith.constant 32 : i32
    %add3A_0 = arith.addi %arg0, %add3A : i32
    %c0_i32 = arith.constant 0 : i32
    %c0_i32_1 = arith.constant 0 : i32
    %c0_i32_2 = arith.constant 0 : i32
    return %c0_i32, %c0_i32_1, %add3A_0 : i32, i32, i32
  }
}

module attributes {stable_mosaic.version = 14 : i64} {
  func.func @body(%arg0: i32, %arg1: memref<12800x128xf32, #tpu.memory_space<vmem>>, %arg2: memref<50x64x16384xf32, #tpu.memory_space<any>>, %arg3: memref<50x64x256xf32, #tpu.memory_space<vmem>>) attributes {dimension_semantics = [#tpu.dimension_semantics<arbitrary>], iteration_bounds = array<i64: 16>, scalar_prefetch = 0 : i64, scratch_operands = 0 : i64, tpu.core_type = #tpu.core_type<tc>, window_params = [{transform_indices = @transform_0, window_bounds = array<i64: 12800, 128>}, {}, {transform_indices = @transform_2, window_bounds = array<i64: 50, 64, 256>}]} {
    %get3A = arith.constant 0 : index
    %get3A_0 = arith.constant 0 : index
    %get3A_1 = vector.load %arg1[%get3A, %get3A_0] : memref<12800x128xf32, #tpu.memory_space<vmem>>, vector<12800x128xf32>
    %reshape3A = vector.shape_cast %get3A_1 : vector<12800x128xf32> to vector<256x50x128xf32>
    %slice3A = vector.extract_strided_slice %reshape3A {offsets = [0, 0, 0], sizes = [256, 50, 64], strides = [1, 1, 1]} : vector<256x50x128xf32> to vector<256x50x64xf32>
    %transpose3A = tpu.transpose %slice3A, [1, 0, 2] : vector<256x50x64xf32> -> vector<50x256x64xf32>
    %transpose3A_2 = tpu.transpose %transpose3A, [0, 2, 1] : vector<50x256x64xf32> -> vector<50x64x256xf32>
    %swap3A = arith.constant 0 : index
    %swap3A_3 = arith.constant 0 : index
    %swap3A_4 = arith.constant 0 : index
    %swap3A_5 = vector.load %arg3[%swap3A, %swap3A_3, %swap3A_4] : memref<50x64x256xf32, #tpu.memory_space<vmem>>, vector<50x64x256xf32>
    tpu.vector_store %arg3[%swap3A, %swap3A_3, %swap3A_4], %transpose3A_2 {strides = array<i32>} : memref<50x64x256xf32, #tpu.memory_space<vmem>>, vector<50x64x256xf32>,
    return
  }
  func.func @transform_0(%arg0: i32) -> (i32, i32) {
    %c0_i32 = arith.constant 0 : i32
    %c0_i32_0 = arith.constant 0 : i32
    return %arg0, %c0_i32 : i32, i32
  }
  func.func @transform_2(%arg0: i32) -> (i32, i32, i32) {
    %add3A = arith.constant 48 : i32
    %add3A_0 = arith.addi %arg0, %add3A : i32
    %c0_i32 = arith.constant 0 : i32
    %c0_i32_1 = arith.constant 0 : i32
    %c0_i32_2 = arith.constant 0 : i32
    return %c0_i32, %c0_i32_1, %add3A_0 : i32, i32, i32
  }
}

</mosaic_0001>

<sc_bundles>
// kernel: kernel.15.cloned.1.call-start
scs
__scs_entry_jumppad:
0x0: {  	(pc) =	sbr.rel $0x88, $3  }
0x1: {  	(tag) =	ssettag $0x0;
	lr =	simm.s32 $0x1  }
0x2: {  	[smem:$0x3F9D] =	sst lr;
	_ =	strace $0xD0000000  }
0x3: {  	_ = 	snop  }
0x4: {  	_ = 	snop  }
0x5: {  	_ = 	snop  }
0x6: {  	_ = 	snop  }
0x7: {  	_ = 	snop  }
__scs_overlays_trampoline_lowered:
0x8: {  	[smem:$0x3FAC] =	sst s0  }
0x9: {  	[smem:$0x3FAD] =	sst s1  }
0xa: {  	[smem:$0x3FAE] =	sst s2  }
0xb: {  	[smem:$0x3FAF] =	sst s3  }
0xc: {  	[smem:$0x3FB0] =	sst s4  }
0xd: {  	[smem:$0x3FB1] =	sst s5  }
0xe: {  	[smem:$0x3FB2] =	sst s6  }
0xf: {  	[smem:$0x3FB3] =	sst s7  }
0x10: {  	[smem:$0x3FB4] =	sst s8  }
0x11: {  	[smem:$0x3FB5] =	sst s9;
	s0 =	simm.s32 @!p0 $0x0  }
0x12: {  	s1 =	sld [smem:$0x3F9B];
	s0 =	simm.s32 @p0 $0x1  }
0x13: {  	[smem:$0x3FB6] =	sst s0;
	s0 =	simm.s32 @!p1 $0x0  }
0x14: {  	s2 =	sld [smem:$0x3F9A];
	s0 =	simm.s32 @p1 $0x1  }
0x15: {  	[smem:$0x3FB7] =	sst s0;
	s0 =	simm.s32 @!p2 $0x0  }
0x16: {  	s3 =	sld [smem:$0x3FDB];
	s0 =	simm.s32 @p2 $0x1  }
0x17: {  	s4 =	simm.s32 $0x1BF5;
	[smem:$0x3FB9] =	sst s0  }
0x18: {  	s0 =	sld [smem:$0x3F9C];
	_ =	swait.ge [sflag:s4], $0x0  }
0x19: {  	s7 =	sld [smem:$0x3F9D]  }
0x1a: {  	s8 =	sadd.s32 $0xFFFFE003, lr  }
0x1b: {  	s9 =	sadd.s32 $0xFFFFFEF7, lr;
	s5 =	simm.s32 $0xFFFFFFFF;
	p2 =	slt.u32 s8, $0xFFFFF086  }
0x1c: {  	p1 =	slt.u32 s9, $0xF7A;
	s5 =	simm.s32 @!p2 $0x0  }
0x1d: {  	s5 =	simm.s32 @p1 $0x1;
	p0 =	seq.s32 s7, s2  }
0x1e: {  	s7 =	smul.u32 @!p0 $0xF7A, s2;
	p2 =	seq.s32 @!p0 s5, $0x0  }
0x1f: {  	s9 =	smul.u32 $0xF7A, s1;
	s8 =	simm.s32 @!p0 $0x1BF5;
	p2 =	por !p2, p0  }
0x20: {  	[sflag:s8] =	ssyncset.s32 @!p0 $0xFFFFF086;
	s6 =	sadd.s32 @!p0 s3, s7;
	s7 =	simm.s32 @!p0 $0x108  }
0x21: {  	s3 =	sadd.s32 s3, s9;
	s6 =	sadd.s32 @!p0 $0x88, s6;
	s7 =	simm.s32 @p2 $0x1082  }
0x22: {  	[simem:s7], [sflag:s8] =	dma.local @!p0 [hbm:s6], $0xF7A  }
0x23: {  	s9 =	sor.u32 $0xD0000000, s2;
	s6 =	simm.s32 $0x108;
	_ =	swait.ge @!p0 [sflag:s8], $0x0  }
0x24: {  	s3 =	sadd.s32 $0x88, s3;
	s6 =	simm.s32 @!p1 $0x1082;
	[sflag:s4] =	ssyncset.s32 $0xFFFFF086  }
0x25: {  	[simem:s6], [sflag:s4] =	dma.local [hbm:s3], $0xF7A  }
0x26: {  	[smem:$0x3F9D] =	sst s1;
	(tag) =	ssettag s2;
	_ =	strace s9  }
0x27: {  	s1 =	sld [smem:$0x3FAD]  }
0x28: {  	s2 =	sld [smem:$0x3FAE]  }
0x29: {  	s4 =	sld [smem:$0x3FB0]  }
0x2a: {  	p0 =	seq.s32 s5, $0x0;
	s5 =	sld [smem:$0x3FB1]  }
0x2b: {  	s6 =	sld [smem:$0x3FB2]  }
0x2c: {  	s7 =	sld [smem:$0x3FB3]  }
0x2d: {  	s3 =	simm.s32 $0x108;
	s8 =	sld [smem:$0x3FB4]  }
0x2e: {  	s3 =	simm.s32 @!p0 $0x1082;
	s9 =	sld [smem:$0x3FB5]  }
0x2f: {  	lr =	sadd.s32 s0, s3;
	s0 =	sld [smem:$0x3FAC]  }
0x30: {  	s3 =	sld [smem:$0x3FAF]  }
0x31: {  	[smem:$0x3FB8] =	sst s10  }
0x32: {  	s10 =	sld [smem:$0x3FB6];
	_ =	sdelay $0x3  }
0x33: {  	p0 =	seq.s32 s10, $0x1;
	s10 =	sld [smem:$0x3FB8];
	_ =	sdelay $0x3  }
0x34: {  	[smem:$0x3FB8] =	sst s10  }
0x35: {  	s10 =	sld [smem:$0x3FB7];
	_ =	sdelay $0x3  }
0x36: {  	p1 =	seq.s32 s10, $0x1;
	s10 =	sld [smem:$0x3FB8];
	_ =	sdelay $0x3  }
0x37: {  	[smem:$0x3FB8] =	sst s10  }
0x38: {  	s10 =	sld [smem:$0x3FB9]  }
0x39: {  	_ = 	snop;
	(pc) =	sbr.ind lr, $3  }
0x3a: {  	_ = 	snop  }
0x3b: {  	_ = 	snop  }
0x3c: {  	p2 =	seq.s32 s10, $0x1;
	s10 =	sld [smem:$0x3FB8]  }
0x3d: {  	_ =	shalt  }
0x3e: {  	_ =	shalt  }
0x3f: {  	_ =	shalt  }
0x40: {  	_ =	shalt  }
0x41: {  	_ =	shalt  }
0x42: {  	_ =	shalt  }
0x43: {  	_ =	shalt  }
0x44: {  	_ =	shalt  }
0x45: {  	_ =	shalt  }
0x46: {  	_ =	shalt  }
0x47: {  	_ =	shalt  }
0x48: {  	_ =	shalt  }
0x49: {  	_ =	shalt  }
0x4a: {  	_ =	shalt  }
0x4b: {  	_ =	shalt  }
0x4c: {  	_ =	shalt  }
0x4d: {  	_ =	shalt  }
0x4e: {  	_ =	shalt  }
0x4f: {  	_ =	shalt  }
0x50: {  	_ =	shalt  }
0x51: {  	_ =	shalt  }
0x52: {  	_ =	shalt  }
0x53: {  	_ =	shalt  }
0x54: {  	_ =	shalt  }
0x55: {  	_ =	shalt  }
0x56: {  	_ =	shalt  }
0x57: {  	_ =	shalt  }
0x58: {  	_ =	shalt  }
0x59: {  	_ =	shalt  }
0x5a: {  	_ =	shalt  }
0x5b: {  	_ =	shalt  }
0x5c: {  	_ =	shalt  }
0x5d: {  	_ =	shalt  }
0x5e: {  	_ =	shalt  }
0x5f: {  	_ =	shalt  }
0x60: {  	_ =	shalt  }
0x61: {  	_ =	shalt  }
0x62: {  	_ =	shalt  }
0x63: {  	_ =	shalt  }
0x64: {  	_ =	shalt  }
0x65: {  	_ =	shalt  }
0x66: {  	_ =	shalt  }
0x67: {  	_ =	shalt  }
0x68: {  	_ =	shalt  }
0x69: {  	_ =	shalt  }
0x6a: {  	_ =	shalt  }
0x6b: {  	_ =	shalt  }
0x6c: {  	_ =	shalt  }
0x6d: {  	_ =	shalt  }
0x6e: {  	_ =	shalt  }
0x6f: {  	_ =	shalt  }
0x70: {  	_ =	shalt  }
0x71: {  	_ =	shalt  }
0x72: {  	_ =	shalt  }
0x73: {  	_ =	shalt  }
0x74: {  	_ =	shalt  }
0x75: {  	_ =	shalt  }
0x76: {  	_ =	shalt  }
0x77: {  	_ =	shalt  }
0x78: {  	_ =	shalt  }
0x79: {  	_ =	shalt  }
0x7a: {  	_ =	shalt  }
0x7b: {  	_ =	shalt  }
0x7c: {  	_ =	shalt  }
0x7d: {  	_ =	shalt  }
0x7e: {  	_ =	shalt  }
0x7f: {  	_ =	shalt  }
0x80: {  	_ =	shalt  }
0x81: {  	_ =	shalt  }
0x82: {  	_ =	shalt  }
0x83: {  	_ =	shalt  }
0x84: {  	_ =	shalt  }
0x85: {  	_ =	shalt  }
0x86: {  	_ =	shalt  }
0x87: {  	_ =	shalt  }
.Lfunc_end0:
.L_simem_size_0:
called_computation_lowered:
.L_overlay_start_0:
0x88: {  	s2 =	sld [smem:$0x3FD9]  }
0x89: {  	s3 =	sld [smem:$0x3FFE];
	_ =	sdelay $0x1  }
0x8a: {  	s1 =	srdreg.scid  }
0x8b: {  	s0 =	sand.u32 $0x1, s1  }
0x8c: {  	s16 =	sshll.u32 s0, $0xA;
	s2 =	sadd.s32 s3, s2  }
0x8d: {  	s2 =	sadd.s32 s2, s16  }
0x8e: {  	[smem:$0x3FC4] =	sst s2  }
0x8f: {  	_ = 	snop  }
0x90: {  	(tm) =	ssettm $0x1  }
0x91: {  	s17 =	sld [smem:$0x3FFB];
	_ =	sdelay $0x3  }
0x92: {  	_ =	strace s17  }
0x93: {  	s2 =	sld [smem:$0x3FFC];
	_ =	sdelay $0x3  }
0x94: {  	_ =	strace s2  }
0x95: {  	s2 =	sld [smem:$0x3FFD];
	_ =	sdelay $0x3  }
0x96: {  	_ =	strace s2  }
0x97: {  	_ =	strace $0x8FFFFFFF  }
0x98: {  	s18 =	sld [smem:$0x3FDB];
	_ =	sdelay $0x1  }
0x99: {  	s19 =	simm.s32 $_scs_section_size  }
0x9a: {  	s4 =	simm.s32 $_size__tile_overlayer_lowered;
	s5 =	simm.s32 $_tile_overlayer_lowered  }
0x9b: {  	s22 =	simm.s32 $0x1BFF;
	s21 =	sshll.u32 s5, $0x1;
	s2 =	sadd.s32 s19, s18  }
0x9c: {  	s6 =	simm.s32 $0x0;
	s20 =	sshll.u32 s4, $0x1;
	s4 =	sadd.s32 s21, s2  }
0x9d: {  	[timem:s6], [sflag:s22] =	dma.local [hbm:s4], s20  }
0x9e: {  	_ =	swait.ge [sflag:s22], s20  }
0x9f: {  	s3 =	ssub.s32 $0x0, s20;
	[sflag:s22] =	ssyncset.done $0x0  }
0xa0: {  	[sflag:s22] =	ssyncadd.s32 s3;
	_ =	sdelay $0x1  }
0xa1: {  	s23 =	simm.s32 $0x1B8B  }
0xa2: {  	_ =	swait.ge [sflag:s23], $0x1  }
0xa3: {  	[sflag:s23] =	ssyncset.done $0x0  }
0xa4: {  	s25 =	simm.s32 $0x1B8E;
	s24 =	sld [smem:$0x3FFE];
	[sflag:s23] =	ssyncadd.s32 $0xFFFFFFFF  }
0xa5: {  	s26 =	simm.s32 $execute0_lowered;
	[smem:$0x3FD2] =	sst s25  }
0xa6: {  	s4 =	sshll.u32 s26, $0x1;
	_ =	strace $0x80000046;
	[dreg:$0x1] =	wrdreg $0xFFFFFFFF  }
0xa7: {  	s28 =	simm.s32 $_size_execute0_lowered;
	s2 =	sadd.s32 s2, s4;
	[dreg:$0x0] =	wrdreg $0x0  }
0xa8: {  	s4 =	sshll.u32 s28, $0x1;
	[dreg:$0x2] =	wrdreg s2  }
0xa9: {  	[dreg:$0x3] =	wrdreg s4  }
0xaa: {  	[dreg:$0x4] =	wrdreg $0xC0  }
0xab: {  	_ =	task [dreg:s6], $0x5FFFF  }
0xac: {  	[dreg:$0x1] =	wrdreg $0xFFFFFFFF  }
0xad: {  	[dreg:$0x0] =	wrdreg $0x60  }
0xae: {  	[dreg:$0x2] =	wrdreg s24  }
0xaf: {  	[dreg:$0x3] =	wrdreg $0x9  }
0xb0: {  	_ =	task.clear_ibuf [dreg:s6], $0x4FFFF;
	_ =	strace $0x90000046  }
0xb1: {  	s29 =	simm.s32 $0x9;
	_ =	strace $0x80000048  }
0xb2: {  	_ =	swait.ge [sflag:s29], $0x1  }
0xb3: {  	[sflag:s29] =	ssyncadd.s32 $0xFFFFFFFF  }
0xb4: {  	_ =	strace $0x90000048  }
0xb5: {  	_ =	sfence  }
0xb6: {  	s30 =	sld [smem:$0x0];
	_ =	sdelay $0x2  }
0xb7: {  	s31 =	sshll.u32 s1, $0xD;
	s1 =	sshrl.u32 s1, $0x2  }
0xb8: {  	s3 =	sand.u32 $0x4000, s31;
	s1 =	sadd.s32 s1, s30  }
0xb9: {  	s0 =	sor.u32 s3, s0;
	s1 =	sshll.u32 s1, $0x11  }
0xba: {  	s0 =	sor.u32 s1, s0  }
0xbb: {  	s0 =	sadd.s32 $0x8F2B, s0  }
0xbc: {  	[sflag:s0] =	ssyncadd.remote.s32 $0x1  }
0xbd: {  	_ =	sfence.sel $0xFFFF  }
0xbe: {  	[dreg:$0x0] =	wrdreg $0xFFFFFFFF;
	(pc) =	sbr.abs _section_cstart, $3  }
0xbf: {  	[dreg:$0x1] =	wrdreg $0xFFFFFFFF  }
0xc0: {  	_ =	task.clear_ibuf [dreg:s6], $0x2FFFF;
	_ =	strace $0x9FFFFFFF  }
0xc1: {  	(tm) =	ssettm $0x7FFFFFFF  }
tec
execute0_lowered:
.L_overlay_start_1:
0x0: {  	(tag) =	ssettag $0x1  }
0x1: {  	s0 =	srdreg.scid  }
0x2: {  	s8 =	stileid.u32;
	s1 =	rddreg [dreg:$0x0]  }
0x3: {  	s3 =	simm.s32 $0x0;
	s11 =	simm.s32 $0x80;
	s12 =	simm.s32 $0x1900  }
0x4: {  	s13 =	simm.s32 $0x3900;
	s14 =	simm.s32 $0x5900;
	s15 =	simm.s32 $0x1  }
0x5: {  	s16 =	simm.s32 $0x40;
	s17 =	simm.s32 $0x7900;
	s18 =	simm.s32 $0x2  }
0x6: {  	s19 =	simm.s32 $0x9900;
	s20 =	simm.s32 $0x3;
	s21 =	simm.s32 $0x6  }
0x7: {  	s22 =	simm.s32 $0x4;
	s23 =	simm.s32 $0x7;
	s24 =	simm.s32 $0x5  }
0x8: {  	s25 =	simm.s32 $0x8;
	s26 =	simm.s32 $0x9;
	s28 =	simm.s32 $0xA  }
0x9: {  	s0 =	sand.u32 $0x1, s0;
	s2 =	sshll.u32 s8, $0x1;
	s8 =	smul.u32 $0x32000, s8  }
0xa: {  	s2 =	sor.u32 s0, s2;
	s7 =	ssub.s32 $0x2, s0;
	s0 =	smul.u32 $0x19000, s0  }
0xb: {  	[smem:$0x7FF] =	sst s3;
	s3 =	sadd.s32 $0x7E00, s1;
	s5 =	smul.u32 $0x320, s2  }
.Ltmp0:
0xc: {  	_ =	strace $0x80000047;
	s31 =	sshrl.u32 s7, $0x1;
	(pc) =	sbr.rel .LBB2_1-.Ltmp0, $4  }
0xd: {  	s0 =	sadd.s32 s0, s8;
	s6 =	sadd.s32 s5, s1;
	s5 =	sadd.s32 $0xC800, s1  }
0xe: {  	s1 =	ssub.s32 s7, s31;
	[dreg:$0x4] =	wrdreg s0;
	s6 =	sadd.s32 $0x1A00, s6  }
0xf: {  	s4 =	smul.u32 $0x1900, s2;
	s1 =	smax.u32 s1, $0x1;
	[dreg:$0x2] =	wrdreg s6  }
0x10: {  	s29 =	simm.s32 $0x0;
	s7 =	smul.u32 $0xC8000, s2;
	[dreg:$0x3] =	wrdreg s1  }
.LBB2_7:
0x11: {  	_ =	swait.ge [sflag:s26], $0x2000  }
0x12: {  	[sflag:s26] =	ssyncset.done $0x0  }
0x13: {  	[sflag:s26] =	ssyncadd.s32 $0xFFFFE000  }
0x14: {  	_ =	swait.ge [sflag:s28], $0x2000  }
0x15: {  	s29 =	sadd.s32 $0x1, s29;
	s0 =	rddreg [dreg:$0x3]  }
0x16: {  	p0 =	sne.s32 s29, s0  }
.Ltmp1:
0x17: {  	_ = 	snop;
	(pc) =	sbr.rel @!p0 .LBB2_8-.Ltmp1, $3  }
0x18: {  	_ =	sdelay $0x1  }
0x19: {  	[sflag:s28] =	ssyncset.done $0x0  }
0x1a: {  	[sflag:s28] =	ssyncadd.s32 $0xFFFFE000  }
.LBB2_1:
0x1b: {  	s0 =	simm.s32 $0x0  }
.Ltmp2:
0x1c: {  	s1 =	rddreg [dreg:$0x2];
	s30 =	simm.s32 $0xB;
	(pc) =	sbr.rel .LBB2_2-.Ltmp2, $4  }
0x1d: {  	[tilespmem:s0], [sflag:$0xB] =	stream.linear.gather [hbm4b:s1+s0], $0x1900, $0x38;
	[tilespmem:$0xB900] =	vst v63  }
0x1e: {  	s6 =	simm.s32 $0x2;
	_ =	swait.ge [sflag:s30], $0x1900  }
0x1f: {  	s9 =	simm.s32 $0x0;
	s2 =	simm.s32 $0x0;
	[sflag:s30] =	ssyncset.done $0x0  }
0x20: {  	s0 =	simm.s32 $0xA;
	s31 =	rddreg [dreg:$0x4];
	[sflag:s30] =	ssyncadd.s32 $0xFFFFE700  }
.LBB2_3:
0x21: {  	s1 =	simm.s32 $0x0  }
0x22: {  	[tilespmem:s12], [sflag:$0x1] =	stream.indirect.gather [hbm4b:s3+s11], $0x40, s1, s11, $0xb8;
	[tilespmem:$0xB900] =	vst v63  }
0x23: {  	s30 =	simm.s32 $0x2;
	s8 =	simm.s32 $0x1  }
0x24: {  	[tilespmem:s13], [sflag:$0x2] =	stream.indirect.gather [hbm4b:s3+s11], $0x40, s11, s11, $0xb8;
	[tilespmem:$0xB900] =	vst v63  }
.LBB2_6:
0x25: {  	s10 =	sshll.u32 s30, $0x7  }
0x26: {  	s10 =	sand.u32 $0x3FFFFF80, s10  }
0x27: {  	[tilespmem:s14], [sflag:$0x3] =	stream.indirect.gather [hbm4b:s3+s11], $0x40, s10, s11, $0xb8;
	[tilespmem:$0xB900] =	vst v63  }
0x28: {  	s1 =	sadd.s32 s4, s1;
	_ =	swait.ge [sflag:s15], $0x2000  }
0x29: {  	s1 =	sshll.u32 s1, $0x4;
	[sflag:s15] =	ssyncset.done $0x0  }
0x2a: {  	p0 =	seq.s32 s0, $0xA;
	s1 =	sadd.s32 s5, s1;
	[sflag:s15] =	ssyncadd.s32 $0xFFFFE000  }
0x2b: {  	[hbm4b:s1+s16] =	stream.strided.scatter [tilespmem:s12], [sflag:$0x6], $0x2000, s11, s16, $0x38;
	[tilespmem:$0xB900] =	vst v63  }
0x2c: {  	s1 =	simm.s32 @!p0 $0x9  }
0x2d: {  	_ =	swait.ge @!p0 [sflag:s1], $0x2000  }
0x2e: {  	[sflag:s1] =	ssyncset.done @!p0 $0x0  }
0x2f: {  	s8 =	sshll.u32 s8, $0xE;
	s10 =	sadd.s32 $0x180, s2;
	[sflag:s1] =	ssyncadd.s32 @!p0 $0xFFFFE000  }
0x30: {  	[tilespmem:s17], [sflag:$0x4] =	stream.indirect.gather [hbm4b:s3+s11], $0x40, s10, s11, $0xb8;
	[tilespmem:$0xB900] =	vst v63  }
0x31: {  	s1 =	sadd.s32 s7, s8;
	_ =	swait.ge [sflag:s18], $0x2000  }
0x32: {  	s1 =	sshrl.u32 s1, $0x3;
	[sflag:s18] =	ssyncset.done $0x0  }
0x33: {  	s1 =	sadd.s32 s5, s1;
	[sflag:s18] =	ssyncadd.s32 $0xFFFFE000  }
0x34: {  	[hbm4b:s1+s16] =	stream.strided.scatter [tilespmem:s13], [sflag:$0x7], $0x2000, s11, s16, $0x38;
	[tilespmem:$0xB900] =	vst v63  }
0x35: {  	s1 =	simm.s32 @!p0 $0xA  }
0x36: {  	_ =	swait.ge @!p0 [sflag:s1], $0x2000  }
0x37: {  	s30 =	sshll.u32 s30, $0xE;
	s0 =	sadd.s32 $0xFFFFFFFF, s0;
	[sflag:s1] =	ssyncset.done @!p0 $0x0  }
0x38: {  	s9 =	sadd.s32 $0x280, s9;
	s10 =	sadd.s32 $0x200, s2;
	[sflag:s1] =	ssyncadd.s32 @!p0 $0xFFFFE000  }
0x39: {  	[tilespmem:s19], [sflag:$0x5] =	stream.indirect.gather [hbm4b:s3+s11], $0x40, s10, s11, $0xb8;
	[tilespmem:$0xB900] =	vst v63  }
0x3a: {  	s31 =	sadd.s32 $0x2800, s31;
	s1 =	sadd.s32 s7, s30;
	_ =	swait.ge [sflag:s20], $0x2000  }
0x3b: {  	s6 =	sadd.s32 $0x5, s6;
	s1 =	sshrl.u32 s1, $0x3;
	[sflag:s20] =	ssyncset.done $0x0  }
0x3c: {  	s2 =	sadd.s32 $0x280, s2;
	s1 =	sadd.s32 s5, s1;
	[sflag:s20] =	ssyncadd.s32 $0xFFFFE000  }
0x3d: {  	[hbm4b:s1+s16] =	stream.strided.scatter [tilespmem:s14], [sflag:$0x8], $0x2000, s11, s16, $0x38;
	[tilespmem:$0xB900] =	vst v63  }
.LBB2_2:
0x3e: {  	p0 =	sne.s32 s0, $0xA  }
.Ltmp3:
0x3f: {  	_ = 	snop;
	(pc) =	sbr.rel @!p0 .LBB2_3-.Ltmp3, $1  }
0x40: {  	_ =	sdelay $0x3  }
0x41: {  	_ =	swait.ge [sflag:s21], $0x2000  }
0x42: {  	p0 =	seq.s32 s0, $0x0;
	[sflag:s21] =	ssyncset.done $0x0  }
0x43: {  	s1 =	simm.s32 @!p0 $0x80;
	s8 =	simm.s32 @!p0 $0x1900;
	[sflag:s21] =	ssyncadd.s32 $0xFFFFE000  }
0x44: {  	[tilespmem:s8], [sflag:$0x1] =	stream.indirect.gather @!p0 [hbm4b:s3+s1], $0x40, s2, s1, $0xb8;
	[tilespmem:$0xB900] =	vst v63  }
0x45: {  	s10 =	sadd.s32 $0x1FFFF000, s31;
	_ =	swait.ge [sflag:s22], $0x2000  }
0x46: {  	s8 =	sand.u32 $0x1FFFF800, s10;
	[sflag:s22] =	ssyncset.done $0x0  }
0x47: {  	s8 =	sadd.s32 s5, s8;
	[sflag:s22] =	ssyncadd.s32 $0xFFFFE000  }
0x48: {  	[hbm4b:s8+s16] =	stream.strided.scatter [tilespmem:s17], [sflag:$0x9], $0x2000, s11, s16, $0x38;
	[tilespmem:$0xB900] =	vst v63  }
0x49: {  	_ =	swait.ge [sflag:s23], $0x2000  }
0x4a: {  	[sflag:s23] =	ssyncset.done $0x0  }
0x4b: {  	s30 =	simm.s32 @!p0 $0x3900;
	s8 =	sadd.s32 @!p0 $0x80, s2;
	[sflag:s23] =	ssyncadd.s32 $0xFFFFE000  }
0x4c: {  	[tilespmem:s30], [sflag:$0x2] =	stream.indirect.gather @!p0 [hbm4b:s3+s1], $0x40, s8, s1, $0xb8;
	[tilespmem:$0xB900] =	vst v63  }
0x4d: {  	s30 =	sadd.s32 $0x1FFFF800, s31;
	_ =	swait.ge [sflag:s24], $0x2000  }
0x4e: {  	s1 =	sand.u32 $0x1FFFF800, s30;
	[sflag:s24] =	ssyncset.done $0x0  }
.Ltmp4:
0x4f: {  	s1 =	sadd.s32 s5, s1;
	[sflag:s24] =	ssyncadd.s32 $0xFFFFE000;
	(pc) =	sbr.rel @p0 .LBB2_7-.Ltmp4, $4  }
0x50: {  	[hbm4b:s1+s16] =	stream.strided.scatter [tilespmem:s19], [sflag:$0xA], $0x2000, s11, s16, $0x38;
	[tilespmem:$0xB900] =	vst v63  }
0x51: {  	_ =	swait.ge [sflag:s25], $0x2000  }
0x52: {  	[sflag:s25] =	ssyncset.done $0x0  }
0x53: {  	[sflag:s25] =	ssyncadd.s32 $0xFFFFE000  }
.Ltmp5:
0x54: {  	(pc) =	sbr.rel .LBB2_6-.Ltmp5, $2  }
0x55: {  	_ =	sdelay $0x2  }
0x56: {  	s8 =	sadd.s32 $0xFFFFFFFF, s6;
	s1 =	smov.u32 s9;
	s30 =	smov.u32 s6  }
.LBB2_8:
0x57: {  	_ =	sfence.sel $0x180000  }
0x58: {  	[bflag:$0x0] =	sbarrier.arrive $0xFFFF  }
0x59: {  	_ =	strace $0x90000047  }
0x5a: {  	s0 =	stileid.u32;
	[bflag:$0x2] =	sbarrier.arrive $0xFFFF  }
0x5b: {  	p0 =	sne.s32 s0, $0x0;
	s0 =	rddreg [dreg:$0x1]  }
0x5c: {  	s0 =	sadd.s32 @!p0 $0x100000, s0  }
0x5d: {  	[sflag:s0] =	ssyncadd.tile.s32 @!p0 $0x1;
	_ =	shalt  }
.Lfunc_end2:
_tile_overlayer_lowered:
.L_overlay_start_2:
0x5e: {  	(tag) =	ssettag $0x2  }
0x5f: {  	s0 =	rddreg [dreg:$0x0];
	s2 =	stileid.u32  }
0x60: {  	s1 =	rddreg [dreg:$0x1];
	p0 =	sne.s32 s2, $0x0  }
0x61: {  	s3 =	rddreg [dreg:$0x2];
	[bflag:$0x3] =	sbarrier.arrive $0xFFFF;
	s2 =	simm.s32 @!p0 $0x1C0B  }
0x62: {  	[timem:s3], [sflag:s2] =	dma.local @!p0 [hbm:s0], s1  }
0x63: {  	s0 =	simm.s32 @!p0 $0xB  }
0x64: {  	_ =	swait.ge @!p0 [sflag:s0], s1  }
0x65: {  	s1 =	ssub.s32 @!p0 $0x0, s1;
	[sflag:s0] =	ssyncset.done @!p0 $0x0  }
0x66: {  	[sflag:s0] =	ssyncadd.s32 @!p0 s1  }
0x67: {  	[bflag:$0x3] =	sbarrier.arrive $0xFFFF  }
0x68: {  	_ =	shalt  }

// kernel: kernel.18.cloned.1.call-start
scs
__scs_entry_jumppad:
0x0: {  	(pc) =	sbr.rel $0x88, $3  }
0x1: {  	(tag) =	ssettag $0x0;
	lr =	simm.s32 $0x1  }
0x2: {  	[smem:$0x3F9D] =	sst lr;
	_ =	strace $0xD0000000  }
0x3: {  	_ = 	snop  }
0x4: {  	_ = 	snop  }
0x5: {  	_ = 	snop  }
0x6: {  	_ = 	snop  }
0x7: {  	_ = 	snop  }
__scs_overlays_trampoline_lowered:
0x8: {  	[smem:$0x3FAC] =	sst s0  }
0x9: {  	[smem:$0x3FAD] =	sst s1  }
0xa: {  	[smem:$0x3FAE] =	sst s2  }
0xb: {  	[smem:$0x3FAF] =	sst s3  }
0xc: {  	[smem:$0x3FB0] =	sst s4  }
0xd: {  	[smem:$0x3FB1] =	sst s5  }
0xe: {  	[smem:$0x3FB2] =	sst s6  }
0xf: {  	[smem:$0x3FB3] =	sst s7  }
0x10: {  	[smem:$0x3FB4] =	sst s8  }
0x11: {  	[smem:$0x3FB5] =	sst s9;
	s0 =	simm.s32 @!p0 $0x0  }
0x12: {  	s1 =	sld [smem:$0x3F9B];
	s0 =	simm.s32 @p0 $0x1  }
0x13: {  	[smem:$0x3FB6] =	sst s0;
	s0 =	simm.s32 @!p1 $0x0  }
0x14: {  	s2 =	sld [smem:$0x3F9A];
	s0 =	simm.s32 @p1 $0x1  }
0x15: {  	[smem:$0x3FB7] =	sst s0;
	s0 =	simm.s32 @!p2 $0x0  }
0x16: {  	s3 =	sld [smem:$0x3FDB];
	s0 =	simm.s32 @p2 $0x1  }
0x17: {  	s4 =	simm.s32 $0x1BF5;
	[smem:$0x3FB9] =	sst s0  }
0x18: {  	s0 =	sld [smem:$0x3F9C];
	_ =	swait.ge [sflag:s4], $0x0  }
0x19: {  	s7 =	sld [smem:$0x3F9D]  }
0x1a: {  	s8 =	sadd.s32 $0xFFFFE003, lr  }
0x1b: {  	s9 =	sadd.s32 $0xFFFFFEF7, lr;
	s5 =	simm.s32 $0xFFFFFFFF;
	p2 =	slt.u32 s8, $0xFFFFF086  }
0x1c: {  	p1 =	slt.u32 s9, $0xF7A;
	s5 =	simm.s32 @!p2 $0x0  }
0x1d: {  	s5 =	simm.s32 @p1 $0x1;
	p0 =	seq.s32 s7, s2  }
0x1e: {  	s7 =	smul.u32 @!p0 $0xF7A, s2;
	p2 =	seq.s32 @!p0 s5, $0x0  }
0x1f: {  	s9 =	smul.u32 $0xF7A, s1;
	s8 =	simm.s32 @!p0 $0x1BF5;
	p2 =	por !p2, p0  }
0x20: {  	[sflag:s8] =	ssyncset.s32 @!p0 $0xFFFFF086;
	s6 =	sadd.s32 @!p0 s3, s7;
	s7 =	simm.s32 @!p0 $0x108  }
0x21: {  	s3 =	sadd.s32 s3, s9;
	s6 =	sadd.s32 @!p0 $0x88, s6;
	s7 =	simm.s32 @p2 $0x1082  }
0x22: {  	[simem:s7], [sflag:s8] =	dma.local @!p0 [hbm:s6], $0xF7A  }
0x23: {  	s9 =	sor.u32 $0xD0000000, s2;
	s6 =	simm.s32 $0x108;
	_ =	swait.ge @!p0 [sflag:s8], $0x0  }
0x24: {  	s3 =	sadd.s32 $0x88, s3;
	s6 =	simm.s32 @!p1 $0x1082;
	[sflag:s4] =	ssyncset.s32 $0xFFFFF086  }
0x25: {  	[simem:s6], [sflag:s4] =	dma.local [hbm:s3], $0xF7A  }
0x26: {  	[smem:$0x3F9D] =	sst s1;
	(tag) =	ssettag s2;
	_ =	strace s9  }
0x27: {  	s1 =	sld [smem:$0x3FAD]  }
0x28: {  	s2 =	sld [smem:$0x3FAE]  }
0x29: {  	s4 =	sld [smem:$0x3FB0]  }
0x2a: {  	p0 =	seq.s32 s5, $0x0;
	s5 =	sld [smem:$0x3FB1]  }
0x2b: {  	s6 =	sld [smem:$0x3FB2]  }
0x2c: {  	s7 =	sld [smem:$0x3FB3]  }
0x2d: {  	s3 =	simm.s32 $0x108;
	s8 =	sld [smem:$0x3FB4]  }
0x2e: {  	s3 =	simm.s32 @!p0 $0x1082;
	s9 =	sld [smem:$0x3FB5]  }
0x2f: {  	lr =	sadd.s32 s0, s3;
	s0 =	sld [smem:$0x3FAC]  }
0x30: {  	s3 =	sld [smem:$0x3FAF]  }
0x31: {  	[smem:$0x3FB8] =	sst s10  }
0x32: {  	s10 =	sld [smem:$0x3FB6];
	_ =	sdelay $0x3  }
0x33: {  	p0 =	seq.s32 s10, $0x1;
	s10 =	sld [smem:$0x3FB8];
	_ =	sdelay $0x3  }
0x34: {  	[smem:$0x3FB8] =	sst s10  }
0x35: {  	s10 =	sld [smem:$0x3FB7];
	_ =	sdelay $0x3  }
0x36: {  	p1 =	seq.s32 s10, $0x1;
	s10 =	sld [smem:$0x3FB8];
	_ =	sdelay $0x3  }
0x37: {  	[smem:$0x3FB8] =	sst s10  }
0x38: {  	s10 =	sld [smem:$0x3FB9]  }
0x39: {  	_ = 	snop;
	(pc) =	sbr.ind lr, $3  }
0x3a: {  	_ = 	snop  }
0x3b: {  	_ = 	snop  }
0x3c: {  	p2 =	seq.s32 s10, $0x1;
	s10 =	sld [smem:$0x3FB8]  }
0x3d: {  	_ =	shalt  }
0x3e: {  	_ =	shalt  }
0x3f: {  	_ =	shalt  }
0x40: {  	_ =	shalt  }
0x41: {  	_ =	shalt  }
0x42: {  	_ =	shalt  }
0x43: {  	_ =	shalt  }
0x44: {  	_ =	shalt  }
0x45: {  	_ =	shalt  }
0x46: {  	_ =	shalt  }
0x47: {  	_ =	shalt  }
0x48: {  	_ =	shalt  }
0x49: {  	_ =	shalt  }
0x4a: {  	_ =	shalt  }
0x4b: {  	_ =	shalt  }
0x4c: {  	_ =	shalt  }
0x4d: {  	_ =	shalt  }
0x4e: {  	_ =	shalt  }
0x4f: {  	_ =	shalt  }
0x50: {  	_ =	shalt  }
0x51: {  	_ =	shalt  }
0x52: {  	_ =	shalt  }
0x53: {  	_ =	shalt  }
0x54: {  	_ =	shalt  }
0x55: {  	_ =	shalt  }
0x56: {  	_ =	shalt  }
0x57: {  	_ =	shalt  }
0x58: {  	_ =	shalt  }
0x59: {  	_ =	shalt  }
0x5a: {  	_ =	shalt  }
0x5b: {  	_ =	shalt  }
0x5c: {  	_ =	shalt  }
0x5d: {  	_ =	shalt  }
0x5e: {  	_ =	shalt  }
0x5f: {  	_ =	shalt  }
0x60: {  	_ =	shalt  }
0x61: {  	_ =	shalt  }
0x62: {  	_ =	shalt  }
0x63: {  	_ =	shalt  }
0x64: {  	_ =	shalt  }
0x65: {  	_ =	shalt  }
0x66: {  	_ =	shalt  }
0x67: {  	_ =	shalt  }
0x68: {  	_ =	shalt  }
0x69: {  	_ =	shalt  }
0x6a: {  	_ =	shalt  }
0x6b: {  	_ =	shalt  }
0x6c: {  	_ =	shalt  }
0x6d: {  	_ =	shalt  }
0x6e: {  	_ =	shalt  }
0x6f: {  	_ =	shalt  }
0x70: {  	_ =	shalt  }
0x71: {  	_ =	shalt  }
0x72: {  	_ =	shalt  }
0x73: {  	_ =	shalt  }
0x74: {  	_ =	shalt  }
0x75: {  	_ =	shalt  }
0x76: {  	_ =	shalt  }
0x77: {  	_ =	shalt  }
0x78: {  	_ =	shalt  }
0x79: {  	_ =	shalt  }
0x7a: {  	_ =	shalt  }
0x7b: {  	_ =	shalt  }
0x7c: {  	_ =	shalt  }
0x7d: {  	_ =	shalt  }
0x7e: {  	_ =	shalt  }
0x7f: {  	_ =	shalt  }
0x80: {  	_ =	shalt  }
0x81: {  	_ =	shalt  }
0x82: {  	_ =	shalt  }
0x83: {  	_ =	shalt  }
0x84: {  	_ =	shalt  }
0x85: {  	_ =	shalt  }
0x86: {  	_ =	shalt  }
0x87: {  	_ =	shalt  }
.Lfunc_end0:
.L_simem_size_0:
called_computation.1_lowered:
.L_overlay_start_0:
0x88: {  	s2 =	sld [smem:$0x3FD9]  }
0x89: {  	s3 =	sld [smem:$0x3FFE];
	_ =	sdelay $0x1  }
0x8a: {  	s1 =	srdreg.scid  }
0x8b: {  	s0 =	sand.u32 $0x1, s1  }
0x8c: {  	s17 =	sshll.u32 s0, $0xA;
	s2 =	sadd.s32 s3, s2  }
0x8d: {  	s2 =	sadd.s32 s2, s17  }
0x8e: {  	[smem:$0x3FC4] =	sst s2  }
0x8f: {  	_ = 	snop  }
0x90: {  	(tm) =	ssettm $0x1  }
0x91: {  	s18 =	sld [smem:$0x3FFB];
	_ =	sdelay $0x3  }
0x92: {  	_ =	strace s18  }
0x93: {  	s2 =	sld [smem:$0x3FFC];
	_ =	sdelay $0x3  }
0x94: {  	_ =	strace s2  }
0x95: {  	s2 =	sld [smem:$0x3FFD];
	_ =	sdelay $0x3  }
0x96: {  	_ =	strace s2  }
0x97: {  	_ =	strace $0x8FFFFFFF  }
0x98: {  	s19 =	sld [smem:$0x3FDB];
	_ =	sdelay $0x1  }
0x99: {  	s20 =	simm.s32 $_scs_section_size  }
0x9a: {  	s4 =	simm.s32 $_size__tile_overlayer_lowered;
	s5 =	simm.s32 $_tile_overlayer_lowered  }
0x9b: {  	s6 =	simm.s32 $0x1BFF;
	s21 =	sshll.u32 s5, $0x1;
	s3 =	sadd.s32 s20, s19  }
0x9c: {  	s22 =	simm.s32 $0x0;
	s4 =	sshll.u32 s4, $0x1;
	s5 =	sadd.s32 s21, s3  }
0x9d: {  	[timem:s22], [sflag:s6] =	dma.local [hbm:s5], s4  }
0x9e: {  	_ =	swait.ge [sflag:s6], s4  }
0x9f: {  	s4 =	ssub.s32 $0x0, s4;
	[sflag:s6] =	ssyncset.done $0x0  }
0xa0: {  	[sflag:s6] =	ssyncadd.s32 s4;
	_ =	sdelay $0x1  }
0xa1: {  	s23 =	simm.s32 $0x1B8B  }
0xa2: {  	_ =	swait.ge [sflag:s23], $0x1  }
0xa3: {  	[sflag:s23] =	ssyncset.done $0x0  }
0xa4: {  	[sflag:s23] =	ssyncadd.s32 $0xFFFFFFFF  }
0xa5: {  	s4 =	sld [smem:$0x0]  }
0xa6: {  	s5 =	sand.u32 $0xFFFFFFFE, s1  }
0xa7: {  	p0 =	sne.s32 s1, s5  }
0xa8: {  	s5 =	sshll.u32 @p0 s5, $0xE  }
0xa9: {  	s5 =	sadd.s32 @p0 $0x11B8D, s5;
	s6 =	sshll.u32 @p0 s4, $0x11  }
0xaa: {  	s5 =	sor.u32 @p0 s6, s5  }
0xab: {  	[sflag:s5] =	ssyncadd.remote.s32 @p0 $0x1;
	_ =	sdelay $0x1  }
0xac: {  	s5 =	simm.s32 @p0 $0x1B8D  }
0xad: {  	_ =	swait.eq @p0 [sflag:s5], $0x1  }
0xae: {  	[sflag:s5] =	ssyncadd.s32 @p0 $0xFFFFFFFF  }
0xaf: {  	s6 =	sshll.u32 @!p0 s1, $0xE  }
0xb0: {  	s6 =	sor.u32 @!p0 $0x4000, s6;
	s5 =	simm.s32 @!p0 $0x1B8D  }
0xb1: {  	s4 =	sshll.u32 @!p0 s4, $0x11;
	s6 =	sadd.s32 @!p0 $0x11B8D, s6;
	_ =	swait.eq @!p0 [sflag:s5], $0x1  }
0xb2: {  	s4 =	sor.u32 @!p0 s4, s6;
	[sflag:s5] =	ssyncadd.s32 @!p0 $0xFFFFFFFF  }
0xb3: {  	s25 =	simm.s32 $0x1B8E;
	s24 =	sld [smem:$0x3FFE];
	[sflag:s4] =	ssyncadd.remote.s32 @!p0 $0x1  }
0xb4: {  	s26 =	simm.s32 $execute0_lowered;
	[smem:$0x3FD2] =	sst s25  }
0xb5: {  	s5 =	sshll.u32 s26, $0x1;
	_ =	strace $0x80000049;
	[dreg:$0x1] =	wrdreg $0xFFFFFFFF  }
0xb6: {  	s28 =	simm.s32 $_size_execute0_lowered;
	s3 =	sadd.s32 s3, s5;
	[dreg:$0x0] =	wrdreg $0x0  }
0xb7: {  	s5 =	sshll.u32 s28, $0x1;
	[dreg:$0x2] =	wrdreg s3  }
0xb8: {  	[dreg:$0x3] =	wrdreg s5  }
0xb9: {  	[dreg:$0x4] =	wrdreg $0xC0  }
0xba: {  	_ =	task [dreg:s22], $0x5FFFF  }
0xbb: {  	[dreg:$0x1] =	wrdreg $0xFFFFFFFF  }
0xbc: {  	[dreg:$0x0] =	wrdreg $0x60  }
0xbd: {  	[dreg:$0x2] =	wrdreg s24  }
0xbe: {  	[dreg:$0x3] =	wrdreg $0xA  }
0xbf: {  	_ =	task.clear_ibuf [dreg:s22], $0x4FFFF;
	_ =	strace $0x90000049  }
0xc0: {  	s29 =	simm.s32 $0xA;
	_ =	strace $0x8000004B  }
0xc1: {  	_ =	swait.ge [sflag:s29], $0x1  }
0xc2: {  	[sflag:s29] =	ssyncadd.s32 $0xFFFFFFFF  }
0xc3: {  	_ =	strace $0x9000004B  }
0xc4: {  	_ =	sfence  }
0xc5: {  	s30 =	sld [smem:$0x0];
	_ =	sdelay $0x2  }
0xc6: {  	s31 =	sshll.u32 s1, $0xD;
	s1 =	sshrl.u32 s1, $0x2  }
0xc7: {  	s4 =	sand.u32 $0x4000, s31;
	s1 =	sadd.s32 s1, s30  }
0xc8: {  	s0 =	sor.u32 s4, s0;
	s1 =	sshll.u32 s1, $0x11  }
0xc9: {  	s0 =	sor.u32 s1, s0  }
0xca: {  	s0 =	sadd.s32 $0x8F2B, s0  }
0xcb: {  	[sflag:s0] =	ssyncadd.remote.s32 $0x1  }
0xcc: {  	_ =	sfence.sel $0xFFFF  }
0xcd: {  	[dreg:$0x0] =	wrdreg $0xFFFFFFFF;
	(pc) =	sbr.abs _section_cstart, $3  }
0xce: {  	[dreg:$0x1] =	wrdreg $0xFFFFFFFF  }
0xcf: {  	_ =	task.clear_ibuf [dreg:s22], $0x2FFFF;
	_ =	strace $0x9FFFFFFF  }
0xd0: {  	(tm) =	ssettm $0x7FFFFFFF  }
0xd1: {  	_ =	shalt  }
tec
execute0_lowered:
.L_overlay_start_1:
0x0: {  	(tag) =	ssettag $0x1  }
0x1: {  	s0 =	srdreg.scid  }
0x2: {  	s8 =	stileid.u32;
	s1 =	rddreg [dreg:$0x0]  }
0x3: {  	s3 =	simm.s32 $0x0;
	s11 =	simm.s32 $0x80;
	s12 =	simm.s32 $0x1900  }
0x4: {  	s13 =	simm.s32 $0x3900;
	s14 =	simm.s32 $0x5900;
	s15 =	simm.s32 $0x1  }
0x5: {  	s16 =	simm.s32 $0x40;
	s17 =	simm.s32 $0x7900;
	s18 =	simm.s32 $0x2  }
0x6: {  	s19 =	simm.s32 $0x9900;
	s20 =	simm.s32 $0x3;
	s21 =	simm.s32 $0x6  }
0x7: {  	s22 =	simm.s32 $0x4;
	s23 =	simm.s32 $0x7;
	s24 =	simm.s32 $0x5  }
0x8: {  	s25 =	simm.s32 $0x8;
	s26 =	simm.s32 $0x9;
	s28 =	simm.s32 $0xA  }
0x9: {  	s0 =	sand.u32 $0x1, s0;
	s2 =	sshll.u32 s8, $0x1;
	s8 =	smul.u32 $0x32000, s8  }
0xa: {  	s2 =	sor.u32 s0, s2;
	s7 =	ssub.s32 $0x2, s0;
	s0 =	smul.u32 $0x19000, s0  }
0xb: {  	[smem:$0x7FF] =	sst s3;
	s3 =	sadd.s32 $0x7E00, s1;
	s5 =	smul.u32 $0x320, s2  }
.Ltmp0:
0xc: {  	_ =	strace $0x8000004A;
	s31 =	sshrl.u32 s7, $0x1;
	(pc) =	sbr.rel .LBB2_1-.Ltmp0, $4  }
0xd: {  	s0 =	sadd.s32 s0, s8;
	s6 =	sadd.s32 s5, s1;
	s5 =	sadd.s32 $0x332C00, s1  }
0xe: {  	s1 =	ssub.s32 s7, s31;
	[dreg:$0x4] =	wrdreg s0;
	s6 =	sadd.s32 $0x32C800, s6  }
0xf: {  	s4 =	smul.u32 $0x1900, s2;
	s1 =	smax.u32 s1, $0x1;
	[dreg:$0x2] =	wrdreg s6  }
0x10: {  	s29 =	simm.s32 $0x0;
	s7 =	smul.u32 $0xC8000, s2;
	[dreg:$0x3] =	wrdreg s1  }
.LBB2_7:
0x11: {  	_ =	swait.ge [sflag:s26], $0x2000  }
0x12: {  	[sflag:s26] =	ssyncset.done $0x0  }
0x13: {  	[sflag:s26] =	ssyncadd.s32 $0xFFFFE000  }
0x14: {  	_ =	swait.ge [sflag:s28], $0x2000  }
0x15: {  	s29 =	sadd.s32 $0x1, s29;
	s0 =	rddreg [dreg:$0x3]  }
0x16: {  	p0 =	sne.s32 s29, s0  }
.Ltmp1:
0x17: {  	_ = 	snop;
	(pc) =	sbr.rel @!p0 .LBB2_8-.Ltmp1, $3  }
0x18: {  	_ =	sdelay $0x1  }
0x19: {  	[sflag:s28] =	ssyncset.done $0x0  }
0x1a: {  	[sflag:s28] =	ssyncadd.s32 $0xFFFFE000  }
.LBB2_1:
0x1b: {  	s0 =	simm.s32 $0x0  }
.Ltmp2:
0x1c: {  	s1 =	rddreg [dreg:$0x2];
	s30 =	simm.s32 $0xB;
	(pc) =	sbr.rel .LBB2_2-.Ltmp2, $4  }
0x1d: {  	[tilespmem:s0], [sflag:$0xB] =	stream.linear.gather [hbm4b:s1+s0], $0x1900, $0x38;
	[tilespmem:$0xB900] =	vst v63  }
0x1e: {  	s6 =	simm.s32 $0x2;
	_ =	swait.ge [sflag:s30], $0x1900  }
0x1f: {  	s9 =	simm.s32 $0x0;
	s2 =	simm.s32 $0x0;
	[sflag:s30] =	ssyncset.done $0x0  }
0x20: {  	s0 =	simm.s32 $0xA;
	s31 =	rddreg [dreg:$0x4];
	[sflag:s30] =	ssyncadd.s32 $0xFFFFE700  }
.LBB2_3:
0x21: {  	s1 =	simm.s32 $0x0  }
0x22: {  	[tilespmem:s12], [sflag:$0x1] =	stream.indirect.gather [hbm4b:s3+s11], $0x40, s1, s11, $0xb8;
	[tilespmem:$0xB900] =	vst v63  }
0x23: {  	s30 =	simm.s32 $0x2;
	s8 =	simm.s32 $0x1  }
0x24: {  	[tilespmem:s13], [sflag:$0x2] =	stream.indirect.gather [hbm4b:s3+s11], $0x40, s11, s11, $0xb8;
	[tilespmem:$0xB900] =	vst v63  }
.LBB2_6:
0x25: {  	s10 =	sshll.u32 s30, $0x7  }
0x26: {  	s10 =	sand.u32 $0x3FFFFF80, s10  }
0x27: {  	[tilespmem:s14], [sflag:$0x3] =	stream.indirect.gather [hbm4b:s3+s11], $0x40, s10, s11, $0xb8;
	[tilespmem:$0xB900] =	vst v63  }
0x28: {  	s1 =	sadd.s32 s4, s1;
	_ =	swait.ge [sflag:s15], $0x2000  }
0x29: {  	s1 =	sshll.u32 s1, $0x4;
	[sflag:s15] =	ssyncset.done $0x0  }
0x2a: {  	p0 =	seq.s32 s0, $0xA;
	s1 =	sadd.s32 s5, s1;
	[sflag:s15] =	ssyncadd.s32 $0xFFFFE000  }
0x2b: {  	[hbm4b:s1+s16] =	stream.strided.scatter [tilespmem:s12], [sflag:$0x6], $0x2000, s11, s16, $0x38;
	[tilespmem:$0xB900] =	vst v63  }
0x2c: {  	s1 =	simm.s32 @!p0 $0x9  }
0x2d: {  	_ =	swait.ge @!p0 [sflag:s1], $0x2000  }
0x2e: {  	[sflag:s1] =	ssyncset.done @!p0 $0x0  }
0x2f: {  	s8 =	sshll.u32 s8, $0xE;
	s10 =	sadd.s32 $0x180, s2;
	[sflag:s1] =	ssyncadd.s32 @!p0 $0xFFFFE000  }
0x30: {  	[tilespmem:s17], [sflag:$0x4] =	stream.indirect.gather [hbm4b:s3+s11], $0x40, s10, s11, $0xb8;
	[tilespmem:$0xB900] =	vst v63  }
0x31: {  	s1 =	sadd.s32 s7, s8;
	_ =	swait.ge [sflag:s18], $0x2000  }
0x32: {  	s1 =	sshrl.u32 s1, $0x3;
	[sflag:s18] =	ssyncset.done $0x0  }
0x33: {  	s1 =	sadd.s32 s5, s1;
	[sflag:s18] =	ssyncadd.s32 $0xFFFFE000  }
0x34: {  	[hbm4b:s1+s16] =	stream.strided.scatter [tilespmem:s13], [sflag:$0x7], $0x2000, s11, s16, $0x38;
	[tilespmem:$0xB900] =	vst v63  }
0x35: {  	s1 =	simm.s32 @!p0 $0xA  }
0x36: {  	_ =	swait.ge @!p0 [sflag:s1], $0x2000  }
0x37: {  	s30 =	sshll.u32 s30, $0xE;
	s0 =	sadd.s32 $0xFFFFFFFF, s0;
	[sflag:s1] =	ssyncset.done @!p0 $0x0  }
0x38: {  	s9 =	sadd.s32 $0x280, s9;
	s10 =	sadd.s32 $0x200, s2;
	[sflag:s1] =	ssyncadd.s32 @!p0 $0xFFFFE000  }
0x39: {  	[tilespmem:s19], [sflag:$0x5] =	stream.indirect.gather [hbm4b:s3+s11], $0x40, s10, s11, $0xb8;
	[tilespmem:$0xB900] =	vst v63  }
0x3a: {  	s31 =	sadd.s32 $0x2800, s31;
	s1 =	sadd.s32 s7, s30;
	_ =	swait.ge [sflag:s20], $0x2000  }
0x3b: {  	s6 =	sadd.s32 $0x5, s6;
	s1 =	sshrl.u32 s1, $0x3;
	[sflag:s20] =	ssyncset.done $0x0  }
0x3c: {  	s2 =	sadd.s32 $0x280, s2;
	s1 =	sadd.s32 s5, s1;
	[sflag:s20] =	ssyncadd.s32 $0xFFFFE000  }
0x3d: {  	[hbm4b:s1+s16] =	stream.strided.scatter [tilespmem:s14], [sflag:$0x8], $0x2000, s11, s16, $0x38;
	[tilespmem:$0xB900] =	vst v63  }
.LBB2_2:
0x3e: {  	p0 =	sne.s32 s0, $0xA  }
.Ltmp3:
0x3f: {  	_ = 	snop;
	(pc) =	sbr.rel @!p0 .LBB2_3-.Ltmp3, $1  }
0x40: {  	_ =	sdelay $0x3  }
0x41: {  	_ =	swait.ge [sflag:s21], $0x2000  }
0x42: {  	p0 =	seq.s32 s0, $0x0;
	[sflag:s21] =	ssyncset.done $0x0  }
0x43: {  	s1 =	simm.s32 @!p0 $0x80;
	s8 =	simm.s32 @!p0 $0x1900;
	[sflag:s21] =	ssyncadd.s32 $0xFFFFE000  }
0x44: {  	[tilespmem:s8], [sflag:$0x1] =	stream.indirect.gather @!p0 [hbm4b:s3+s1], $0x40, s2, s1, $0xb8;
	[tilespmem:$0xB900] =	vst v63  }
0x45: {  	s10 =	sadd.s32 $0x1FFFF000, s31;
	_ =	swait.ge [sflag:s22], $0x2000  }
0x46: {  	s8 =	sand.u32 $0x1FFFF800, s10;
	[sflag:s22] =	ssyncset.done $0x0  }
0x47: {  	s8 =	sadd.s32 s5, s8;
	[sflag:s22] =	ssyncadd.s32 $0xFFFFE000  }
0x48: {  	[hbm4b:s8+s16] =	stream.strided.scatter [tilespmem:s17], [sflag:$0x9], $0x2000, s11, s16, $0x38;
	[tilespmem:$0xB900] =	vst v63  }
0x49: {  	_ =	swait.ge [sflag:s23], $0x2000  }
0x4a: {  	[sflag:s23] =	ssyncset.done $0x0  }
0x4b: {  	s30 =	simm.s32 @!p0 $0x3900;
	s8 =	sadd.s32 @!p0 $0x80, s2;
	[sflag:s23] =	ssyncadd.s32 $0xFFFFE000  }
0x4c: {  	[tilespmem:s30], [sflag:$0x2] =	stream.indirect.gather @!p0 [hbm4b:s3+s1], $0x40, s8, s1, $0xb8;
	[tilespmem:$0xB900] =	vst v63  }
0x4d: {  	s30 =	sadd.s32 $0x1FFFF800, s31;
	_ =	swait.ge [sflag:s24], $0x2000  }
0x4e: {  	s1 =	sand.u32 $0x1FFFF800, s30;
	[sflag:s24] =	ssyncset.done $0x0  }
.Ltmp4:
0x4f: {  	s1 =	sadd.s32 s5, s1;
	[sflag:s24] =	ssyncadd.s32 $0xFFFFE000;
	(pc) =	sbr.rel @p0 .LBB2_7-.Ltmp4, $4  }
0x50: {  	[hbm4b:s1+s16] =	stream.strided.scatter [tilespmem:s19], [sflag:$0xA], $0x2000, s11, s16, $0x38;
	[tilespmem:$0xB900] =	vst v63  }
0x51: {  	_ =	swait.ge [sflag:s25], $0x2000  }
0x52: {  	[sflag:s25] =	ssyncset.done $0x0  }
0x53: {  	[sflag:s25] =	ssyncadd.s32 $0xFFFFE000  }
.Ltmp5:
0x54: {  	(pc) =	sbr.rel .LBB2_6-.Ltmp5, $2  }
0x55: {  	_ =	sdelay $0x2  }
0x56: {  	s8 =	sadd.s32 $0xFFFFFFFF, s6;
	s1 =	smov.u32 s9;
	s30 =	smov.u32 s6  }
.LBB2_8:
0x57: {  	_ =	sfence.sel $0x180000  }
0x58: {  	[bflag:$0x0] =	sbarrier.arrive $0xFFFF  }
0x59: {  	_ =	strace $0x9000004A  }
0x5a: {  	s0 =	stileid.u32;
	[bflag:$0x2] =	sbarrier.arrive $0xFFFF  }
0x5b: {  	p0 =	sne.s32 s0, $0x0;
	s0 =	rddreg [dreg:$0x1]  }
0x5c: {  	s0 =	sadd.s32 @!p0 $0x100000, s0  }
0x5d: {  	[sflag:s0] =	ssyncadd.tile.s32 @!p0 $0x1;
	_ =	shalt  }
.Lfunc_end2:
_tile_overlayer_lowered:
.L_overlay_start_2:
0x5e: {  	(tag) =	ssettag $0x2  }
0x5f: {  	s0 =	rddreg [dreg:$0x0];
	s2 =	stileid.u32  }
0x60: {  	s1 =	rddreg [dreg:$0x1];
	p0 =	sne.s32 s2, $0x0  }
0x61: {  	s3 =	rddreg [dreg:$0x2];
	[bflag:$0x3] =	sbarrier.arrive $0xFFFF;
	s2 =	simm.s32 @!p0 $0x1C0B  }
0x62: {  	[timem:s3], [sflag:s2] =	dma.local @!p0 [hbm:s0], s1  }
0x63: {  	s0 =	simm.s32 @!p0 $0xB  }
0x64: {  	_ =	swait.ge @!p0 [sflag:s0], s1  }
0x65: {  	s1 =	ssub.s32 @!p0 $0x0, s1;
	[sflag:s0] =	ssyncset.done @!p0 $0x0  }
0x66: {  	[sflag:s0] =	ssyncadd.s32 @!p0 s1  }
0x67: {  	[bflag:$0x3] =	sbarrier.arrive $0xFFFF  }
0x68: {  	_ =	shalt  }

// kernel: kernel.21.cloned.1.call-start
scs
__scs_entry_jumppad:
0x0: {  	(pc) =	sbr.rel $0x88, $3  }
0x1: {  	(tag) =	ssettag $0x0;
	lr =	simm.s32 $0x1  }
0x2: {  	[smem:$0x3F9D] =	sst lr;
	_ =	strace $0xD0000000  }
0x3: {  	_ = 	snop  }
0x4: {  	_ = 	snop  }
0x5: {  	_ = 	snop  }
0x6: {  	_ = 	snop  }
0x7: {  	_ = 	snop  }
__scs_overlays_trampoline_lowered:
0x8: {  	[smem:$0x3FAC] =	sst s0  }
0x9: {  	[smem:$0x3FAD] =	sst s1  }
0xa: {  	[smem:$0x3FAE] =	sst s2  }
0xb: {  	[smem:$0x3FAF] =	sst s3  }
0xc: {  	[smem:$0x3FB0] =	sst s4  }
0xd: {  	[smem:$0x3FB1] =	sst s5  }
0xe: {  	[smem:$0x3FB2] =	sst s6  }
0xf: {  	[smem:$0x3FB3] =	sst s7  }
0x10: {  	[smem:$0x3FB4] =	sst s8  }
0x11: {  	[smem:$0x3FB5] =	sst s9;
	s0 =	simm.s32 @!p0 $0x0  }
0x12: {  	s1 =	sld [smem:$0x3F9B];
	s0 =	simm.s32 @p0 $0x1  }
0x13: {  	[smem:$0x3FB6] =	sst s0;
	s0 =	simm.s32 @!p1 $0x0  }
0x14: {  	s2 =	sld [smem:$0x3F9A];
	s0 =	simm.s32 @p1 $0x1  }
0x15: {  	[smem:$0x3FB7] =	sst s0;
	s0 =	simm.s32 @!p2 $0x0  }
0x16: {  	s3 =	sld [smem:$0x3FDB];
	s0 =	simm.s32 @p2 $0x1  }
0x17: {  	s4 =	simm.s32 $0x1BF5;
	[smem:$0x3FB9] =	sst s0  }
0x18: {  	s0 =	sld [smem:$0x3F9C];
	_ =	swait.ge [sflag:s4], $0x0  }
0x19: {  	s7 =	sld [smem:$0x3F9D]  }
0x1a: {  	s8 =	sadd.s32 $0xFFFFE003, lr  }
0x1b: {  	s9 =	sadd.s32 $0xFFFFFEF7, lr;
	s5 =	simm.s32 $0xFFFFFFFF;
	p2 =	slt.u32 s8, $0xFFFFF086  }
0x1c: {  	p1 =	slt.u32 s9, $0xF7A;
	s5 =	simm.s32 @!p2 $0x0  }
0x1d: {  	s5 =	simm.s32 @p1 $0x1;
	p0 =	seq.s32 s7, s2  }
0x1e: {  	s7 =	smul.u32 @!p0 $0xF7A, s2;
	p2 =	seq.s32 @!p0 s5, $0x0  }
0x1f: {  	s9 =	smul.u32 $0xF7A, s1;
	s8 =	simm.s32 @!p0 $0x1BF5;
	p2 =	por !p2, p0  }
0x20: {  	[sflag:s8] =	ssyncset.s32 @!p0 $0xFFFFF086;
	s6 =	sadd.s32 @!p0 s3, s7;
	s7 =	simm.s32 @!p0 $0x108  }
0x21: {  	s3 =	sadd.s32 s3, s9;
	s6 =	sadd.s32 @!p0 $0x88, s6;
	s7 =	simm.s32 @p2 $0x1082  }
0x22: {  	[simem:s7], [sflag:s8] =	dma.local @!p0 [hbm:s6], $0xF7A  }
0x23: {  	s9 =	sor.u32 $0xD0000000, s2;
	s6 =	simm.s32 $0x108;
	_ =	swait.ge @!p0 [sflag:s8], $0x0  }
0x24: {  	s3 =	sadd.s32 $0x88, s3;
	s6 =	simm.s32 @!p1 $0x1082;
	[sflag:s4] =	ssyncset.s32 $0xFFFFF086  }
0x25: {  	[simem:s6], [sflag:s4] =	dma.local [hbm:s3], $0xF7A  }
0x26: {  	[smem:$0x3F9D] =	sst s1;
	(tag) =	ssettag s2;
	_ =	strace s9  }
0x27: {  	s1 =	sld [smem:$0x3FAD]  }
0x28: {  	s2 =	sld [smem:$0x3FAE]  }
0x29: {  	s4 =	sld [smem:$0x3FB0]  }
0x2a: {  	p0 =	seq.s32 s5, $0x0;
	s5 =	sld [smem:$0x3FB1]  }
0x2b: {  	s6 =	sld [smem:$0x3FB2]  }
0x2c: {  	s7 =	sld [smem:$0x3FB3]  }
0x2d: {  	s3 =	simm.s32 $0x108;
	s8 =	sld [smem:$0x3FB4]  }
0x2e: {  	s3 =	simm.s32 @!p0 $0x1082;
	s9 =	sld [smem:$0x3FB5]  }
0x2f: {  	lr =	sadd.s32 s0, s3;
	s0 =	sld [smem:$0x3FAC]  }
0x30: {  	s3 =	sld [smem:$0x3FAF]  }
0x31: {  	[smem:$0x3FB8] =	sst s10  }
0x32: {  	s10 =	sld [smem:$0x3FB6];
	_ =	sdelay $0x3  }
0x33: {  	p0 =	seq.s32 s10, $0x1;
	s10 =	sld [smem:$0x3FB8];
	_ =	sdelay $0x3  }
0x34: {  	[smem:$0x3FB8] =	sst s10  }
0x35: {  	s10 =	sld [smem:$0x3FB7];
	_ =	sdelay $0x3  }
0x36: {  	p1 =	seq.s32 s10, $0x1;
	s10 =	sld [smem:$0x3FB8];
	_ =	sdelay $0x3  }
0x37: {  	[smem:$0x3FB8] =	sst s10  }
0x38: {  	s10 =	sld [smem:$0x3FB9]  }
0x39: {  	_ = 	snop;
	(pc) =	sbr.ind lr, $3  }
0x3a: {  	_ = 	snop  }
0x3b: {  	_ = 	snop  }
0x3c: {  	p2 =	seq.s32 s10, $0x1;
	s10 =	sld [smem:$0x3FB8]  }
0x3d: {  	_ =	shalt  }
0x3e: {  	_ =	shalt  }
0x3f: {  	_ =	shalt  }
0x40: {  	_ =	shalt  }
0x41: {  	_ =	shalt  }
0x42: {  	_ =	shalt  }
0x43: {  	_ =	shalt  }
0x44: {  	_ =	shalt  }
0x45: {  	_ =	shalt  }
0x46: {  	_ =	shalt  }
0x47: {  	_ =	shalt  }
0x48: {  	_ =	shalt  }
0x49: {  	_ =	shalt  }
0x4a: {  	_ =	shalt  }
0x4b: {  	_ =	shalt  }
0x4c: {  	_ =	shalt  }
0x4d: {  	_ =	shalt  }
0x4e: {  	_ =	shalt  }
0x4f: {  	_ =	shalt  }
0x50: {  	_ =	shalt  }
0x51: {  	_ =	shalt  }
0x52: {  	_ =	shalt  }
0x53: {  	_ =	shalt  }
0x54: {  	_ =	shalt  }
0x55: {  	_ =	shalt  }
0x56: {  	_ =	shalt  }
0x57: {  	_ =	shalt  }
0x58: {  	_ =	shalt  }
0x59: {  	_ =	shalt  }
0x5a: {  	_ =	shalt  }
0x5b: {  	_ =	shalt  }
0x5c: {  	_ =	shalt  }
0x5d: {  	_ =	shalt  }
0x5e: {  	_ =	shalt  }
0x5f: {  	_ =	shalt  }
0x60: {  	_ =	shalt  }
0x61: {  	_ =	shalt  }
0x62: {  	_ =	shalt  }
0x63: {  	_ =	shalt  }
0x64: {  	_ =	shalt  }
0x65: {  	_ =	shalt  }
0x66: {  	_ =	shalt  }
0x67: {  	_ =	shalt  }
0x68: {  	_ =	shalt  }
0x69: {  	_ =	shalt  }
0x6a: {  	_ =	shalt  }
0x6b: {  	_ =	shalt  }
0x6c: {  	_ =	shalt  }
0x6d: {  	_ =	shalt  }
0x6e: {  	_ =	shalt  }
0x6f: {  	_ =	shalt  }
0x70: {  	_ =	shalt  }
0x71: {  	_ =	shalt  }
0x72: {  	_ =	shalt  }
0x73: {  	_ =	shalt  }
0x74: {  	_ =	shalt  }
0x75: {  	_ =	shalt  }
0x76: {  	_ =	shalt  }
0x77: {  	_ =	shalt  }
0x78: {  	_ =	shalt  }
0x79: {  	_ =	shalt  }
0x7a: {  	_ =	shalt  }
0x7b: {  	_ =	shalt  }
0x7c: {  	_ =	shalt  }
0x7d: {  	_ =	shalt  }
0x7e: {  	_ =	shalt  }
0x7f: {  	_ =	shalt  }
0x80: {  	_ =	shalt  }
0x81: {  	_ =	shalt  }
0x82: {  	_ =	shalt  }
0x83: {  	_ =	shalt  }
0x84: {  	_ =	shalt  }
0x85: {  	_ =	shalt  }
0x86: {  	_ =	shalt  }
0x87: {  	_ =	shalt  }
.Lfunc_end0:
.L_simem_size_0:
called_computation.2_lowered:
.L_overlay_start_0:
0x88: {  	s2 =	sld [smem:$0x3FD9]  }
0x89: {  	s3 =	sld [smem:$0x3FFE];
	_ =	sdelay $0x1  }
0x8a: {  	s1 =	srdreg.scid  }
0x8b: {  	s0 =	sand.u32 $0x1, s1  }
0x8c: {  	s17 =	sshll.u32 s0, $0xA;
	s2 =	sadd.s32 s3, s2  }
0x8d: {  	s2 =	sadd.s32 s2, s17  }
0x8e: {  	[smem:$0x3FC4] =	sst s2  }
0x8f: {  	_ = 	snop  }
0x90: {  	(tm) =	ssettm $0x1  }
0x91: {  	s18 =	sld [smem:$0x3FFB];
	_ =	sdelay $0x3  }
0x92: {  	_ =	strace s18  }
0x93: {  	s2 =	sld [smem:$0x3FFC];
	_ =	sdelay $0x3  }
0x94: {  	_ =	strace s2  }
0x95: {  	s2 =	sld [smem:$0x3FFD];
	_ =	sdelay $0x3  }
0x96: {  	_ =	strace s2  }
0x97: {  	_ =	strace $0x8FFFFFFF  }
0x98: {  	s19 =	sld [smem:$0x3FDB];
	_ =	sdelay $0x1  }
0x99: {  	s20 =	simm.s32 $_scs_section_size  }
0x9a: {  	s4 =	simm.s32 $_size__tile_overlayer_lowered;
	s5 =	simm.s32 $_tile_overlayer_lowered  }
0x9b: {  	s6 =	simm.s32 $0x1BFF;
	s21 =	sshll.u32 s5, $0x1;
	s3 =	sadd.s32 s20, s19  }
0x9c: {  	s22 =	simm.s32 $0x0;
	s4 =	sshll.u32 s4, $0x1;
	s5 =	sadd.s32 s21, s3  }
0x9d: {  	[timem:s22], [sflag:s6] =	dma.local [hbm:s5], s4  }
0x9e: {  	_ =	swait.ge [sflag:s6], s4  }
0x9f: {  	s4 =	ssub.s32 $0x0, s4;
	[sflag:s6] =	ssyncset.done $0x0  }
0xa0: {  	[sflag:s6] =	ssyncadd.s32 s4;
	_ =	sdelay $0x1  }
0xa1: {  	s23 =	simm.s32 $0x1B8B  }
0xa2: {  	_ =	swait.ge [sflag:s23], $0x1  }
0xa3: {  	[sflag:s23] =	ssyncset.done $0x0  }
0xa4: {  	[sflag:s23] =	ssyncadd.s32 $0xFFFFFFFF  }
0xa5: {  	s4 =	sld [smem:$0x0]  }
0xa6: {  	s5 =	sand.u32 $0xFFFFFFFE, s1  }
0xa7: {  	p0 =	sne.s32 s1, s5  }
0xa8: {  	s5 =	sshll.u32 @p0 s5, $0xE  }
0xa9: {  	s5 =	sadd.s32 @p0 $0x11B8D, s5;
	s6 =	sshll.u32 @p0 s4, $0x11  }
0xaa: {  	s5 =	sor.u32 @p0 s6, s5  }
0xab: {  	[sflag:s5] =	ssyncadd.remote.s32 @p0 $0x1;
	_ =	sdelay $0x1  }
0xac: {  	s5 =	simm.s32 @p0 $0x1B8D  }
0xad: {  	_ =	swait.eq @p0 [sflag:s5], $0x1  }
0xae: {  	[sflag:s5] =	ssyncadd.s32 @p0 $0xFFFFFFFF  }
0xaf: {  	s6 =	sshll.u32 @!p0 s1, $0xE  }
0xb0: {  	s6 =	sor.u32 @!p0 $0x4000, s6;
	s5 =	simm.s32 @!p0 $0x1B8D  }
0xb1: {  	s4 =	sshll.u32 @!p0 s4, $0x11;
	s6 =	sadd.s32 @!p0 $0x11B8D, s6;
	_ =	swait.eq @!p0 [sflag:s5], $0x1  }
0xb2: {  	s4 =	sor.u32 @!p0 s4, s6;
	[sflag:s5] =	ssyncadd.s32 @!p0 $0xFFFFFFFF  }
0xb3: {  	s25 =	simm.s32 $0x1B8E;
	s24 =	sld [smem:$0x3FFE];
	[sflag:s4] =	ssyncadd.remote.s32 @!p0 $0x1  }
0xb4: {  	s26 =	simm.s32 $execute0_lowered;
	[smem:$0x3FD2] =	sst s25  }
0xb5: {  	s5 =	sshll.u32 s26, $0x1;
	_ =	strace $0x8000004C;
	[dreg:$0x1] =	wrdreg $0xFFFFFFFF  }
0xb6: {  	s28 =	simm.s32 $_size_execute0_lowered;
	s3 =	sadd.s32 s3, s5;
	[dreg:$0x0] =	wrdreg $0x0  }
0xb7: {  	s5 =	sshll.u32 s28, $0x1;
	[dreg:$0x2] =	wrdreg s3  }
0xb8: {  	[dreg:$0x3] =	wrdreg s5  }
0xb9: {  	[dreg:$0x4] =	wrdreg $0xC0  }
0xba: {  	_ =	task [dreg:s22], $0x5FFFF  }
0xbb: {  	[dreg:$0x1] =	wrdreg $0xFFFFFFFF  }
0xbc: {  	[dreg:$0x0] =	wrdreg $0x60  }
0xbd: {  	[dreg:$0x2] =	wrdreg s24  }
0xbe: {  	[dreg:$0x3] =	wrdreg $0xB  }
0xbf: {  	_ =	task.clear_ibuf [dreg:s22], $0x4FFFF;
	_ =	strace $0x9000004C  }
0xc0: {  	s29 =	simm.s32 $0xB;
	_ =	strace $0x8000004E  }
0xc1: {  	_ =	swait.ge [sflag:s29], $0x1  }
0xc2: {  	[sflag:s29] =	ssyncadd.s32 $0xFFFFFFFF  }
0xc3: {  	_ =	strace $0x9000004E  }
0xc4: {  	_ =	sfence  }
0xc5: {  	s30 =	sld [smem:$0x0];
	_ =	sdelay $0x2  }
0xc6: {  	s31 =	sshll.u32 s1, $0xD;
	s1 =	sshrl.u32 s1, $0x2  }
0xc7: {  	s4 =	sand.u32 $0x4000, s31;
	s1 =	sadd.s32 s1, s30  }
0xc8: {  	s0 =	sor.u32 s4, s0;
	s1 =	sshll.u32 s1, $0x11  }
0xc9: {  	s0 =	sor.u32 s1, s0  }
0xca: {  	s0 =	sadd.s32 $0x8F2B, s0  }
0xcb: {  	[sflag:s0] =	ssyncadd.remote.s32 $0x1  }
0xcc: {  	_ =	sfence.sel $0xFFFF  }
0xcd: {  	[dreg:$0x0] =	wrdreg $0xFFFFFFFF;
	(pc) =	sbr.abs _section_cstart, $3  }
0xce: {  	[dreg:$0x1] =	wrdreg $0xFFFFFFFF  }
0xcf: {  	_ =	task.clear_ibuf [dreg:s22], $0x2FFFF;
	_ =	strace $0x9FFFFFFF  }
0xd0: {  	(tm) =	ssettm $0x7FFFFFFF  }
0xd1: {  	_ =	shalt  }
tec
execute0_lowered:
.L_overlay_start_1:
0x0: {  	(tag) =	ssettag $0x1  }
0x1: {  	s0 =	srdreg.scid  }
0x2: {  	s8 =	stileid.u32;
	s1 =	rddreg [dreg:$0x0]  }
0x3: {  	s3 =	simm.s32 $0x0;
	s11 =	simm.s32 $0x80;
	s12 =	simm.s32 $0x1900  }
0x4: {  	s13 =	simm.s32 $0x3900;
	s14 =	simm.s32 $0x5900;
	s15 =	simm.s32 $0x1  }
0x5: {  	s16 =	simm.s32 $0x40;
	s17 =	simm.s32 $0x7900;
	s18 =	simm.s32 $0x2  }
0x6: {  	s19 =	simm.s32 $0x9900;
	s20 =	simm.s32 $0x3;
	s21 =	simm.s32 $0x6  }
0x7: {  	s22 =	simm.s32 $0x4;
	s23 =	simm.s32 $0x7;
	s24 =	simm.s32 $0x5  }
0x8: {  	s25 =	simm.s32 $0x8;
	s26 =	simm.s32 $0x9;
	s28 =	simm.s32 $0xA  }
0x9: {  	s0 =	sand.u32 $0x1, s0;
	s2 =	sshll.u32 s8, $0x1;
	s8 =	smul.u32 $0x32000, s8  }
0xa: {  	s2 =	sor.u32 s0, s2;
	s7 =	ssub.s32 $0x2, s0;
	s0 =	smul.u32 $0x19000, s0  }
0xb: {  	[smem:$0x7FF] =	sst s3;
	s3 =	sadd.s32 $0x7E00, s1;
	s5 =	smul.u32 $0x320, s2  }
.Ltmp0:
0xc: {  	_ =	strace $0x8000004D;
	s31 =	sshrl.u32 s7, $0x1;
	(pc) =	sbr.rel .LBB2_1-.Ltmp0, $4  }
0xd: {  	s0 =	sadd.s32 s0, s8;
	s6 =	sadd.s32 s5, s1;
	s5 =	sadd.s32 $0x659000, s1  }
0xe: {  	s1 =	ssub.s32 s7, s31;
	[dreg:$0x4] =	wrdreg s0;
	s6 =	sadd.s32 $0x652C00, s6  }
0xf: {  	s4 =	smul.u32 $0x1900, s2;
	s1 =	smax.u32 s1, $0x1;
	[dreg:$0x2] =	wrdreg s6  }
0x10: {  	s29 =	simm.s32 $0x0;
	s7 =	smul.u32 $0xC8000, s2;
	[dreg:$0x3] =	wrdreg s1  }
.LBB2_7:
0x11: {  	_ =	swait.ge [sflag:s26], $0x2000  }
0x12: {  	[sflag:s26] =	ssyncset.done $0x0  }
0x13: {  	[sflag:s26] =	ssyncadd.s32 $0xFFFFE000  }
0x14: {  	_ =	swait.ge [sflag:s28], $0x2000  }
0x15: {  	s29 =	sadd.s32 $0x1, s29;
	s0 =	rddreg [dreg:$0x3]  }
0x16: {  	p0 =	sne.s32 s29, s0  }
.Ltmp1:
0x17: {  	_ = 	snop;
	(pc) =	sbr.rel @!p0 .LBB2_8-.Ltmp1, $3  }
0x18: {  	_ =	sdelay $0x1  }
0x19: {  	[sflag:s28] =	ssyncset.done $0x0  }
0x1a: {  	[sflag:s28] =	ssyncadd.s32 $0xFFFFE000  }
.LBB2_1:
0x1b: {  	s0 =	simm.s32 $0x0  }
.Ltmp2:
0x1c: {  	s1 =	rddreg [dreg:$0x2];
	s30 =	simm.s32 $0xB;
	(pc) =	sbr.rel .LBB2_2-.Ltmp2, $4  }
0x1d: {  	[tilespmem:s0], [sflag:$0xB] =	stream.linear.gather [hbm4b:s1+s0], $0x1900, $0x38;
	[tilespmem:$0xB900] =	vst v63  }
0x1e: {  	s6 =	simm.s32 $0x2;
	_ =	swait.ge [sflag:s30], $0x1900  }
0x1f: {  	s9 =	simm.s32 $0x0;
	s2 =	simm.s32 $0x0;
	[sflag:s30] =	ssyncset.done $0x0  }
0x20: {  	s0 =	simm.s32 $0xA;
	s31 =	rddreg [dreg:$0x4];
	[sflag:s30] =	ssyncadd.s32 $0xFFFFE700  }
.LBB2_3:
0x21: {  	s1 =	simm.s32 $0x0  }
0x22: {  	[tilespmem:s12], [sflag:$0x1] =	stream.indirect.gather [hbm4b:s3+s11], $0x40, s1, s11, $0xb8;
	[tilespmem:$0xB900] =	vst v63  }
0x23: {  	s30 =	simm.s32 $0x2;
	s8 =	simm.s32 $0x1  }
0x24: {  	[tilespmem:s13], [sflag:$0x2] =	stream.indirect.gather [hbm4b:s3+s11], $0x40, s11, s11, $0xb8;
	[tilespmem:$0xB900] =	vst v63  }
.LBB2_6:
0x25: {  	s10 =	sshll.u32 s30, $0x7  }
0x26: {  	s10 =	sand.u32 $0x3FFFFF80, s10  }
0x27: {  	[tilespmem:s14], [sflag:$0x3] =	stream.indirect.gather [hbm4b:s3+s11], $0x40, s10, s11, $0xb8;
	[tilespmem:$0xB900] =	vst v63  }
0x28: {  	s1 =	sadd.s32 s4, s1;
	_ =	swait.ge [sflag:s15], $0x2000  }
0x29: {  	s1 =	sshll.u32 s1, $0x4;
	[sflag:s15] =	ssyncset.done $0x0  }
0x2a: {  	p0 =	seq.s32 s0, $0xA;
	s1 =	sadd.s32 s5, s1;
	[sflag:s15] =	ssyncadd.s32 $0xFFFFE000  }
0x2b: {  	[hbm4b:s1+s16] =	stream.strided.scatter [tilespmem:s12], [sflag:$0x6], $0x2000, s11, s16, $0x38;
	[tilespmem:$0xB900] =	vst v63  }
0x2c: {  	s1 =	simm.s32 @!p0 $0x9  }
0x2d: {  	_ =	swait.ge @!p0 [sflag:s1], $0x2000  }
0x2e: {  	[sflag:s1] =	ssyncset.done @!p0 $0x0  }
0x2f: {  	s8 =	sshll.u32 s8, $0xE;
	s10 =	sadd.s32 $0x180, s2;
	[sflag:s1] =	ssyncadd.s32 @!p0 $0xFFFFE000  }
0x30: {  	[tilespmem:s17], [sflag:$0x4] =	stream.indirect.gather [hbm4b:s3+s11], $0x40, s10, s11, $0xb8;
	[tilespmem:$0xB900] =	vst v63  }
0x31: {  	s1 =	sadd.s32 s7, s8;
	_ =	swait.ge [sflag:s18], $0x2000  }
0x32: {  	s1 =	sshrl.u32 s1, $0x3;
	[sflag:s18] =	ssyncset.done $0x0  }
0x33: {  	s1 =	sadd.s32 s5, s1;
	[sflag:s18] =	ssyncadd.s32 $0xFFFFE000  }
0x34: {  	[hbm4b:s1+s16] =	stream.strided.scatter [tilespmem:s13], [sflag:$0x7], $0x2000, s11, s16, $0x38;
	[tilespmem:$0xB900] =	vst v63  }
0x35: {  	s1 =	simm.s32 @!p0 $0xA  }
0x36: {  	_ =	swait.ge @!p0 [sflag:s1], $0x2000  }
0x37: {  	s30 =	sshll.u32 s30, $0xE;
	s0 =	sadd.s32 $0xFFFFFFFF, s0;
	[sflag:s1] =	ssyncset.done @!p0 $0x0  }
0x38: {  	s9 =	sadd.s32 $0x280, s9;
	s10 =	sadd.s32 $0x200, s2;
	[sflag:s1] =	ssyncadd.s32 @!p0 $0xFFFFE000  }
0x39: {  	[tilespmem:s19], [sflag:$0x5] =	stream.indirect.gather [hbm4b:s3+s11], $0x40, s10, s11, $0xb8;
	[tilespmem:$0xB900] =	vst v63  }
0x3a: {  	s31 =	sadd.s32 $0x2800, s31;
	s1 =	sadd.s32 s7, s30;
	_ =	swait.ge [sflag:s20], $0x2000  }
0x3b: {  	s6 =	sadd.s32 $0x5, s6;
	s1 =	sshrl.u32 s1, $0x3;
	[sflag:s20] =	ssyncset.done $0x0  }
0x3c: {  	s2 =	sadd.s32 $0x280, s2;
	s1 =	sadd.s32 s5, s1;
	[sflag:s20] =	ssyncadd.s32 $0xFFFFE000  }
0x3d: {  	[hbm4b:s1+s16] =	stream.strided.scatter [tilespmem:s14], [sflag:$0x8], $0x2000, s11, s16, $0x38;
	[tilespmem:$0xB900] =	vst v63  }
.LBB2_2:
0x3e: {  	p0 =	sne.s32 s0, $0xA  }
.Ltmp3:
0x3f: {  	_ = 	snop;
	(pc) =	sbr.rel @!p0 .LBB2_3-.Ltmp3, $1  }
0x40: {  	_ =	sdelay $0x3  }
0x41: {  	_ =	swait.ge [sflag:s21], $0x2000  }
0x42: {  	p0 =	seq.s32 s0, $0x0;
	[sflag:s21] =	ssyncset.done $0x0  }
0x43: {  	s1 =	simm.s32 @!p0 $0x80;
	s8 =	simm.s32 @!p0 $0x1900;
	[sflag:s21] =	ssyncadd.s32 $0xFFFFE000  }
0x44: {  	[tilespmem:s8], [sflag:$0x1] =	stream.indirect.gather @!p0 [hbm4b:s3+s1], $0x40, s2, s1, $0xb8;
	[tilespmem:$0xB900] =	vst v63  }
0x45: {  	s10 =	sadd.s32 $0x1FFFF000, s31;
	_ =	swait.ge [sflag:s22], $0x2000  }
0x46: {  	s8 =	sand.u32 $0x1FFFF800, s10;
	[sflag:s22] =	ssyncset.done $0x0  }
0x47: {  	s8 =	sadd.s32 s5, s8;
	[sflag:s22] =	ssyncadd.s32 $0xFFFFE000  }
0x48: {  	[hbm4b:s8+s16] =	stream.strided.scatter [tilespmem:s17], [sflag:$0x9], $0x2000, s11, s16, $0x38;
	[tilespmem:$0xB900] =	vst v63  }
0x49: {  	_ =	swait.ge [sflag:s23], $0x2000  }
0x4a: {  	[sflag:s23] =	ssyncset.done $0x0  }
0x4b: {  	s30 =	simm.s32 @!p0 $0x3900;
	s8 =	sadd.s32 @!p0 $0x80, s2;
	[sflag:s23] =	ssyncadd.s32 $0xFFFFE000  }
0x4c: {  	[tilespmem:s30], [sflag:$0x2] =	stream.indirect.gather @!p0 [hbm4b:s3+s1], $0x40, s8, s1, $0xb8;
	[tilespmem:$0xB900] =	vst v63  }
0x4d: {  	s30 =	sadd.s32 $0x1FFFF800, s31;
	_ =	swait.ge [sflag:s24], $0x2000  }
0x4e: {  	s1 =	sand.u32 $0x1FFFF800, s30;
	[sflag:s24] =	ssyncset.done $0x0  }
.Ltmp4:
0x4f: {  	s1 =	sadd.s32 s5, s1;
	[sflag:s24] =	ssyncadd.s32 $0xFFFFE000;
	(pc) =	sbr.rel @p0 .LBB2_7-.Ltmp4, $4  }
0x50: {  	[hbm4b:s1+s16] =	stream.strided.scatter [tilespmem:s19], [sflag:$0xA], $0x2000, s11, s16, $0x38;
	[tilespmem:$0xB900] =	vst v63  }
0x51: {  	_ =	swait.ge [sflag:s25], $0x2000  }
0x52: {  	[sflag:s25] =	ssyncset.done $0x0  }
0x53: {  	[sflag:s25] =	ssyncadd.s32 $0xFFFFE000  }
.Ltmp5:
0x54: {  	(pc) =	sbr.rel .LBB2_6-.Ltmp5, $2  }
0x55: {  	_ =	sdelay $0x2  }
0x56: {  	s8 =	sadd.s32 $0xFFFFFFFF, s6;
	s1 =	smov.u32 s9;
	s30 =	smov.u32 s6  }
.LBB2_8:
0x57: {  	_ =	sfence.sel $0x180000  }
0x58: {  	[bflag:$0x0] =	sbarrier.arrive $0xFFFF  }
0x59: {  	_ =	strace $0x9000004D  }
0x5a: {  	s0 =	stileid.u32;
	[bflag:$0x2] =	sbarrier.arrive $0xFFFF  }
0x5b: {  	p0 =	sne.s32 s0, $0x0;
	s0 =	rddreg [dreg:$0x1]  }
0x5c: {  	s0 =	sadd.s32 @!p0 $0x100000, s0  }
0x5d: {  	[sflag:s0] =	ssyncadd.tile.s32 @!p0 $0x1;
	_ =	shalt  }
.Lfunc_end2:
_tile_overlayer_lowered:
.L_overlay_start_2:
0x5e: {  	(tag) =	ssettag $0x2  }
0x5f: {  	s0 =	rddreg [dreg:$0x0];
	s2 =	stileid.u32  }
0x60: {  	s1 =	rddreg [dreg:$0x1];
	p0 =	sne.s32 s2, $0x0  }
0x61: {  	s3 =	rddreg [dreg:$0x2];
	[bflag:$0x3] =	sbarrier.arrive $0xFFFF;
	s2 =	simm.s32 @!p0 $0x1C0B  }
0x62: {  	[timem:s3], [sflag:s2] =	dma.local @!p0 [hbm:s0], s1  }
0x63: {  	s0 =	simm.s32 @!p0 $0xB  }
0x64: {  	_ =	swait.ge @!p0 [sflag:s0], s1  }
0x65: {  	s1 =	ssub.s32 @!p0 $0x0, s1;
	[sflag:s0] =	ssyncset.done @!p0 $0x0  }
0x66: {  	[sflag:s0] =	ssyncadd.s32 @!p0 s1  }
0x67: {  	[bflag:$0x3] =	sbarrier.arrive $0xFFFF  }
0x68: {  	_ =	shalt  }

// kernel: kernel.24.cloned.1.call-start
scs
__scs_entry_jumppad:
0x0: {  	(pc) =	sbr.rel $0x88, $3  }
0x1: {  	(tag) =	ssettag $0x0;
	lr =	simm.s32 $0x1  }
0x2: {  	[smem:$0x3F9D] =	sst lr;
	_ =	strace $0xD0000000  }
0x3: {  	_ = 	snop  }
0x4: {  	_ = 	snop  }
0x5: {  	_ = 	snop  }
0x6: {  	_ = 	snop  }
0x7: {  	_ = 	snop  }
__scs_overlays_trampoline_lowered:
0x8: {  	[smem:$0x3FAC] =	sst s0  }
0x9: {  	[smem:$0x3FAD] =	sst s1  }
0xa: {  	[smem:$0x3FAE] =	sst s2  }
0xb: {  	[smem:$0x3FAF] =	sst s3  }
0xc: {  	[smem:$0x3FB0] =	sst s4  }
0xd: {  	[smem:$0x3FB1] =	sst s5  }
0xe: {  	[smem:$0x3FB2] =	sst s6  }
0xf: {  	[smem:$0x3FB3] =	sst s7  }
0x10: {  	[smem:$0x3FB4] =	sst s8  }
0x11: {  	[smem:$0x3FB5] =	sst s9;
	s0 =	simm.s32 @!p0 $0x0  }
0x12: {  	s1 =	sld [smem:$0x3F9B];
	s0 =	simm.s32 @p0 $0x1  }
0x13: {  	[smem:$0x3FB6] =	sst s0;
	s0 =	simm.s32 @!p1 $0x0  }
0x14: {  	s2 =	sld [smem:$0x3F9A];
	s0 =	simm.s32 @p1 $0x1  }
0x15: {  	[smem:$0x3FB7] =	sst s0;
	s0 =	simm.s32 @!p2 $0x0  }
0x16: {  	s3 =	sld [smem:$0x3FDB];
	s0 =	simm.s32 @p2 $0x1  }
0x17: {  	s4 =	simm.s32 $0x1BF5;
	[smem:$0x3FB9] =	sst s0  }
0x18: {  	s0 =	sld [smem:$0x3F9C];
	_ =	swait.ge [sflag:s4], $0x0  }
0x19: {  	s7 =	sld [smem:$0x3F9D]  }
0x1a: {  	s8 =	sadd.s32 $0xFFFFE003, lr  }
0x1b: {  	s9 =	sadd.s32 $0xFFFFFEF7, lr;
	s5 =	simm.s32 $0xFFFFFFFF;
	p2 =	slt.u32 s8, $0xFFFFF086  }
0x1c: {  	p1 =	slt.u32 s9, $0xF7A;
	s5 =	simm.s32 @!p2 $0x0  }
0x1d: {  	s5 =	simm.s32 @p1 $0x1;
	p0 =	seq.s32 s7, s2  }
0x1e: {  	s7 =	smul.u32 @!p0 $0xF7A, s2;
	p2 =	seq.s32 @!p0 s5, $0x0  }
0x1f: {  	s9 =	smul.u32 $0xF7A, s1;
	s8 =	simm.s32 @!p0 $0x1BF5;
	p2 =	por !p2, p0  }
0x20: {  	[sflag:s8] =	ssyncset.s32 @!p0 $0xFFFFF086;
	s6 =	sadd.s32 @!p0 s3, s7;
	s7 =	simm.s32 @!p0 $0x108  }
0x21: {  	s3 =	sadd.s32 s3, s9;
	s6 =	sadd.s32 @!p0 $0x88, s6;
	s7 =	simm.s32 @p2 $0x1082  }
0x22: {  	[simem:s7], [sflag:s8] =	dma.local @!p0 [hbm:s6], $0xF7A  }
0x23: {  	s9 =	sor.u32 $0xD0000000, s2;
	s6 =	simm.s32 $0x108;
	_ =	swait.ge @!p0 [sflag:s8], $0x0  }
0x24: {  	s3 =	sadd.s32 $0x88, s3;
	s6 =	simm.s32 @!p1 $0x1082;
	[sflag:s4] =	ssyncset.s32 $0xFFFFF086  }
0x25: {  	[simem:s6], [sflag:s4] =	dma.local [hbm:s3], $0xF7A  }
0x26: {  	[smem:$0x3F9D] =	sst s1;
	(tag) =	ssettag s2;
	_ =	strace s9  }
0x27: {  	s1 =	sld [smem:$0x3FAD]  }
0x28: {  	s2 =	sld [smem:$0x3FAE]  }
0x29: {  	s4 =	sld [smem:$0x3FB0]  }
0x2a: {  	p0 =	seq.s32 s5, $0x0;
	s5 =	sld [smem:$0x3FB1]  }
0x2b: {  	s6 =	sld [smem:$0x3FB2]  }
0x2c: {  	s7 =	sld [smem:$0x3FB3]  }
0x2d: {  	s3 =	simm.s32 $0x108;
	s8 =	sld [smem:$0x3FB4]  }
0x2e: {  	s3 =	simm.s32 @!p0 $0x1082;
	s9 =	sld [smem:$0x3FB5]  }
0x2f: {  	lr =	sadd.s32 s0, s3;
	s0 =	sld [smem:$0x3FAC]  }
0x30: {  	s3 =	sld [smem:$0x3FAF]  }
0x31: {  	[smem:$0x3FB8] =	sst s10  }
0x32: {  	s10 =	sld [smem:$0x3FB6];
	_ =	sdelay $0x3  }
0x33: {  	p0 =	seq.s32 s10, $0x1;
	s10 =	sld [smem:$0x3FB8];
	_ =	sdelay $0x3  }
0x34: {  	[smem:$0x3FB8] =	sst s10  }
0x35: {  	s10 =	sld [smem:$0x3FB7];
	_ =	sdelay $0x3  }
0x36: {  	p1 =	seq.s32 s10, $0x1;
	s10 =	sld [smem:$0x3FB8];
	_ =	sdelay $0x3  }
0x37: {  	[smem:$0x3FB8] =	sst s10  }
0x38: {  	s10 =	sld [smem:$0x3FB9]  }
0x39: {  	_ = 	snop;
	(pc) =	sbr.ind lr, $3  }
0x3a: {  	_ = 	snop  }
0x3b: {  	_ = 	snop  }
0x3c: {  	p2 =	seq.s32 s10, $0x1;
	s10 =	sld [smem:$0x3FB8]  }
0x3d: {  	_ =	shalt  }
0x3e: {  	_ =	shalt  }
0x3f: {  	_ =	shalt  }
0x40: {  	_ =	shalt  }
0x41: {  	_ =	shalt  }
0x42: {  	_ =	shalt  }
0x43: {  	_ =	shalt  }
0x44: {  	_ =	shalt  }
0x45: {  	_ =	shalt  }
0x46: {  	_ =	shalt  }
0x47: {  	_ =	shalt  }
0x48: {  	_ =	shalt  }
0x49: {  	_ =	shalt  }
0x4a: {  	_ =	shalt  }
0x4b: {  	_ =	shalt  }
0x4c: {  	_ =	shalt  }
0x4d: {  	_ =	shalt  }
0x4e: {  	_ =	shalt  }
0x4f: {  	_ =	shalt  }
0x50: {  	_ =	shalt  }
0x51: {  	_ =	shalt  }
0x52: {  	_ =	shalt  }
0x53: {  	_ =	shalt  }
0x54: {  	_ =	shalt  }
0x55: {  	_ =	shalt  }
0x56: {  	_ =	shalt  }
0x57: {  	_ =	shalt  }
0x58: {  	_ =	shalt  }
0x59: {  	_ =	shalt  }
0x5a: {  	_ =	shalt  }
0x5b: {  	_ =	shalt  }
0x5c: {  	_ =	shalt  }
0x5d: {  	_ =	shalt  }
0x5e: {  	_ =	shalt  }
0x5f: {  	_ =	shalt  }
0x60: {  	_ =	shalt  }
0x61: {  	_ =	shalt  }
0x62: {  	_ =	shalt  }
0x63: {  	_ =	shalt  }
0x64: {  	_ =	shalt  }
0x65: {  	_ =	shalt  }
0x66: {  	_ =	shalt  }
0x67: {  	_ =	shalt  }
0x68: {  	_ =	shalt  }
0x69: {  	_ =	shalt  }
0x6a: {  	_ =	shalt  }
0x6b: {  	_ =	shalt  }
0x6c: {  	_ =	shalt  }
0x6d: {  	_ =	shalt  }
0x6e: {  	_ =	shalt  }
0x6f: {  	_ =	shalt  }
0x70: {  	_ =	shalt  }
0x71: {  	_ =	shalt  }
0x72: {  	_ =	shalt  }
0x73: {  	_ =	shalt  }
0x74: {  	_ =	shalt  }
0x75: {  	_ =	shalt  }
0x76: {  	_ =	shalt  }
0x77: {  	_ =	shalt  }
0x78: {  	_ =	shalt  }
0x79: {  	_ =	shalt  }
0x7a: {  	_ =	shalt  }
0x7b: {  	_ =	shalt  }
0x7c: {  	_ =	shalt  }
0x7d: {  	_ =	shalt  }
0x7e: {  	_ =	shalt  }
0x7f: {  	_ =	shalt  }
0x80: {  	_ =	shalt  }
0x81: {  	_ =	shalt  }
0x82: {  	_ =	shalt  }
0x83: {  	_ =	shalt  }
0x84: {  	_ =	shalt  }
0x85: {  	_ =	shalt  }
0x86: {  	_ =	shalt  }
0x87: {  	_ =	shalt  }
.Lfunc_end0:
.L_simem_size_0:
called_computation.3_lowered:
.L_overlay_start_0:
0x88: {  	s2 =	sld [smem:$0x3FD9]  }
0x89: {  	s3 =	sld [smem:$0x3FFE];
	_ =	sdelay $0x1  }
0x8a: {  	s1 =	srdreg.scid  }
0x8b: {  	s0 =	sand.u32 $0x1, s1  }
0x8c: {  	s17 =	sshll.u32 s0, $0xA;
	s2 =	sadd.s32 s3, s2  }
0x8d: {  	s2 =	sadd.s32 s2, s17  }
0x8e: {  	[smem:$0x3FC4] =	sst s2  }
0x8f: {  	_ = 	snop  }
0x90: {  	(tm) =	ssettm $0x1  }
0x91: {  	s18 =	sld [smem:$0x3FFB];
	_ =	sdelay $0x3  }
0x92: {  	_ =	strace s18  }
0x93: {  	s2 =	sld [smem:$0x3FFC];
	_ =	sdelay $0x3  }
0x94: {  	_ =	strace s2  }
0x95: {  	s2 =	sld [smem:$0x3FFD];
	_ =	sdelay $0x3  }
0x96: {  	_ =	strace s2  }
0x97: {  	_ =	strace $0x8FFFFFFF  }
0x98: {  	s19 =	sld [smem:$0x3FDB];
	_ =	sdelay $0x1  }
0x99: {  	s20 =	simm.s32 $_scs_section_size  }
0x9a: {  	s4 =	simm.s32 $_size__tile_overlayer_lowered;
	s5 =	simm.s32 $_tile_overlayer_lowered  }
0x9b: {  	s6 =	simm.s32 $0x1BFF;
	s21 =	sshll.u32 s5, $0x1;
	s3 =	sadd.s32 s20, s19  }
0x9c: {  	s22 =	simm.s32 $0x0;
	s4 =	sshll.u32 s4, $0x1;
	s5 =	sadd.s32 s21, s3  }
0x9d: {  	[timem:s22], [sflag:s6] =	dma.local [hbm:s5], s4  }
0x9e: {  	_ =	swait.ge [sflag:s6], s4  }
0x9f: {  	s4 =	ssub.s32 $0x0, s4;
	[sflag:s6] =	ssyncset.done $0x0  }
0xa0: {  	[sflag:s6] =	ssyncadd.s32 s4;
	_ =	sdelay $0x1  }
0xa1: {  	s23 =	simm.s32 $0x1B8B  }
0xa2: {  	_ =	swait.ge [sflag:s23], $0x1  }
0xa3: {  	[sflag:s23] =	ssyncset.done $0x0  }
0xa4: {  	[sflag:s23] =	ssyncadd.s32 $0xFFFFFFFF  }
0xa5: {  	s4 =	sld [smem:$0x0]  }
0xa6: {  	s5 =	sand.u32 $0xFFFFFFFE, s1  }
0xa7: {  	p0 =	sne.s32 s1, s5  }
0xa8: {  	s5 =	sshll.u32 @p0 s5, $0xE  }
0xa9: {  	s5 =	sadd.s32 @p0 $0x11B8D, s5;
	s6 =	sshll.u32 @p0 s4, $0x11  }
0xaa: {  	s5 =	sor.u32 @p0 s6, s5  }
0xab: {  	[sflag:s5] =	ssyncadd.remote.s32 @p0 $0x1;
	_ =	sdelay $0x1  }
0xac: {  	s5 =	simm.s32 @p0 $0x1B8D  }
0xad: {  	_ =	swait.eq @p0 [sflag:s5], $0x1  }
0xae: {  	[sflag:s5] =	ssyncadd.s32 @p0 $0xFFFFFFFF  }
0xaf: {  	s6 =	sshll.u32 @!p0 s1, $0xE  }
0xb0: {  	s6 =	sor.u32 @!p0 $0x4000, s6;
	s5 =	simm.s32 @!p0 $0x1B8D  }
0xb1: {  	s4 =	sshll.u32 @!p0 s4, $0x11;
	s6 =	sadd.s32 @!p0 $0x11B8D, s6;
	_ =	swait.eq @!p0 [sflag:s5], $0x1  }
0xb2: {  	s4 =	sor.u32 @!p0 s4, s6;
	[sflag:s5] =	ssyncadd.s32 @!p0 $0xFFFFFFFF  }
0xb3: {  	s25 =	simm.s32 $0x1B8E;
	s24 =	sld [smem:$0x3FFE];
	[sflag:s4] =	ssyncadd.remote.s32 @!p0 $0x1  }
0xb4: {  	s26 =	simm.s32 $execute0_lowered;
	[smem:$0x3FD2] =	sst s25  }
0xb5: {  	s5 =	sshll.u32 s26, $0x1;
	_ =	strace $0x8000004F;
	[dreg:$0x1] =	wrdreg $0xFFFFFFFF  }
0xb6: {  	s28 =	simm.s32 $_size_execute0_lowered;
	s3 =	sadd.s32 s3, s5;
	[dreg:$0x0] =	wrdreg $0x0  }
0xb7: {  	s5 =	sshll.u32 s28, $0x1;
	[dreg:$0x2] =	wrdreg s3  }
0xb8: {  	[dreg:$0x3] =	wrdreg s5  }
0xb9: {  	[dreg:$0x4] =	wrdreg $0xC0  }
0xba: {  	_ =	task [dreg:s22], $0x5FFFF  }
0xbb: {  	[dreg:$0x1] =	wrdreg $0xFFFFFFFF  }
0xbc: {  	[dreg:$0x0] =	wrdreg $0x60  }
0xbd: {  	[dreg:$0x2] =	wrdreg s24  }
0xbe: {  	[dreg:$0x3] =	wrdreg $0xC  }
0xbf: {  	_ =	task.clear_ibuf [dreg:s22], $0x4FFFF;
	_ =	strace $0x9000004F  }
0xc0: {  	s29 =	simm.s32 $0xC;
	_ =	strace $0x80000051  }
0xc1: {  	_ =	swait.ge [sflag:s29], $0x1  }
0xc2: {  	[sflag:s29] =	ssyncadd.s32 $0xFFFFFFFF  }
0xc3: {  	_ =	strace $0x90000051  }
0xc4: {  	_ =	sfence  }
0xc5: {  	s30 =	sld [smem:$0x0];
	_ =	sdelay $0x2  }
0xc6: {  	s31 =	sshll.u32 s1, $0xD;
	s1 =	sshrl.u32 s1, $0x2  }
0xc7: {  	s4 =	sand.u32 $0x4000, s31;
	s1 =	sadd.s32 s1, s30  }
0xc8: {  	s0 =	sor.u32 s4, s0;
	s1 =	sshll.u32 s1, $0x11  }
0xc9: {  	s0 =	sor.u32 s1, s0  }
0xca: {  	s0 =	sadd.s32 $0x8F2B, s0  }
0xcb: {  	[sflag:s0] =	ssyncadd.remote.s32 $0x1  }
0xcc: {  	_ =	sfence.sel $0xFFFF  }
0xcd: {  	[dreg:$0x0] =	wrdreg $0xFFFFFFFF;
	(pc) =	sbr.abs _section_cstart, $3  }
0xce: {  	[dreg:$0x1] =	wrdreg $0xFFFFFFFF  }
0xcf: {  	_ =	task.clear_ibuf [dreg:s22], $0x2FFFF;
	_ =	strace $0x9FFFFFFF  }
0xd0: {  	(tm) =	ssettm $0x7FFFFFFF  }
0xd1: {  	_ =	shalt  }
tec
execute0_lowered:
.L_overlay_start_1:
0x0: {  	(tag) =	ssettag $0x1  }
0x1: {  	s0 =	srdreg.scid  }
0x2: {  	s8 =	stileid.u32;
	s1 =	rddreg [dreg:$0x0]  }
0x3: {  	s3 =	simm.s32 $0x0;
	s11 =	simm.s32 $0x80;
	s12 =	simm.s32 $0x1900  }
0x4: {  	s13 =	simm.s32 $0x3900;
	s14 =	simm.s32 $0x5900;
	s15 =	simm.s32 $0x1  }
0x5: {  	s16 =	simm.s32 $0x40;
	s17 =	simm.s32 $0x7900;
	s18 =	simm.s32 $0x2  }
0x6: {  	s19 =	simm.s32 $0x9900;
	s20 =	simm.s32 $0x3;
	s21 =	simm.s32 $0x6  }
0x7: {  	s22 =	simm.s32 $0x4;
	s23 =	simm.s32 $0x7;
	s24 =	simm.s32 $0x5  }
0x8: {  	s25 =	simm.s32 $0x8;
	s26 =	simm.s32 $0x9;
	s28 =	simm.s32 $0xA  }
0x9: {  	s0 =	sand.u32 $0x1, s0;
	s2 =	sshll.u32 s8, $0x1;
	s8 =	smul.u32 $0x32000, s8  }
0xa: {  	s2 =	sor.u32 s0, s2;
	s7 =	ssub.s32 $0x2, s0;
	s0 =	smul.u32 $0x19000, s0  }
0xb: {  	[smem:$0x7FF] =	sst s3;
	s3 =	sadd.s32 $0x7E00, s1;
	s5 =	smul.u32 $0x320, s2  }
.Ltmp0:
0xc: {  	_ =	strace $0x80000050;
	s31 =	sshrl.u32 s7, $0x1;
	(pc) =	sbr.rel .LBB2_1-.Ltmp0, $4  }
0xd: {  	s0 =	sadd.s32 s0, s8;
	s6 =	sadd.s32 s5, s1;
	s5 =	sadd.s32 $0x97F400, s1  }
0xe: {  	s1 =	ssub.s32 s7, s31;
	[dreg:$0x4] =	wrdreg s0;
	s6 =	sadd.s32 $0x979000, s6  }
0xf: {  	s4 =	smul.u32 $0x1900, s2;
	s1 =	smax.u32 s1, $0x1;
	[dreg:$0x2] =	wrdreg s6  }
0x10: {  	s29 =	simm.s32 $0x0;
	s7 =	smul.u32 $0xC8000, s2;
	[dreg:$0x3] =	wrdreg s1  }
.LBB2_7:
0x11: {  	_ =	swait.ge [sflag:s26], $0x2000  }
0x12: {  	[sflag:s26] =	ssyncset.done $0x0  }
0x13: {  	[sflag:s26] =	ssyncadd.s32 $0xFFFFE000  }
0x14: {  	_ =	swait.ge [sflag:s28], $0x2000  }
0x15: {  	s29 =	sadd.s32 $0x1, s29;
	s0 =	rddreg [dreg:$0x3]  }
0x16: {  	p0 =	sne.s32 s29, s0  }
.Ltmp1:
0x17: {  	_ = 	snop;
	(pc) =	sbr.rel @!p0 .LBB2_8-.Ltmp1, $3  }
0x18: {  	_ =	sdelay $0x1  }
0x19: {  	[sflag:s28] =	ssyncset.done $0x0  }
0x1a: {  	[sflag:s28] =	ssyncadd.s32 $0xFFFFE000  }
.LBB2_1:
0x1b: {  	s0 =	simm.s32 $0x0  }
.Ltmp2:
0x1c: {  	s1 =	rddreg [dreg:$0x2];
	s30 =	simm.s32 $0xB;
	(pc) =	sbr.rel .LBB2_2-.Ltmp2, $4  }
0x1d: {  	[tilespmem:s0], [sflag:$0xB] =	stream.linear.gather [hbm4b:s1+s0], $0x1900, $0x38;
	[tilespmem:$0xB900] =	vst v63  }
0x1e: {  	s6 =	simm.s32 $0x2;
	_ =	swait.ge [sflag:s30], $0x1900  }
0x1f: {  	s9 =	simm.s32 $0x0;
	s2 =	simm.s32 $0x0;
	[sflag:s30] =	ssyncset.done $0x0  }
0x20: {  	s0 =	simm.s32 $0xA;
	s31 =	rddreg [dreg:$0x4];
	[sflag:s30] =	ssyncadd.s32 $0xFFFFE700  }
.LBB2_3:
0x21: {  	s1 =	simm.s32 $0x0  }
0x22: {  	[tilespmem:s12], [sflag:$0x1] =	stream.indirect.gather [hbm4b:s3+s11], $0x40, s1, s11, $0xb8;
	[tilespmem:$0xB900] =	vst v63  }
0x23: {  	s30 =	simm.s32 $0x2;
	s8 =	simm.s32 $0x1  }
0x24: {  	[tilespmem:s13], [sflag:$0x2] =	stream.indirect.gather [hbm4b:s3+s11], $0x40, s11, s11, $0xb8;
	[tilespmem:$0xB900] =	vst v63  }
.LBB2_6:
0x25: {  	s10 =	sshll.u32 s30, $0x7  }
0x26: {  	s10 =	sand.u32 $0x3FFFFF80, s10  }
0x27: {  	[tilespmem:s14], [sflag:$0x3] =	stream.indirect.gather [hbm4b:s3+s11], $0x40, s10, s11, $0xb8;
	[tilespmem:$0xB900] =	vst v63  }
0x28: {  	s1 =	sadd.s32 s4, s1;
	_ =	swait.ge [sflag:s15], $0x2000  }
0x29: {  	s1 =	sshll.u32 s1, $0x4;
	[sflag:s15] =	ssyncset.done $0x0  }
0x2a: {  	p0 =	seq.s32 s0, $0xA;
	s1 =	sadd.s32 s5, s1;
	[sflag:s15] =	ssyncadd.s32 $0xFFFFE000  }
0x2b: {  	[hbm4b:s1+s16] =	stream.strided.scatter [tilespmem:s12], [sflag:$0x6], $0x2000, s11, s16, $0x38;
	[tilespmem:$0xB900] =	vst v63  }
0x2c: {  	s1 =	simm.s32 @!p0 $0x9  }
0x2d: {  	_ =	swait.ge @!p0 [sflag:s1], $0x2000  }
0x2e: {  	[sflag:s1] =	ssyncset.done @!p0 $0x0  }
0x2f: {  	s8 =	sshll.u32 s8, $0xE;
	s10 =	sadd.s32 $0x180, s2;
	[sflag:s1] =	ssyncadd.s32 @!p0 $0xFFFFE000  }
0x30: {  	[tilespmem:s17], [sflag:$0x4] =	stream.indirect.gather [hbm4b:s3+s11], $0x40, s10, s11, $0xb8;
	[tilespmem:$0xB900] =	vst v63  }
0x31: {  	s1 =	sadd.s32 s7, s8;
	_ =	swait.ge [sflag:s18], $0x2000  }
0x32: {  	s1 =	sshrl.u32 s1, $0x3;
	[sflag:s18] =	ssyncset.done $0x0  }
0x33: {  	s1 =	sadd.s32 s5, s1;
	[sflag:s18] =	ssyncadd.s32 $0xFFFFE000  }
0x34: {  	[hbm4b:s1+s16] =	stream.strided.scatter [tilespmem:s13], [sflag:$0x7], $0x2000, s11, s16, $0x38;
	[tilespmem:$0xB900] =	vst v63  }
0x35: {  	s1 =	simm.s32 @!p0 $0xA  }
0x36: {  	_ =	swait.ge @!p0 [sflag:s1], $0x2000  }
0x37: {  	s30 =	sshll.u32 s30, $0xE;
	s0 =	sadd.s32 $0xFFFFFFFF, s0;
	[sflag:s1] =	ssyncset.done @!p0 $0x0  }
0x38: {  	s9 =	sadd.s32 $0x280, s9;
	s10 =	sadd.s32 $0x200, s2;
	[sflag:s1] =	ssyncadd.s32 @!p0 $0xFFFFE000  }
0x39: {  	[tilespmem:s19], [sflag:$0x5] =	stream.indirect.gather [hbm4b:s3+s11], $0x40, s10, s11, $0xb8;
	[tilespmem:$0xB900] =	vst v63  }
0x3a: {  	s31 =	sadd.s32 $0x2800, s31;
	s1 =	sadd.s32 s7, s30;
	_ =	swait.ge [sflag:s20], $0x2000  }
0x3b: {  	s6 =	sadd.s32 $0x5, s6;
	s1 =	sshrl.u32 s1, $0x3;
	[sflag:s20] =	ssyncset.done $0x0  }
0x3c: {  	s2 =	sadd.s32 $0x280, s2;
	s1 =	sadd.s32 s5, s1;
	[sflag:s20] =	ssyncadd.s32 $0xFFFFE000  }
0x3d: {  	[hbm4b:s1+s16] =	stream.strided.scatter [tilespmem:s14], [sflag:$0x8], $0x2000, s11, s16, $0x38;
	[tilespmem:$0xB900] =	vst v63  }
.LBB2_2:
0x3e: {  	p0 =	sne.s32 s0, $0xA  }
.Ltmp3:
0x3f: {  	_ = 	snop;
	(pc) =	sbr.rel @!p0 .LBB2_3-.Ltmp3, $1  }
0x40: {  	_ =	sdelay $0x3  }
0x41: {  	_ =	swait.ge [sflag:s21], $0x2000  }
0x42: {  	p0 =	seq.s32 s0, $0x0;
	[sflag:s21] =	ssyncset.done $0x0  }
0x43: {  	s1 =	simm.s32 @!p0 $0x80;
	s8 =	simm.s32 @!p0 $0x1900;
	[sflag:s21] =	ssyncadd.s32 $0xFFFFE000  }
0x44: {  	[tilespmem:s8], [sflag:$0x1] =	stream.indirect.gather @!p0 [hbm4b:s3+s1], $0x40, s2, s1, $0xb8;
	[tilespmem:$0xB900] =	vst v63  }
0x45: {  	s10 =	sadd.s32 $0x1FFFF000, s31;
	_ =	swait.ge [sflag:s22], $0x2000  }
0x46: {  	s8 =	sand.u32 $0x1FFFF800, s10;
	[sflag:s22] =	ssyncset.done $0x0  }
0x47: {  	s8 =	sadd.s32 s5, s8;
	[sflag:s22] =	ssyncadd.s32 $0xFFFFE000  }
0x48: {  	[hbm4b:s8+s16] =	stream.strided.scatter [tilespmem:s17], [sflag:$0x9], $0x2000, s11, s16, $0x38;
	[tilespmem:$0xB900] =	vst v63  }
0x49: {  	_ =	swait.ge [sflag:s23], $0x2000  }
0x4a: {  	[sflag:s23] =	ssyncset.done $0x0  }
0x4b: {  	s30 =	simm.s32 @!p0 $0x3900;
	s8 =	sadd.s32 @!p0 $0x80, s2;
	[sflag:s23] =	ssyncadd.s32 $0xFFFFE000  }
0x4c: {  	[tilespmem:s30], [sflag:$0x2] =	stream.indirect.gather @!p0 [hbm4b:s3+s1], $0x40, s8, s1, $0xb8;
	[tilespmem:$0xB900] =	vst v63  }
0x4d: {  	s30 =	sadd.s32 $0x1FFFF800, s31;
	_ =	swait.ge [sflag:s24], $0x2000  }
0x4e: {  	s1 =	sand.u32 $0x1FFFF800, s30;
	[sflag:s24] =	ssyncset.done $0x0  }
.Ltmp4:
0x4f: {  	s1 =	sadd.s32 s5, s1;
	[sflag:s24] =	ssyncadd.s32 $0xFFFFE000;
	(pc) =	sbr.rel @p0 .LBB2_7-.Ltmp4, $4  }
0x50: {  	[hbm4b:s1+s16] =	stream.strided.scatter [tilespmem:s19], [sflag:$0xA], $0x2000, s11, s16, $0x38;
	[tilespmem:$0xB900] =	vst v63  }
0x51: {  	_ =	swait.ge [sflag:s25], $0x2000  }
0x52: {  	[sflag:s25] =	ssyncset.done $0x0  }
0x53: {  	[sflag:s25] =	ssyncadd.s32 $0xFFFFE000  }
.Ltmp5:
0x54: {  	(pc) =	sbr.rel .LBB2_6-.Ltmp5, $2  }
0x55: {  	_ =	sdelay $0x2  }
0x56: {  	s8 =	sadd.s32 $0xFFFFFFFF, s6;
	s1 =	smov.u32 s9;
	s30 =	smov.u32 s6  }
.LBB2_8:
0x57: {  	_ =	sfence.sel $0x180000  }
0x58: {  	[bflag:$0x0] =	sbarrier.arrive $0xFFFF  }
0x59: {  	_ =	strace $0x90000050  }
0x5a: {  	s0 =	stileid.u32;
	[bflag:$0x2] =	sbarrier.arrive $0xFFFF  }
0x5b: {  	p0 =	sne.s32 s0, $0x0;
	s0 =	rddreg [dreg:$0x1]  }
0x5c: {  	s0 =	sadd.s32 @!p0 $0x100000, s0  }
0x5d: {  	[sflag:s0] =	ssyncadd.tile.s32 @!p0 $0x1;
	_ =	shalt  }
.Lfunc_end2:
_tile_overlayer_lowered:
.L_overlay_start_2:
0x5e: {  	(tag) =	ssettag $0x2  }
0x5f: {  	s0 =	rddreg [dreg:$0x0];
	s2 =	stileid.u32  }
0x60: {  	s1 =	rddreg [dreg:$0x1];
	p0 =	sne.s32 s2, $0x0  }
0x61: {  	s3 =	rddreg [dreg:$0x2];
	[bflag:$0x3] =	sbarrier.arrive $0xFFFF;
	s2 =	simm.s32 @!p0 $0x1C0B  }
0x62: {  	[timem:s3], [sflag:s2] =	dma.local @!p0 [hbm:s0], s1  }
0x63: {  	s0 =	simm.s32 @!p0 $0xB  }
0x64: {  	_ =	swait.ge @!p0 [sflag:s0], s1  }
0x65: {  	s1 =	ssub.s32 @!p0 $0x0, s1;
	[sflag:s0] =	ssyncset.done @!p0 $0x0  }
0x66: {  	[sflag:s0] =	ssyncadd.s32 @!p0 s1  }
0x67: {  	[bflag:$0x3] =	sbarrier.arrive $0xFFFF  }
0x68: {  	_ =	shalt  }

</sc_bundles>
